<compile_context>
chip_gen: v7x
topology: tpu7x:2x2x1
jax: 0.10.2.dev20260603
libtpu: 0.0.44.dev20260713+nightly
codegen_flags: <defaults>
</compile_context>

<pallas_src>
import functools

import jax
import jax.numpy as jnp
from jax import lax
from jax.experimental import pallas as pl
from jax.experimental.pallas import tpu as pltpu
from jax.experimental.pallas import tpu_sc as plsc

_VOCAB = 4096
_NW = 32
_ROWS_PER_W = 8192 // _NW
_C = 16
_NCH = _ROWS_PER_W // _C
_L = 16
_VB = 512

_mesh = plsc.VectorSubcoreMesh(core_axis_name="c", subcore_axis_name="s")
_sc_params = pltpu.CompilerParams(needs_layout_passes=False)


_SIZES = [16, 8] * 10 + [16]
_STARTS = [sum(_SIZES[:k]) for k in range(len(_SIZES))]
_NRAG = len(_SIZES)


@functools.partial(
    pl.kernel,
    mesh=_mesh,
    compiler_params=_sc_params,
    out_type=[
        jax.ShapeDtypeStruct((8192, _VOCAB), jnp.float32),
        jax.ShapeDtypeStruct((_NW, _L), jnp.float32),
    ],
    scratch_types=[
        pltpu.VMEM((_ROWS_PER_W,), jnp.int32),
        pltpu.VMEM((_ROWS_PER_W,), jnp.int32),
        pltpu.VMEM((16, _VOCAB), jnp.float32),
        pltpu.VMEM((8, _VOCAB), jnp.float32),
        pltpu.VMEM((_L,), jnp.float32),
        pltpu.SemaphoreType.DMA,
        pltpu.SemaphoreType.DMA,
        pltpu.SemaphoreType.DMA,
        pltpu.SemaphoreType.DMA,
    ],
)
def _sc_stream(idx_hbm, tgt_hbm, table_hbm, out_hbm, part_hbm,
               idx_v, tgt_v, rows_a, rows_b, acc_v,
               gsem_a, gsem_b, ssem_a, ssem_b):
    wid = lax.axis_index("s") * 2 + lax.axis_index("c")
    base = wid * _ROWS_PER_W
    pltpu.sync_copy(idx_hbm.at[wid], idx_v)
    pltpu.sync_copy(tgt_hbm.at[wid], tgt_v)
    lanes = lax.iota(jnp.int32, _L)

    def bufref(k):
        s = _SIZES[k]
        buf = rows_a if k % 2 == 0 else rows_b
        return buf if s == buf.shape[0] else buf.at[pl.ds(0, s)]

    def gsem(k):
        return gsem_a if k % 2 == 0 else gsem_b

    def ssem(k):
        return ssem_a if k % 2 == 0 else ssem_b

    def idxref(k):
        return idx_v.at[pl.ds(_STARTS[k], _SIZES[k])]

    def outref(k):
        return out_hbm.at[pl.ds(base + _STARTS[k], _SIZES[k])]

    def gather(k):
        pltpu.async_copy(table_hbm.at[idxref(k)], bufref(k), gsem(k))

    def gather_wait(k):
        pltpu.make_async_copy(
            table_hbm.at[idxref(k)], bufref(k), gsem(k)).wait()

    def scatter(k):
        pltpu.async_copy(bufref(k), outref(k), ssem(k))

    def scatter_wait(k):
        pltpu.make_async_copy(bufref(k), outref(k), ssem(k)).wait()

    def tval(k):
        s = _SIZES[k]
        buf = rows_a if k % 2 == 0 else rows_b
        t16 = tgt_v[pl.ds(_STARTS[k], _L)]
        if s == _L:
            return plsc.load_gather(buf, [lanes, t16])
        valid = lanes < s
        rid = jnp.where(valid, lanes, 0)
        col = jnp.where(valid, t16, 0)
        v = plsc.load_gather(buf, [rid, col])
        return jnp.where(valid, v, 0.0)

    tacc = jnp.zeros((_L,), jnp.float32)
    gather(0)
    for k in range(_NRAG):
        gather_wait(k)
        if k >= 1:
            scatter_wait(k - 1)
        if k + 1 < _NRAG:
            gather(k + 1)
        tacc = tacc + tval(k)
        scatter(k)
    scatter_wait(_NRAG - 1)
    acc_v[...] = tacc
    pltpu.sync_copy(acc_v, part_hbm.at[wid])


def _lse_count_body(idx_ref, tab_ref, s1_ref):
    i = pl.program_id(0)
    x = tab_ref[...]
    m = jnp.max(x, axis=1, keepdims=True)
    lse = jnp.log(jnp.sum(jnp.exp(x - m), axis=1, keepdims=True)) + m
    rows = i * _VB + lax.broadcasted_iota(jnp.int32, (_VB, 1), 0)

    def cbody(j, cnt):
        ids = idx_ref[:, pl.ds(j * 1024, 1024)]
        eq = (ids == rows).astype(jnp.float32)
        return cnt + jnp.sum(eq, axis=1, keepdims=True)

    cnt = lax.fori_loop(0, 8, cbody, jnp.zeros((_VB, 1), jnp.float32))
    contrib = jnp.sum(cnt * lse).reshape(1, 1)

    @pl.when(i == 0)
    def _():
        s1_ref[...] = jnp.zeros((1, 1), jnp.float32)

    s1_ref[...] += contrib


def _finalize_body(s1_ref, tpart_ref, out_ref):
    s = s1_ref[0, 0] - jnp.sum(tpart_ref[...])
    out_ref[...] = jnp.reshape(s * (1.0 / 8192.0), (1, 1))


def kernel(idx, targets, table):
    idx_c = idx.reshape(_NW, _ROWS_PER_W)
    tgt_c = targets.reshape(_NW, _ROWS_PER_W)
    idx_row = idx.reshape(1, 8192)

    s1 = pl.pallas_call(
        _lse_count_body,
        grid=(_VOCAB // _VB,),
        in_specs=[
            pl.BlockSpec((1, 8192), lambda i: (0, 0)),
            pl.BlockSpec((_VB, _VOCAB), lambda i: (i, 0)),
        ],
        out_specs=pl.BlockSpec((1, 1), lambda i: (0, 0)),
        out_shape=jax.ShapeDtypeStruct((1, 1), jnp.float32),
    )(idx_row, table)

    logits_flat, tpart = _sc_stream(idx_c, tgt_c, table)

    loss = pl.pallas_call(
        _finalize_body,
        out_shape=jax.ShapeDtypeStruct((1, 1), jnp.float32),
    )(s1, tpart)[0, 0]

    return (logits_flat.reshape(idx.shape[0], idx.shape[1], _VOCAB), loss)

# --- scband reference (transcript-rebuilt; emitter-appended) ---
"""Pipeline reference for scband-bigram-language-model-81673098101023 (READ-ONLY COPY).

The authoritative reference and input builder live on the scoring server;
editing this copy changes nothing except your own understanding.
"""

import jax, jax.numpy as jnp
import numpy as np

VOCAB = 4096
B, T = 4, 2048


def setup_inputs(seed: int = 0) -> dict:
    key = jax.random.key(seed)
    k1, k2, k3 = jax.random.split(key, 3)
    idx = jax.random.randint(k1, (B, T), 0, VOCAB)
    targets = jax.random.randint(k2, (B, T), 0, VOCAB)
    # learned parameter: nn.Embedding(vocab_size, vocab_size) weight table
    table = jax.random.normal(k3, (VOCAB, VOCAB), dtype=jnp.float32) * 0.02
    return {"idx": idx, "targets": targets, "table": table}


def reference(idx, targets, table):
    # logits = self.token_embedding_table(idx)  -> gather rows of table
    logits = jnp.take(table, idx, axis=0)  # [B, T, C]
    Bs, Ts, C = logits.shape
    logits_flat = logits.reshape(Bs * Ts, C)
    targets_flat = targets.reshape(Bs * Ts)
    # F.cross_entropy(logits, targets) with mean reduction
    logp = jax.nn.log_softmax(logits_flat, axis=-1)
    nll = -jnp.take_along_axis(logp, targets_flat[:, None], axis=1)[:, 0]
    loss = jnp.mean(nll)
    return (logits, loss)

if __name__ == "__main__":
    import jax
    _d = setup_inputs()
    print(jax.jit(kernel)(*tuple(_d.values())))

</pallas_src>

<mosaic_0001>
#map = affine_map<(d0, d1) -> (0, 0)>
module attributes {stable_mosaic.version = 14 : i64} {
  func.func @_sc_stream(%arg0: i32, %arg1: i32, %arg2: memref<32x256xi32, #tpu.memory_space<hbm>>, %arg3: memref<32x256xi32, #tpu.memory_space<hbm>>, %arg4: memref<4096x4096xf32, #tpu.memory_space<hbm>>, %arg5: memref<8192x4096xf32, #tpu.memory_space<hbm>>, %arg6: memref<32x16xf32, #tpu.memory_space<hbm>>, %arg7: memref<256xi32, #tpu.memory_space<vmem>>, %arg8: memref<256xi32, #tpu.memory_space<vmem>>, %arg9: memref<16x4096xf32, #tpu.memory_space<vmem>>, %arg10: memref<8x4096xf32, #tpu.memory_space<vmem>>, %arg11: memref<16xf32, #tpu.memory_space<vmem>>, %arg12: memref<!tpu.dma_semaphore, #tpu.memory_space<semaphore_mem>>, %arg13: memref<!tpu.dma_semaphore, #tpu.memory_space<semaphore_mem>>, %arg14: memref<!tpu.dma_semaphore, #tpu.memory_space<semaphore_mem>>, %arg15: memref<!tpu.dma_semaphore, #tpu.memory_space<semaphore_mem>>) attributes {dimension_semantics = [#tpu.dimension_semantics<core_parallel>, #tpu.dimension_semantics<subcore_parallel>], iteration_bounds = array<i64: 2, 16>, scalar_prefetch = 0 : i64, scratch_operands = 9 : i64, tpu.core_type = #tpu.core_type<sc_vector_subcore>, window_params = [{transform_indices = #map}, {transform_indices = #map}, {transform_indices = #map}, {transform_indices = #map}, {transform_indices = #map}]} {
    %mul3A = arith.constant 2 : i32
    %mul3A_0 = arith.muli %arg1, %mul3A : i32
    %add3A = arith.addi %mul3A_0, %arg0 : i32
    %mul3A_1 = arith.constant 256 : i32
    %mul3A_2 = arith.muli %add3A, %mul3A_1 : i32
    "tpu.region"() ({
      %run_scoped3A = tpu.sem_alloc : memref<!tpu.dma_semaphore, #tpu.memory_space<semaphore_mem>>
      %dma_start3A_664 = arith.constant 0 : i32
      %dma_start3A_665 = tpu.memref_slice %arg2[%add3A, %dma_start3A_664] : memref<32x256xi32, #tpu.memory_space<hbm>> -> memref<1x256xi32, #tpu.memory_space<hbm>>
      %dma_start3A_666 = tpu.memref_squeeze %dma_start3A_665 : memref<1x256xi32, #tpu.memory_space<hbm>> -> memref<256xi32, #tpu.memory_space<hbm>>
      %dma_start3A_667 = arith.constant 0 : i32
      %dma_start3A_668 = tpu.memref_slice %arg2[%add3A, %dma_start3A_667] : memref<32x256xi32, #tpu.memory_space<hbm>> -> memref<1x256xi32, #tpu.memory_space<hbm>>
      %dma_start3A_669 = tpu.memref_squeeze %dma_start3A_668 : memref<1x256xi32, #tpu.memory_space<hbm>> -> memref<256xi32, #tpu.memory_space<hbm>>
      tpu.enqueue_dma source(%dma_start3A_669 : memref<256xi32, #tpu.memory_space<hbm>>) target(%arg7 : memref<256xi32, #tpu.memory_space<vmem>>) target_semaphore(%run_scoped3A : memref<!tpu.dma_semaphore, #tpu.memory_space<semaphore_mem>>)
      %dma_wait3A_670 = arith.constant 0 : i32
      %dma_wait3A_671 = tpu.memref_slice %arg2[%add3A, %dma_wait3A_670] : memref<32x256xi32, #tpu.memory_space<hbm>> -> memref<1x256xi32, #tpu.memory_space<hbm>>
      %dma_wait3A_672 = tpu.memref_squeeze %dma_wait3A_671 : memref<1x256xi32, #tpu.memory_space<hbm>> -> memref<256xi32, #tpu.memory_space<hbm>>
      %dma_wait3A_673 = arith.constant 0 : i32
      %dma_wait3A_674 = tpu.memref_slice %arg2[%add3A, %dma_wait3A_673] : memref<32x256xi32, #tpu.memory_space<hbm>> -> memref<1x256xi32, #tpu.memory_space<hbm>>
      %dma_wait3A_675 = tpu.memref_squeeze %dma_wait3A_674 : memref<1x256xi32, #tpu.memory_space<hbm>> -> memref<256xi32, #tpu.memory_space<hbm>>
      tpu.wait_dma2 semaphore(%run_scoped3A : memref<!tpu.dma_semaphore, #tpu.memory_space<semaphore_mem>>) src(%dma_wait3A_675 : memref<256xi32, #tpu.memory_space<hbm>>) dst(%arg7 : memref<256xi32, #tpu.memory_space<vmem>>)
      tpu.yield
    }) : () -> ()
    "tpu.region"() ({
      %run_scoped3A = tpu.sem_alloc : memref<!tpu.dma_semaphore, #tpu.memory_space<semaphore_mem>>
      %dma_start3A_664 = arith.constant 0 : i32
      %dma_start3A_665 = tpu.memref_slice %arg3[%add3A, %dma_start3A_664] : memref<32x256xi32, #tpu.memory_space<hbm>> -> memref<1x256xi32, #tpu.memory_space<hbm>>
      %dma_start3A_666 = tpu.memref_squeeze %dma_start3A_665 : memref<1x256xi32, #tpu.memory_space<hbm>> -> memref<256xi32, #tpu.memory_space<hbm>>
      %dma_start3A_667 = arith.constant 0 : i32
      %dma_start3A_668 = tpu.memref_slice %arg3[%add3A, %dma_start3A_667] : memref<32x256xi32, #tpu.memory_space<hbm>> -> memref<1x256xi32, #tpu.memory_space<hbm>>
      %dma_start3A_669 = tpu.memref_squeeze %dma_start3A_668 : memref<1x256xi32, #tpu.memory_space<hbm>> -> memref<256xi32, #tpu.memory_space<hbm>>
      tpu.enqueue_dma source(%dma_start3A_669 : memref<256xi32, #tpu.memory_space<hbm>>) target(%arg8 : memref<256xi32, #tpu.memory_space<vmem>>) target_semaphore(%run_scoped3A : memref<!tpu.dma_semaphore, #tpu.memory_space<semaphore_mem>>)
      %dma_wait3A_670 = arith.constant 0 : i32
      %dma_wait3A_671 = tpu.memref_slice %arg3[%add3A, %dma_wait3A_670] : memref<32x256xi32, #tpu.memory_space<hbm>> -> memref<1x256xi32, #tpu.memory_space<hbm>>
      %dma_wait3A_672 = tpu.memref_squeeze %dma_wait3A_671 : memref<1x256xi32, #tpu.memory_space<hbm>> -> memref<256xi32, #tpu.memory_space<hbm>>
      %dma_wait3A_673 = arith.constant 0 : i32
      %dma_wait3A_674 = tpu.memref_slice %arg3[%add3A, %dma_wait3A_673] : memref<32x256xi32, #tpu.memory_space<hbm>> -> memref<1x256xi32, #tpu.memory_space<hbm>>
      %dma_wait3A_675 = tpu.memref_squeeze %dma_wait3A_674 : memref<1x256xi32, #tpu.memory_space<hbm>> -> memref<256xi32, #tpu.memory_space<hbm>>
      tpu.wait_dma2 semaphore(%run_scoped3A : memref<!tpu.dma_semaphore, #tpu.memory_space<semaphore_mem>>) src(%dma_wait3A_675 : memref<256xi32, #tpu.memory_space<hbm>>) dst(%arg8 : memref<256xi32, #tpu.memory_space<vmem>>)
      tpu.yield
    }) : () -> ()
    %iota3A = tpu.iota {dimensions = array<i32: 0>} : vector<16xi32>
    %broadcast_in_dim3A = arith.constant 0.000000e+00 : f32
    %broadcast_in_dim3A_3 = vector.broadcast %broadcast_in_dim3A : f32 to vector<16xf32>
    %dma_start3A = arith.constant 0 : i32
    %dma_start3A_4 = tpu.memref_slice %arg7[%dma_start3A] : memref<256xi32, #tpu.memory_space<vmem>> -> memref<16xi32, #tpu.memory_space<vmem>>
    %dma_start3A_5 = arith.constant 0 : i32
    %dma_start3A_6 = arith.constant 0 : i32
    %dma_start3A_7 = tpu.memref_slice %arg4[%dma_start3A_5, %dma_start3A_6] : memref<4096x4096xf32, #tpu.memory_space<hbm>> -> memref<4096x4096xf32, #tpu.memory_space<hbm>>
    tpu.enqueue_indirect_dma source(%dma_start3A_7 : memref<4096x4096xf32, #tpu.memory_space<hbm>>) target(%arg9 : memref<16x4096xf32, #tpu.memory_space<vmem>>) offsets(%dma_start3A_4 : memref<16xi32, #tpu.memory_space<vmem>>) semaphore(%arg12 : memref<!tpu.dma_semaphore, #tpu.memory_space<semaphore_mem>>)
    %dma_wait3A = arith.constant 0 : i32
    %dma_wait3A_8 = tpu.memref_slice %arg7[%dma_wait3A] : memref<256xi32, #tpu.memory_space<vmem>> -> memref<16xi32, #tpu.memory_space<vmem>>
    %dma_wait3A_9 = arith.constant 0 : i32
    %dma_wait3A_10 = arith.constant 0 : i32
    %dma_wait3A_11 = tpu.memref_slice %arg4[%dma_wait3A_9, %dma_wait3A_10] : memref<4096x4096xf32, #tpu.memory_space<hbm>> -> memref<4096x4096xf32, #tpu.memory_space<hbm>>
    tpu.wait_indirect_dma semaphore(%arg12 : memref<!tpu.dma_semaphore, #tpu.memory_space<semaphore_mem>>) src(%dma_wait3A_11 : memref<4096x4096xf32, #tpu.memory_space<hbm>>) dst(%arg9 : memref<16x4096xf32, #tpu.memory_space<vmem>>)
    %dma_start3A_12 = arith.constant 16 : i32
    %dma_start3A_13 = tpu.memref_slice %arg7[%dma_start3A_12] : memref<256xi32, #tpu.memory_space<vmem>> -> memref<8xi32, #tpu.memory_space<vmem>>
    %dma_start3A_14 = arith.constant 0 : i32
    %dma_start3A_15 = arith.constant 0 : i32
    %dma_start3A_16 = tpu.memref_slice %arg4[%dma_start3A_14, %dma_start3A_15] : memref<4096x4096xf32, #tpu.memory_space<hbm>> -> memref<4096x4096xf32, #tpu.memory_space<hbm>>
    tpu.enqueue_indirect_dma source(%dma_start3A_16 : memref<4096x4096xf32, #tpu.memory_space<hbm>>) target(%arg10 : memref<8x4096xf32, #tpu.memory_space<vmem>>) offsets(%dma_start3A_13 : memref<8xi32, #tpu.memory_space<vmem>>) semaphore(%arg13 : memref<!tpu.dma_semaphore, #tpu.memory_space<semaphore_mem>>)
    %get3A = arith.constant 0 : index
    %get3A_17 = tpu.vector_load %arg8[%get3A] {strides = array<i32>} : memref<256xi32, #tpu.memory_space<vmem>>, vector<16xi32>,
    %gather3A = tpu.vector_load_idx %arg9[%iota3A, %get3A_17] : memref<16x4096xf32, #tpu.memory_space<vmem>>[vector<16xi32>, vector<16xi32>], vector<16xf32>,
    %add3A_18 = arith.addf %broadcast_in_dim3A_3, %gather3A : vector<16xf32>
    %add3A_19 = arith.constant 0 : i32
    %add3A_20 = arith.addi %mul3A_2, %add3A_19 : i32
    %dma_start3A_21 = arith.constant 0 : i32
    %dma_start3A_22 = tpu.memref_slice %arg5[%add3A_20, %dma_start3A_21] : memref<8192x4096xf32, #tpu.memory_space<hbm>> -> memref<16x4096xf32, #tpu.memory_space<hbm>>
    %dma_start3A_23 = arith.constant 0 : i32
    %dma_start3A_24 = tpu.memref_slice %arg5[%add3A_20, %dma_start3A_23] : memref<8192x4096xf32, #tpu.memory_space<hbm>> -> memref<16x4096xf32, #tpu.memory_space<hbm>>
    tpu.enqueue_dma source(%arg9 : memref<16x4096xf32, #tpu.memory_space<vmem>>) target(%dma_start3A_24 : memref<16x4096xf32, #tpu.memory_space<hbm>>) target_semaphore(%arg14 : memref<!tpu.dma_semaphore, #tpu.memory_space<semaphore_mem>>)
    %dma_wait3A_25 = arith.constant 16 : i32
    %dma_wait3A_26 = tpu.memref_slice %arg7[%dma_wait3A_25] : memref<256xi32, #tpu.memory_space<vmem>> -> memref<8xi32, #tpu.memory_space<vmem>>
    %dma_wait3A_27 = arith.constant 0 : i32
    %dma_wait3A_28 = arith.constant 0 : i32
    %dma_wait3A_29 = tpu.memref_slice %arg4[%dma_wait3A_27, %dma_wait3A_28] : memref<4096x4096xf32, #tpu.memory_space<hbm>> -> memref<4096x4096xf32, #tpu.memory_space<hbm>>
    tpu.wait_indirect_dma semaphore(%arg13 : memref<!tpu.dma_semaphore, #tpu.memory_space<semaphore_mem>>) src(%dma_wait3A_29 : memref<4096x4096xf32, #tpu.memory_space<hbm>>) dst(%arg10 : memref<8x4096xf32, #tpu.memory_space<vmem>>)
    %add3A_30 = arith.constant 0 : i32
    %add3A_31 = arith.addi %mul3A_2, %add3A_30 : i32
    %dma_wait3A_32 = arith.constant 0 : i32
    %dma_wait3A_33 = tpu.memref_slice %arg5[%add3A_31, %dma_wait3A_32] : memref<8192x4096xf32, #tpu.memory_space<hbm>> -> memref<16x4096xf32, #tpu.memory_space<hbm>>
    %dma_wait3A_34 = arith.constant 0 : i32
    %dma_wait3A_35 = tpu.memref_slice %arg5[%add3A_31, %dma_wait3A_34] : memref<8192x4096xf32, #tpu.memory_space<hbm>> -> memref<16x4096xf32, #tpu.memory_space<hbm>>
    tpu.wait_dma2 semaphore(%arg14 : memref<!tpu.dma_semaphore, #tpu.memory_space<semaphore_mem>>) src(%arg9 : memref<16x4096xf32, #tpu.memory_space<vmem>>) dst(%dma_wait3A_35 : memref<16x4096xf32, #tpu.memory_space<hbm>>)
    %dma_start3A_36 = arith.constant 24 : i32
    %dma_start3A_37 = tpu.memref_slice %arg7[%dma_start3A_36] : memref<256xi32, #tpu.memory_space<vmem>> -> memref<16xi32, #tpu.memory_space<vmem>>
    %dma_start3A_38 = arith.constant 0 : i32
    %dma_start3A_39 = arith.constant 0 : i32
    %dma_start3A_40 = tpu.memref_slice %arg4[%dma_start3A_38, %dma_start3A_39] : memref<4096x4096xf32, #tpu.memory_space<hbm>> -> memref<4096x4096xf32, #tpu.memory_space<hbm>>
    tpu.enqueue_indirect_dma source(%dma_start3A_40 : memref<4096x4096xf32, #tpu.memory_space<hbm>>) target(%arg9 : memref<16x4096xf32, #tpu.memory_space<vmem>>) offsets(%dma_start3A_37 : memref<16xi32, #tpu.memory_space<vmem>>) semaphore(%arg12 : memref<!tpu.dma_semaphore, #tpu.memory_space<semaphore_mem>>)
    %get3A_41 = arith.constant 16 : index
    %get3A_42 = tpu.vector_load %arg8[%get3A_41] {strides = array<i32>} : memref<256xi32, #tpu.memory_space<vmem>>, vector<16xi32>,
    %lt3A = arith.constant 8 : i32
    %lt3A_43 = vector.broadcast %lt3A : i32 to vector<16xi32>
    %lt3A_44 = arith.cmpi slt, %iota3A, %lt3A_43 : vector<16xi32>
    %jit3A = arith.constant 0 : i32
    %broadcast_in_dim3A_45 = vector.broadcast %jit3A : i32 to vector<16xi32>
    %select_n3A = arith.select %lt3A_44, %iota3A, %broadcast_in_dim3A_45 : vector<16xi1>, vector<16xi32>
    %jit3A_46 = arith.constant 0 : i32
    %broadcast_in_dim3A_47 = vector.broadcast %jit3A_46 : i32 to vector<16xi32>
    %select_n3A_48 = arith.select %lt3A_44, %get3A_42, %broadcast_in_dim3A_47 : vector<16xi1>, vector<16xi32>
    %gather3A_49 = tpu.vector_load_idx %arg10[%select_n3A, %select_n3A_48] : memref<8x4096xf32, #tpu.memory_space<vmem>>[vector<16xi32>, vector<16xi32>], vector<16xf32>,
    %jit3A_50 = arith.constant 0.000000e+00 : f32
    %broadcast_in_dim3A_51 = vector.broadcast %jit3A_50 : f32 to vector<16xf32>
    %select_n3A_52 = arith.select %lt3A_44, %gather3A_49, %broadcast_in_dim3A_51 : vector<16xi1>, vector<16xf32>
    %add3A_53 = arith.addf %add3A_18, %select_n3A_52 : vector<16xf32>
    %add3A_54 = arith.constant 16 : i32
    %add3A_55 = arith.addi %mul3A_2, %add3A_54 : i32
    %dma_start3A_56 = arith.constant 0 : i32
    %dma_start3A_57 = tpu.memref_slice %arg5[%add3A_55, %dma_start3A_56] : memref<8192x4096xf32, #tpu.memory_space<hbm>> -> memref<8x4096xf32, #tpu.memory_space<hbm>>
    %dma_start3A_58 = arith.constant 0 : i32
    %dma_start3A_59 = tpu.memref_slice %arg5[%add3A_55, %dma_start3A_58] : memref<8192x4096xf32, #tpu.memory_space<hbm>> -> memref<8x4096xf32, #tpu.memory_space<hbm>>
    tpu.enqueue_dma source(%arg10 : memref<8x4096xf32, #tpu.memory_space<vmem>>) target(%dma_start3A_59 : memref<8x4096xf32, #tpu.memory_space<hbm>>) target_semaphore(%arg15 : memref<!tpu.dma_semaphore, #tpu.memory_space<semaphore_mem>>)
    %dma_wait3A_60 = arith.constant 24 : i32
    %dma_wait3A_61 = tpu.memref_slice %arg7[%dma_wait3A_60] : memref<256xi32, #tpu.memory_space<vmem>> -> memref<16xi32, #tpu.memory_space<vmem>>
    %dma_wait3A_62 = arith.constant 0 : i32
    %dma_wait3A_63 = arith.constant 0 : i32
    %dma_wait3A_64 = tpu.memref_slice %arg4[%dma_wait3A_62, %dma_wait3A_63] : memref<4096x4096xf32, #tpu.memory_space<hbm>> -> memref<4096x4096xf32, #tpu.memory_space<hbm>>
    tpu.wait_indirect_dma semaphore(%arg12 : memref<!tpu.dma_semaphore, #tpu.memory_space<semaphore_mem>>) src(%dma_wait3A_64 : memref<4096x4096xf32, #tpu.memory_space<hbm>>) dst(%arg9 : memref<16x4096xf32, #tpu.memory_space<vmem>>)
    %add3A_65 = arith.constant 16 : i32
    %add3A_66 = arith.addi %mul3A_2, %add3A_65 : i32
    %dma_wait3A_67 = arith.constant 0 : i32
    %dma_wait3A_68 = tpu.memref_slice %arg5[%add3A_66, %dma_wait3A_67] : memref<8192x4096xf32, #tpu.memory_space<hbm>> -> memref<8x4096xf32, #tpu.memory_space<hbm>>
    %dma_wait3A_69 = arith.constant 0 : i32
    %dma_wait3A_70 = tpu.memref_slice %arg5[%add3A_66, %dma_wait3A_69] : memref<8192x4096xf32, #tpu.memory_space<hbm>> -> memref<8x4096xf32, #tpu.memory_space<hbm>>
    tpu.wait_dma2 semaphore(%arg15 : memref<!tpu.dma_semaphore, #tpu.memory_space<semaphore_mem>>) src(%arg10 : memref<8x4096xf32, #tpu.memory_space<vmem>>) dst(%dma_wait3A_70 : memref<8x4096xf32, #tpu.memory_space<hbm>>)
    %dma_start3A_71 = arith.constant 40 : i32
    %dma_start3A_72 = tpu.memref_slice %arg7[%dma_start3A_71] : memref<256xi32, #tpu.memory_space<vmem>> -> memref<8xi32, #tpu.memory_space<vmem>>
    %dma_start3A_73 = arith.constant 0 : i32
    %dma_start3A_74 = arith.constant 0 : i32
    %dma_start3A_75 = tpu.memref_slice %arg4[%dma_start3A_73, %dma_start3A_74] : memref<4096x4096xf32, #tpu.memory_space<hbm>> -> memref<4096x4096xf32, #tpu.memory_space<hbm>>
    tpu.enqueue_indirect_dma source(%dma_start3A_75 : memref<4096x4096xf32, #tpu.memory_space<hbm>>) target(%arg10 : memref<8x4096xf32, #tpu.memory_space<vmem>>) offsets(%dma_start3A_72 : memref<8xi32, #tpu.memory_space<vmem>>) semaphore(%arg13 : memref<!tpu.dma_semaphore, #tpu.memory_space<semaphore_mem>>)
    %get3A_76 = arith.constant 24 : index
    %get3A_77 = tpu.vector_load %arg8[%get3A_76] {strides = array<i32>} : memref<256xi32, #tpu.memory_space<vmem>>, vector<16xi32>,
    %gather3A_78 = tpu.vector_load_idx %arg9[%iota3A, %get3A_77] : memref<16x4096xf32, #tpu.memory_space<vmem>>[vector<16xi32>, vector<16xi32>], vector<16xf32>,
    %add3A_79 = arith.addf %add3A_53, %gather3A_78 : vector<16xf32>
    %add3A_80 = arith.constant 24 : i32
    %add3A_81 = arith.addi %mul3A_2, %add3A_80 : i32
    %dma_start3A_82 = arith.constant 0 : i32
    %dma_start3A_83 = tpu.memref_slice %arg5[%add3A_81, %dma_start3A_82] : memref<8192x4096xf32, #tpu.memory_space<hbm>> -> memref<16x4096xf32, #tpu.memory_space<hbm>>
    %dma_start3A_84 = arith.constant 0 : i32
    %dma_start3A_85 = tpu.memref_slice %arg5[%add3A_81, %dma_start3A_84] : memref<8192x4096xf32, #tpu.memory_space<hbm>> -> memref<16x4096xf32, #tpu.memory_space<hbm>>
    tpu.enqueue_dma source(%arg9 : memref<16x4096xf32, #tpu.memory_space<vmem>>) target(%dma_start3A_85 : memref<16x4096xf32, #tpu.memory_space<hbm>>) target_semaphore(%arg14 : memref<!tpu.dma_semaphore, #tpu.memory_space<semaphore_mem>>)
    %dma_wait3A_86 = arith.constant 40 : i32
    %dma_wait3A_87 = tpu.memref_slice %arg7[%dma_wait3A_86] : memref<256xi32, #tpu.memory_space<vmem>> -> memref<8xi32, #tpu.memory_space<vmem>>
    %dma_wait3A_88 = arith.constant 0 : i32
    %dma_wait3A_89 = arith.constant 0 : i32
    %dma_wait3A_90 = tpu.memref_slice %arg4[%dma_wait3A_88, %dma_wait3A_89] : memref<4096x4096xf32, #tpu.memory_space<hbm>> -> memref<4096x4096xf32, #tpu.memory_space<hbm>>
    tpu.wait_indirect_dma semaphore(%arg13 : memref<!tpu.dma_semaphore, #tpu.memory_space<semaphore_mem>>) src(%dma_wait3A_90 : memref<4096x4096xf32, #tpu.memory_space<hbm>>) dst(%arg10 : memref<8x4096xf32, #tpu.memory_space<vmem>>)
    %add3A_91 = arith.constant 24 : i32
    %add3A_92 = arith.addi %mul3A_2, %add3A_91 : i32
    %dma_wait3A_93 = arith.constant 0 : i32
    %dma_wait3A_94 = tpu.memref_slice %arg5[%add3A_92, %dma_wait3A_93] : memref<8192x4096xf32, #tpu.memory_space<hbm>> -> memref<16x4096xf32, #tpu.memory_space<hbm>>
    %dma_wait3A_95 = arith.constant 0 : i32
    %dma_wait3A_96 = tpu.memref_slice %arg5[%add3A_92, %dma_wait3A_95] : memref<8192x4096xf32, #tpu.memory_space<hbm>> -> memref<16x4096xf32, #tpu.memory_space<hbm>>
    tpu.wait_dma2 semaphore(%arg14 : memref<!tpu.dma_semaphore, #tpu.memory_space<semaphore_mem>>) src(%arg9 : memref<16x4096xf32, #tpu.memory_space<vmem>>) dst(%dma_wait3A_96 : memref<16x4096xf32, #tpu.memory_space<hbm>>)
    %dma_start3A_97 = arith.constant 48 : i32
    %dma_start3A_98 = tpu.memref_slice %arg7[%dma_start3A_97] : memref<256xi32, #tpu.memory_space<vmem>> -> memref<16xi32, #tpu.memory_space<vmem>>
    %dma_start3A_99 = arith.constant 0 : i32
    %dma_start3A_100 = arith.constant 0 : i32
    %dma_start3A_101 = tpu.memref_slice %arg4[%dma_start3A_99, %dma_start3A_100] : memref<4096x4096xf32, #tpu.memory_space<hbm>> -> memref<4096x4096xf32, #tpu.memory_space<hbm>>
    tpu.enqueue_indirect_dma source(%dma_start3A_101 : memref<4096x4096xf32, #tpu.memory_space<hbm>>) target(%arg9 : memref<16x4096xf32, #tpu.memory_space<vmem>>) offsets(%dma_start3A_98 : memref<16xi32, #tpu.memory_space<vmem>>) semaphore(%arg12 : memref<!tpu.dma_semaphore, #tpu.memory_space<semaphore_mem>>)
    %get3A_102 = arith.constant 40 : index
    %get3A_103 = tpu.vector_load %arg8[%get3A_102] {strides = array<i32>} : memref<256xi32, #tpu.memory_space<vmem>>, vector<16xi32>,
    %lt3A_104 = arith.constant 8 : i32
    %lt3A_105 = vector.broadcast %lt3A_104 : i32 to vector<16xi32>
    %lt3A_106 = arith.cmpi slt, %iota3A, %lt3A_105 : vector<16xi32>
    %jit3A_107 = arith.constant 0 : i32
    %broadcast_in_dim3A_108 = vector.broadcast %jit3A_107 : i32 to vector<16xi32>
    %select_n3A_109 = arith.select %lt3A_106, %iota3A, %broadcast_in_dim3A_108 : vector<16xi1>, vector<16xi32>
    %jit3A_110 = arith.constant 0 : i32
    %broadcast_in_dim3A_111 = vector.broadcast %jit3A_110 : i32 to vector<16xi32>
    %select_n3A_112 = arith.select %lt3A_106, %get3A_103, %broadcast_in_dim3A_111 : vector<16xi1>, vector<16xi32>
    %gather3A_113 = tpu.vector_load_idx %arg10[%select_n3A_109, %select_n3A_112] : memref<8x4096xf32, #tpu.memory_space<vmem>>[vector<16xi32>, vector<16xi32>], vector<16xf32>,
    %jit3A_114 = arith.constant 0.000000e+00 : f32
    %broadcast_in_dim3A_115 = vector.broadcast %jit3A_114 : f32 to vector<16xf32>
    %select_n3A_116 = arith.select %lt3A_106, %gather3A_113, %broadcast_in_dim3A_115 : vector<16xi1>, vector<16xf32>
    %add3A_117 = arith.addf %add3A_79, %select_n3A_116 : vector<16xf32>
    %add3A_118 = arith.constant 40 : i32
    %add3A_119 = arith.addi %mul3A_2, %add3A_118 : i32
    %dma_start3A_120 = arith.constant 0 : i32
    %dma_start3A_121 = tpu.memref_slice %arg5[%add3A_119, %dma_start3A_120] : memref<8192x4096xf32, #tpu.memory_space<hbm>> -> memref<8x4096xf32, #tpu.memory_space<hbm>>
    %dma_start3A_122 = arith.constant 0 : i32
    %dma_start3A_123 = tpu.memref_slice %arg5[%add3A_119, %dma_start3A_122] : memref<8192x4096xf32, #tpu.memory_space<hbm>> -> memref<8x4096xf32, #tpu.memory_space<hbm>>
    tpu.enqueue_dma source(%arg10 : memref<8x4096xf32, #tpu.memory_space<vmem>>) target(%dma_start3A_123 : memref<8x4096xf32, #tpu.memory_space<hbm>>) target_semaphore(%arg15 : memref<!tpu.dma_semaphore, #tpu.memory_space<semaphore_mem>>)
    %dma_wait3A_124 = arith.constant 48 : i32
    %dma_wait3A_125 = tpu.memref_slice %arg7[%dma_wait3A_124] : memref<256xi32, #tpu.memory_space<vmem>> -> memref<16xi32, #tpu.memory_space<vmem>>
    %dma_wait3A_126 = arith.constant 0 : i32
    %dma_wait3A_127 = arith.constant 0 : i32
    %dma_wait3A_128 = tpu.memref_slice %arg4[%dma_wait3A_126, %dma_wait3A_127] : memref<4096x4096xf32, #tpu.memory_space<hbm>> -> memref<4096x4096xf32, #tpu.memory_space<hbm>>
    tpu.wait_indirect_dma semaphore(%arg12 : memref<!tpu.dma_semaphore, #tpu.memory_space<semaphore_mem>>) src(%dma_wait3A_128 : memref<4096x4096xf32, #tpu.memory_space<hbm>>) dst(%arg9 : memref<16x4096xf32, #tpu.memory_space<vmem>>)
    %add3A_129 = arith.constant 40 : i32
    %add3A_130 = arith.addi %mul3A_2, %add3A_129 : i32
    %dma_wait3A_131 = arith.constant 0 : i32
    %dma_wait3A_132 = tpu.memref_slice %arg5[%add3A_130, %dma_wait3A_131] : memref<8192x4096xf32, #tpu.memory_space<hbm>> -> memref<8x4096xf32, #tpu.memory_space<hbm>>
    %dma_wait3A_133 = arith.constant 0 : i32
    %dma_wait3A_134 = tpu.memref_slice %arg5[%add3A_130, %dma_wait3A_133] : memref<8192x4096xf32, #tpu.memory_space<hbm>> -> memref<8x4096xf32, #tpu.memory_space<hbm>>
    tpu.wait_dma2 semaphore(%arg15 : memref<!tpu.dma_semaphore, #tpu.memory_space<semaphore_mem>>) src(%arg10 : memref<8x4096xf32, #tpu.memory_space<vmem>>) dst(%dma_wait3A_134 : memref<8x4096xf32, #tpu.memory_space<hbm>>)
    %dma_start3A_135 = arith.constant 64 : i32
    %dma_start3A_136 = tpu.memref_slice %arg7[%dma_start3A_135] : memref<256xi32, #tpu.memory_space<vmem>> -> memref<8xi32, #tpu.memory_space<vmem>>
    %dma_start3A_137 = arith.constant 0 : i32
    %dma_start3A_138 = arith.constant 0 : i32
    %dma_start3A_139 = tpu.memref_slice %arg4[%dma_start3A_137, %dma_start3A_138] : memref<4096x4096xf32, #tpu.memory_space<hbm>> -> memref<4096x4096xf32, #tpu.memory_space<hbm>>
    tpu.enqueue_indirect_dma source(%dma_start3A_139 : memref<4096x4096xf32, #tpu.memory_space<hbm>>) target(%arg10 : memref<8x4096xf32, #tpu.memory_space<vmem>>) offsets(%dma_start3A_136 : memref<8xi32, #tpu.memory_space<vmem>>) semaphore(%arg13 : memref<!tpu.dma_semaphore, #tpu.memory_space<semaphore_mem>>)
    %get3A_140 = arith.constant 48 : index
    %get3A_141 = tpu.vector_load %arg8[%get3A_140] {strides = array<i32>} : memref<256xi32, #tpu.memory_space<vmem>>, vector<16xi32>,
    %gather3A_142 = tpu.vector_load_idx %arg9[%iota3A, %get3A_141] : memref<16x4096xf32, #tpu.memory_space<vmem>>[vector<16xi32>, vector<16xi32>], vector<16xf32>,
    %add3A_143 = arith.addf %add3A_117, %gather3A_142 : vector<16xf32>
    %add3A_144 = arith.constant 48 : i32
    %add3A_145 = arith.addi %mul3A_2, %add3A_144 : i32
    %dma_start3A_146 = arith.constant 0 : i32
    %dma_start3A_147 = tpu.memref_slice %arg5[%add3A_145, %dma_start3A_146] : memref<8192x4096xf32, #tpu.memory_space<hbm>> -> memref<16x4096xf32, #tpu.memory_space<hbm>>
    %dma_start3A_148 = arith.constant 0 : i32
    %dma_start3A_149 = tpu.memref_slice %arg5[%add3A_145, %dma_start3A_148] : memref<8192x4096xf32, #tpu.memory_space<hbm>> -> memref<16x4096xf32, #tpu.memory_space<hbm>>
    tpu.enqueue_dma source(%arg9 : memref<16x4096xf32, #tpu.memory_space<vmem>>) target(%dma_start3A_149 : memref<16x4096xf32, #tpu.memory_space<hbm>>) target_semaphore(%arg14 : memref<!tpu.dma_semaphore, #tpu.memory_space<semaphore_mem>>)
    %dma_wait3A_150 = arith.constant 64 : i32
    %dma_wait3A_151 = tpu.memref_slice %arg7[%dma_wait3A_150] : memref<256xi32, #tpu.memory_space<vmem>> -> memref<8xi32, #tpu.memory_space<vmem>>
    %dma_wait3A_152 = arith.constant 0 : i32
    %dma_wait3A_153 = arith.constant 0 : i32
    %dma_wait3A_154 = tpu.memref_slice %arg4[%dma_wait3A_152, %dma_wait3A_153] : memref<4096x4096xf32, #tpu.memory_space<hbm>> -> memref<4096x4096xf32, #tpu.memory_space<hbm>>
    tpu.wait_indirect_dma semaphore(%arg13 : memref<!tpu.dma_semaphore, #tpu.memory_space<semaphore_mem>>) src(%dma_wait3A_154 : memref<4096x4096xf32, #tpu.memory_space<hbm>>) dst(%arg10 : memref<8x4096xf32, #tpu.memory_space<vmem>>)
    %add3A_155 = arith.constant 48 : i32
    %add3A_156 = arith.addi %mul3A_2, %add3A_155 : i32
    %dma_wait3A_157 = arith.constant 0 : i32
    %dma_wait3A_158 = tpu.memref_slice %arg5[%add3A_156, %dma_wait3A_157] : memref<8192x4096xf32, #tpu.memory_space<hbm>> -> memref<16x4096xf32, #tpu.memory_space<hbm>>
    %dma_wait3A_159 = arith.constant 0 : i32
    %dma_wait3A_160 = tpu.memref_slice %arg5[%add3A_156, %dma_wait3A_159] : memref<8192x4096xf32, #tpu.memory_space<hbm>> -> memref<16x4096xf32, #tpu.memory_space<hbm>>
    tpu.wait_dma2 semaphore(%arg14 : memref<!tpu.dma_semaphore, #tpu.memory_space<semaphore_mem>>) src(%arg9 : memref<16x4096xf32, #tpu.memory_space<vmem>>) dst(%dma_wait3A_160 : memref<16x4096xf32, #tpu.memory_space<hbm>>)
    %dma_start3A_161 = arith.constant 72 : i32
    %dma_start3A_162 = tpu.memref_slice %arg7[%dma_start3A_161] : memref<256xi32, #tpu.memory_space<vmem>> -> memref<16xi32, #tpu.memory_space<vmem>>
    %dma_start3A_163 = arith.constant 0 : i32
    %dma_start3A_164 = arith.constant 0 : i32
    %dma_start3A_165 = tpu.memref_slice %arg4[%dma_start3A_163, %dma_start3A_164] : memref<4096x4096xf32, #tpu.memory_space<hbm>> -> memref<4096x4096xf32, #tpu.memory_space<hbm>>
    tpu.enqueue_indirect_dma source(%dma_start3A_165 : memref<4096x4096xf32, #tpu.memory_space<hbm>>) target(%arg9 : memref<16x4096xf32, #tpu.memory_space<vmem>>) offsets(%dma_start3A_162 : memref<16xi32, #tpu.memory_space<vmem>>) semaphore(%arg12 : memref<!tpu.dma_semaphore, #tpu.memory_space<semaphore_mem>>)
    %get3A_166 = arith.constant 64 : index
    %get3A_167 = tpu.vector_load %arg8[%get3A_166] {strides = array<i32>} : memref<256xi32, #tpu.memory_space<vmem>>, vector<16xi32>,
    %lt3A_168 = arith.constant 8 : i32
    %lt3A_169 = vector.broadcast %lt3A_168 : i32 to vector<16xi32>
    %lt3A_170 = arith.cmpi slt, %iota3A, %lt3A_169 : vector<16xi32>
    %jit3A_171 = arith.constant 0 : i32
    %broadcast_in_dim3A_172 = vector.broadcast %jit3A_171 : i32 to vector<16xi32>
    %select_n3A_173 = arith.select %lt3A_170, %iota3A, %broadcast_in_dim3A_172 : vector<16xi1>, vector<16xi32>
    %jit3A_174 = arith.constant 0 : i32
    %broadcast_in_dim3A_175 = vector.broadcast %jit3A_174 : i32 to vector<16xi32>
    %select_n3A_176 = arith.select %lt3A_170, %get3A_167, %broadcast_in_dim3A_175 : vector<16xi1>, vector<16xi32>
    %gather3A_177 = tpu.vector_load_idx %arg10[%select_n3A_173, %select_n3A_176] : memref<8x4096xf32, #tpu.memory_space<vmem>>[vector<16xi32>, vector<16xi32>], vector<16xf32>,
    %jit3A_178 = arith.constant 0.000000e+00 : f32
    %broadcast_in_dim3A_179 = vector.broadcast %jit3A_178 : f32 to vector<16xf32>
    %select_n3A_180 = arith.select %lt3A_170, %gather3A_177, %broadcast_in_dim3A_179 : vector<16xi1>, vector<16xf32>
    %add3A_181 = arith.addf %add3A_143, %select_n3A_180 : vector<16xf32>
    %add3A_182 = arith.constant 64 : i32
    %add3A_183 = arith.addi %mul3A_2, %add3A_182 : i32
    %dma_start3A_184 = arith.constant 0 : i32
    %dma_start3A_185 = tpu.memref_slice %arg5[%add3A_183, %dma_start3A_184] : memref<8192x4096xf32, #tpu.memory_space<hbm>> -> memref<8x4096xf32, #tpu.memory_space<hbm>>
    %dma_start3A_186 = arith.constant 0 : i32
    %dma_start3A_187 = tpu.memref_slice %arg5[%add3A_183, %dma_start3A_186] : memref<8192x4096xf32, #tpu.memory_space<hbm>> -> memref<8x4096xf32, #tpu.memory_space<hbm>>
    tpu.enqueue_dma source(%arg10 : memref<8x4096xf32, #tpu.memory_space<vmem>>) target(%dma_start3A_187 : memref<8x4096xf32, #tpu.memory_space<hbm>>) target_semaphore(%arg15 : memref<!tpu.dma_semaphore, #tpu.memory_space<semaphore_mem>>)
    %dma_wait3A_188 = arith.constant 72 : i32
    %dma_wait3A_189 = tpu.memref_slice %arg7[%dma_wait3A_188] : memref<256xi32, #tpu.memory_space<vmem>> -> memref<16xi32, #tpu.memory_space<vmem>>
    %dma_wait3A_190 = arith.constant 0 : i32
    %dma_wait3A_191 = arith.constant 0 : i32
    %dma_wait3A_192 = tpu.memref_slice %arg4[%dma_wait3A_190, %dma_wait3A_191] : memref<4096x4096xf32, #tpu.memory_space<hbm>> -> memref<4096x4096xf32, #tpu.memory_space<hbm>>
    tpu.wait_indirect_dma semaphore(%arg12 : memref<!tpu.dma_semaphore, #tpu.memory_space<semaphore_mem>>) src(%dma_wait3A_192 : memref<4096x4096xf32, #tpu.memory_space<hbm>>) dst(%arg9 : memref<16x4096xf32, #tpu.memory_space<vmem>>)
    %add3A_193 = arith.constant 64 : i32
    %add3A_194 = arith.addi %mul3A_2, %add3A_193 : i32
    %dma_wait3A_195 = arith.constant 0 : i32
    %dma_wait3A_196 = tpu.memref_slice %arg5[%add3A_194, %dma_wait3A_195] : memref<8192x4096xf32, #tpu.memory_space<hbm>> -> memref<8x4096xf32, #tpu.memory_space<hbm>>
    %dma_wait3A_197 = arith.constant 0 : i32
    %dma_wait3A_198 = tpu.memref_slice %arg5[%add3A_194, %dma_wait3A_197] : memref<8192x4096xf32, #tpu.memory_space<hbm>> -> memref<8x4096xf32, #tpu.memory_space<hbm>>
    tpu.wait_dma2 semaphore(%arg15 : memref<!tpu.dma_semaphore, #tpu.memory_space<semaphore_mem>>) src(%arg10 : memref<8x4096xf32, #tpu.memory_space<vmem>>) dst(%dma_wait3A_198 : memref<8x4096xf32, #tpu.memory_space<hbm>>)
    %dma_start3A_199 = arith.constant 88 : i32
    %dma_start3A_200 = tpu.memref_slice %arg7[%dma_start3A_199] : memref<256xi32, #tpu.memory_space<vmem>> -> memref<8xi32, #tpu.memory_space<vmem>>
    %dma_start3A_201 = arith.constant 0 : i32
    %dma_start3A_202 = arith.constant 0 : i32
    %dma_start3A_203 = tpu.memref_slice %arg4[%dma_start3A_201, %dma_start3A_202] : memref<4096x4096xf32, #tpu.memory_space<hbm>> -> memref<4096x4096xf32, #tpu.memory_space<hbm>>
    tpu.enqueue_indirect_dma source(%dma_start3A_203 : memref<4096x4096xf32, #tpu.memory_space<hbm>>) target(%arg10 : memref<8x4096xf32, #tpu.memory_space<vmem>>) offsets(%dma_start3A_200 : memref<8xi32, #tpu.memory_space<vmem>>) semaphore(%arg13 : memref<!tpu.dma_semaphore, #tpu.memory_space<semaphore_mem>>)
    %get3A_204 = arith.constant 72 : index
    %get3A_205 = tpu.vector_load %arg8[%get3A_204] {strides = array<i32>} : memref<256xi32, #tpu.memory_space<vmem>>, vector<16xi32>,
    %gather3A_206 = tpu.vector_load_idx %arg9[%iota3A, %get3A_205] : memref<16x4096xf32, #tpu.memory_space<vmem>>[vector<16xi32>, vector<16xi32>], vector<16xf32>,
    %add3A_207 = arith.addf %add3A_181, %gather3A_206 : vector<16xf32>
    %add3A_208 = arith.constant 72 : i32
    %add3A_209 = arith.addi %mul3A_2, %add3A_208 : i32
    %dma_start3A_210 = arith.constant 0 : i32
    %dma_start3A_211 = tpu.memref_slice %arg5[%add3A_209, %dma_start3A_210] : memref<8192x4096xf32, #tpu.memory_space<hbm>> -> memref<16x4096xf32, #tpu.memory_space<hbm>>
    %dma_start3A_212 = arith.constant 0 : i32
    %dma_start3A_213 = tpu.memref_slice %arg5[%add3A_209, %dma_start3A_212] : memref<8192x4096xf32, #tpu.memory_space<hbm>> -> memref<16x4096xf32, #tpu.memory_space<hbm>>
    tpu.enqueue_dma source(%arg9 : memref<16x4096xf32, #tpu.memory_space<vmem>>) target(%dma_start3A_213 : memref<16x4096xf32, #tpu.memory_space<hbm>>) target_semaphore(%arg14 : memref<!tpu.dma_semaphore, #tpu.memory_space<semaphore_mem>>)
    %dma_wait3A_214 = arith.constant 88 : i32
    %dma_wait3A_215 = tpu.memref_slice %arg7[%dma_wait3A_214] : memref<256xi32, #tpu.memory_space<vmem>> -> memref<8xi32, #tpu.memory_space<vmem>>
    %dma_wait3A_216 = arith.constant 0 : i32
    %dma_wait3A_217 = arith.constant 0 : i32
    %dma_wait3A_218 = tpu.memref_slice %arg4[%dma_wait3A_216, %dma_wait3A_217] : memref<4096x4096xf32, #tpu.memory_space<hbm>> -> memref<4096x4096xf32, #tpu.memory_space<hbm>>
    tpu.wait_indirect_dma semaphore(%arg13 : memref<!tpu.dma_semaphore, #tpu.memory_space<semaphore_mem>>) src(%dma_wait3A_218 : memref<4096x4096xf32, #tpu.memory_space<hbm>>) dst(%arg10 : memref<8x4096xf32, #tpu.memory_space<vmem>>)
    %add3A_219 = arith.constant 72 : i32
    %add3A_220 = arith.addi %mul3A_2, %add3A_219 : i32
    %dma_wait3A_221 = arith.constant 0 : i32
    %dma_wait3A_222 = tpu.memref_slice %arg5[%add3A_220, %dma_wait3A_221] : memref<8192x4096xf32, #tpu.memory_space<hbm>> -> memref<16x4096xf32, #tpu.memory_space<hbm>>
    %dma_wait3A_223 = arith.constant 0 : i32
    %dma_wait3A_224 = tpu.memref_slice %arg5[%add3A_220, %dma_wait3A_223] : memref<8192x4096xf32, #tpu.memory_space<hbm>> -> memref<16x4096xf32, #tpu.memory_space<hbm>>
    tpu.wait_dma2 semaphore(%arg14 : memref<!tpu.dma_semaphore, #tpu.memory_space<semaphore_mem>>) src(%arg9 : memref<16x4096xf32, #tpu.memory_space<vmem>>) dst(%dma_wait3A_224 : memref<16x4096xf32, #tpu.memory_space<hbm>>)
    %dma_start3A_225 = arith.constant 96 : i32
    %dma_start3A_226 = tpu.memref_slice %arg7[%dma_start3A_225] : memref<256xi32, #tpu.memory_space<vmem>> -> memref<16xi32, #tpu.memory_space<vmem>>
    %dma_start3A_227 = arith.constant 0 : i32
    %dma_start3A_228 = arith.constant 0 : i32
    %dma_start3A_229 = tpu.memref_slice %arg4[%dma_start3A_227, %dma_start3A_228] : memref<4096x4096xf32, #tpu.memory_space<hbm>> -> memref<4096x4096xf32, #tpu.memory_space<hbm>>
    tpu.enqueue_indirect_dma source(%dma_start3A_229 : memref<4096x4096xf32, #tpu.memory_space<hbm>>) target(%arg9 : memref<16x4096xf32, #tpu.memory_space<vmem>>) offsets(%dma_start3A_226 : memref<16xi32, #tpu.memory_space<vmem>>) semaphore(%arg12 : memref<!tpu.dma_semaphore, #tpu.memory_space<semaphore_mem>>)
    %get3A_230 = arith.constant 88 : index
    %get3A_231 = tpu.vector_load %arg8[%get3A_230] {strides = array<i32>} : memref<256xi32, #tpu.memory_space<vmem>>, vector<16xi32>,
    %lt3A_232 = arith.constant 8 : i32
    %lt3A_233 = vector.broadcast %lt3A_232 : i32 to vector<16xi32>
    %lt3A_234 = arith.cmpi slt, %iota3A, %lt3A_233 : vector<16xi32>
    %jit3A_235 = arith.constant 0 : i32
    %broadcast_in_dim3A_236 = vector.broadcast %jit3A_235 : i32 to vector<16xi32>
    %select_n3A_237 = arith.select %lt3A_234, %iota3A, %broadcast_in_dim3A_236 : vector<16xi1>, vector<16xi32>
    %jit3A_238 = arith.constant 0 : i32
    %broadcast_in_dim3A_239 = vector.broadcast %jit3A_238 : i32 to vector<16xi32>
    %select_n3A_240 = arith.select %lt3A_234, %get3A_231, %broadcast_in_dim3A_239 : vector<16xi1>, vector<16xi32>
    %gather3A_241 = tpu.vector_load_idx %arg10[%select_n3A_237, %select_n3A_240] : memref<8x4096xf32, #tpu.memory_space<vmem>>[vector<16xi32>, vector<16xi32>], vector<16xf32>,
    %jit3A_242 = arith.constant 0.000000e+00 : f32
    %broadcast_in_dim3A_243 = vector.broadcast %jit3A_242 : f32 to vector<16xf32>
    %select_n3A_244 = arith.select %lt3A_234, %gather3A_241, %broadcast_in_dim3A_243 : vector<16xi1>, vector<16xf32>
    %add3A_245 = arith.addf %add3A_207, %select_n3A_244 : vector<16xf32>
    %add3A_246 = arith.constant 88 : i32
    %add3A_247 = arith.addi %mul3A_2, %add3A_246 : i32
    %dma_start3A_248 = arith.constant 0 : i32
    %dma_start3A_249 = tpu.memref_slice %arg5[%add3A_247, %dma_start3A_248] : memref<8192x4096xf32, #tpu.memory_space<hbm>> -> memref<8x4096xf32, #tpu.memory_space<hbm>>
    %dma_start3A_250 = arith.constant 0 : i32
    %dma_start3A_251 = tpu.memref_slice %arg5[%add3A_247, %dma_start3A_250] : memref<8192x4096xf32, #tpu.memory_space<hbm>> -> memref<8x4096xf32, #tpu.memory_space<hbm>>
    tpu.enqueue_dma source(%arg10 : memref<8x4096xf32, #tpu.memory_space<vmem>>) target(%dma_start3A_251 : memref<8x4096xf32, #tpu.memory_space<hbm>>) target_semaphore(%arg15 : memref<!tpu.dma_semaphore, #tpu.memory_space<semaphore_mem>>)
    %dma_wait3A_252 = arith.constant 96 : i32
    %dma_wait3A_253 = tpu.memref_slice %arg7[%dma_wait3A_252] : memref<256xi32, #tpu.memory_space<vmem>> -> memref<16xi32, #tpu.memory_space<vmem>>
    %dma_wait3A_254 = arith.constant 0 : i32
    %dma_wait3A_255 = arith.constant 0 : i32
    %dma_wait3A_256 = tpu.memref_slice %arg4[%dma_wait3A_254, %dma_wait3A_255] : memref<4096x4096xf32, #tpu.memory_space<hbm>> -> memref<4096x4096xf32, #tpu.memory_space<hbm>>
    tpu.wait_indirect_dma semaphore(%arg12 : memref<!tpu.dma_semaphore, #tpu.memory_space<semaphore_mem>>) src(%dma_wait3A_256 : memref<4096x4096xf32, #tpu.memory_space<hbm>>) dst(%arg9 : memref<16x4096xf32, #tpu.memory_space<vmem>>)
    %add3A_257 = arith.constant 88 : i32
    %add3A_258 = arith.addi %mul3A_2, %add3A_257 : i32
    %dma_wait3A_259 = arith.constant 0 : i32
    %dma_wait3A_260 = tpu.memref_slice %arg5[%add3A_258, %dma_wait3A_259] : memref<8192x4096xf32, #tpu.memory_space<hbm>> -> memref<8x4096xf32, #tpu.memory_space<hbm>>
    %dma_wait3A_261 = arith.constant 0 : i32
    %dma_wait3A_262 = tpu.memref_slice %arg5[%add3A_258, %dma_wait3A_261] : memref<8192x4096xf32, #tpu.memory_space<hbm>> -> memref<8x4096xf32, #tpu.memory_space<hbm>>
    tpu.wait_dma2 semaphore(%arg15 : memref<!tpu.dma_semaphore, #tpu.memory_space<semaphore_mem>>) src(%arg10 : memref<8x4096xf32, #tpu.memory_space<vmem>>) dst(%dma_wait3A_262 : memref<8x4096xf32, #tpu.memory_space<hbm>>)
    %dma_start3A_263 = arith.constant 112 : i32
    %dma_start3A_264 = tpu.memref_slice %arg7[%dma_start3A_263] : memref<256xi32, #tpu.memory_space<vmem>> -> memref<8xi32, #tpu.memory_space<vmem>>
    %dma_start3A_265 = arith.constant 0 : i32
    %dma_start3A_266 = arith.constant 0 : i32
    %dma_start3A_267 = tpu.memref_slice %arg4[%dma_start3A_265, %dma_start3A_266] : memref<4096x4096xf32, #tpu.memory_space<hbm>> -> memref<4096x4096xf32, #tpu.memory_space<hbm>>
    tpu.enqueue_indirect_dma source(%dma_start3A_267 : memref<4096x4096xf32, #tpu.memory_space<hbm>>) target(%arg10 : memref<8x4096xf32, #tpu.memory_space<vmem>>) offsets(%dma_start3A_264 : memref<8xi32, #tpu.memory_space<vmem>>) semaphore(%arg13 : memref<!tpu.dma_semaphore, #tpu.memory_space<semaphore_mem>>)
    %get3A_268 = arith.constant 96 : index
    %get3A_269 = tpu.vector_load %arg8[%get3A_268] {strides = array<i32>} : memref<256xi32, #tpu.memory_space<vmem>>, vector<16xi32>,
    %gather3A_270 = tpu.vector_load_idx %arg9[%iota3A, %get3A_269] : memref<16x4096xf32, #tpu.memory_space<vmem>>[vector<16xi32>, vector<16xi32>], vector<16xf32>,
    %add3A_271 = arith.addf %add3A_245, %gather3A_270 : vector<16xf32>
    %add3A_272 = arith.constant 96 : i32
    %add3A_273 = arith.addi %mul3A_2, %add3A_272 : i32
    %dma_start3A_274 = arith.constant 0 : i32
    %dma_start3A_275 = tpu.memref_slice %arg5[%add3A_273, %dma_start3A_274] : memref<8192x4096xf32, #tpu.memory_space<hbm>> -> memref<16x4096xf32, #tpu.memory_space<hbm>>
    %dma_start3A_276 = arith.constant 0 : i32
    %dma_start3A_277 = tpu.memref_slice %arg5[%add3A_273, %dma_start3A_276] : memref<8192x4096xf32, #tpu.memory_space<hbm>> -> memref<16x4096xf32, #tpu.memory_space<hbm>>
    tpu.enqueue_dma source(%arg9 : memref<16x4096xf32, #tpu.memory_space<vmem>>) target(%dma_start3A_277 : memref<16x4096xf32, #tpu.memory_space<hbm>>) target_semaphore(%arg14 : memref<!tpu.dma_semaphore, #tpu.memory_space<semaphore_mem>>)
    %dma_wait3A_278 = arith.constant 112 : i32
    %dma_wait3A_279 = tpu.memref_slice %arg7[%dma_wait3A_278] : memref<256xi32, #tpu.memory_space<vmem>> -> memref<8xi32, #tpu.memory_space<vmem>>
    %dma_wait3A_280 = arith.constant 0 : i32
    %dma_wait3A_281 = arith.constant 0 : i32
    %dma_wait3A_282 = tpu.memref_slice %arg4[%dma_wait3A_280, %dma_wait3A_281] : memref<4096x4096xf32, #tpu.memory_space<hbm>> -> memref<4096x4096xf32, #tpu.memory_space<hbm>>
    tpu.wait_indirect_dma semaphore(%arg13 : memref<!tpu.dma_semaphore, #tpu.memory_space<semaphore_mem>>) src(%dma_wait3A_282 : memref<4096x4096xf32, #tpu.memory_space<hbm>>) dst(%arg10 : memref<8x4096xf32, #tpu.memory_space<vmem>>)
    %add3A_283 = arith.constant 96 : i32
    %add3A_284 = arith.addi %mul3A_2, %add3A_283 : i32
    %dma_wait3A_285 = arith.constant 0 : i32
    %dma_wait3A_286 = tpu.memref_slice %arg5[%add3A_284, %dma_wait3A_285] : memref<8192x4096xf32, #tpu.memory_space<hbm>> -> memref<16x4096xf32, #tpu.memory_space<hbm>>
    %dma_wait3A_287 = arith.constant 0 : i32
    %dma_wait3A_288 = tpu.memref_slice %arg5[%add3A_284, %dma_wait3A_287] : memref<8192x4096xf32, #tpu.memory_space<hbm>> -> memref<16x4096xf32, #tpu.memory_space<hbm>>
    tpu.wait_dma2 semaphore(%arg14 : memref<!tpu.dma_semaphore, #tpu.memory_space<semaphore_mem>>) src(%arg9 : memref<16x4096xf32, #tpu.memory_space<vmem>>) dst(%dma_wait3A_288 : memref<16x4096xf32, #tpu.memory_space<hbm>>)
    %dma_start3A_289 = arith.constant 120 : i32
    %dma_start3A_290 = tpu.memref_slice %arg7[%dma_start3A_289] : memref<256xi32, #tpu.memory_space<vmem>> -> memref<16xi32, #tpu.memory_space<vmem>>
    %dma_start3A_291 = arith.constant 0 : i32
    %dma_start3A_292 = arith.constant 0 : i32
    %dma_start3A_293 = tpu.memref_slice %arg4[%dma_start3A_291, %dma_start3A_292] : memref<4096x4096xf32, #tpu.memory_space<hbm>> -> memref<4096x4096xf32, #tpu.memory_space<hbm>>
    tpu.enqueue_indirect_dma source(%dma_start3A_293 : memref<4096x4096xf32, #tpu.memory_space<hbm>>) target(%arg9 : memref<16x4096xf32, #tpu.memory_space<vmem>>) offsets(%dma_start3A_290 : memref<16xi32, #tpu.memory_space<vmem>>) semaphore(%arg12 : memref<!tpu.dma_semaphore, #tpu.memory_space<semaphore_mem>>)
    %get3A_294 = arith.constant 112 : index
    %get3A_295 = tpu.vector_load %arg8[%get3A_294] {strides = array<i32>} : memref<256xi32, #tpu.memory_space<vmem>>, vector<16xi32>,
    %lt3A_296 = arith.constant 8 : i32
    %lt3A_297 = vector.broadcast %lt3A_296 : i32 to vector<16xi32>
    %lt3A_298 = arith.cmpi slt, %iota3A, %lt3A_297 : vector<16xi32>
    %jit3A_299 = arith.constant 0 : i32
    %broadcast_in_dim3A_300 = vector.broadcast %jit3A_299 : i32 to vector<16xi32>
    %select_n3A_301 = arith.select %lt3A_298, %iota3A, %broadcast_in_dim3A_300 : vector<16xi1>, vector<16xi32>
    %jit3A_302 = arith.constant 0 : i32
    %broadcast_in_dim3A_303 = vector.broadcast %jit3A_302 : i32 to vector<16xi32>
    %select_n3A_304 = arith.select %lt3A_298, %get3A_295, %broadcast_in_dim3A_303 : vector<16xi1>, vector<16xi32>
    %gather3A_305 = tpu.vector_load_idx %arg10[%select_n3A_301, %select_n3A_304] : memref<8x4096xf32, #tpu.memory_space<vmem>>[vector<16xi32>, vector<16xi32>], vector<16xf32>,
    %jit3A_306 = arith.constant 0.000000e+00 : f32
    %broadcast_in_dim3A_307 = vector.broadcast %jit3A_306 : f32 to vector<16xf32>
    %select_n3A_308 = arith.select %lt3A_298, %gather3A_305, %broadcast_in_dim3A_307 : vector<16xi1>, vector<16xf32>
    %add3A_309 = arith.addf %add3A_271, %select_n3A_308 : vector<16xf32>
    %add3A_310 = arith.constant 112 : i32
    %add3A_311 = arith.addi %mul3A_2, %add3A_310 : i32
    %dma_start3A_312 = arith.constant 0 : i32
    %dma_start3A_313 = tpu.memref_slice %arg5[%add3A_311, %dma_start3A_312] : memref<8192x4096xf32, #tpu.memory_space<hbm>> -> memref<8x4096xf32, #tpu.memory_space<hbm>>
    %dma_start3A_314 = arith.constant 0 : i32
    %dma_start3A_315 = tpu.memref_slice %arg5[%add3A_311, %dma_start3A_314] : memref<8192x4096xf32, #tpu.memory_space<hbm>> -> memref<8x4096xf32, #tpu.memory_space<hbm>>
    tpu.enqueue_dma source(%arg10 : memref<8x4096xf32, #tpu.memory_space<vmem>>) target(%dma_start3A_315 : memref<8x4096xf32, #tpu.memory_space<hbm>>) target_semaphore(%arg15 : memref<!tpu.dma_semaphore, #tpu.memory_space<semaphore_mem>>)
    %dma_wait3A_316 = arith.constant 120 : i32
    %dma_wait3A_317 = tpu.memref_slice %arg7[%dma_wait3A_316] : memref<256xi32, #tpu.memory_space<vmem>> -> memref<16xi32, #tpu.memory_space<vmem>>
    %dma_wait3A_318 = arith.constant 0 : i32
    %dma_wait3A_319 = arith.constant 0 : i32
    %dma_wait3A_320 = tpu.memref_slice %arg4[%dma_wait3A_318, %dma_wait3A_319] : memref<4096x4096xf32, #tpu.memory_space<hbm>> -> memref<4096x4096xf32, #tpu.memory_space<hbm>>
    tpu.wait_indirect_dma semaphore(%arg12 : memref<!tpu.dma_semaphore, #tpu.memory_space<semaphore_mem>>) src(%dma_wait3A_320 : memref<4096x4096xf32, #tpu.memory_space<hbm>>) dst(%arg9 : memref<16x4096xf32, #tpu.memory_space<vmem>>)
    %add3A_321 = arith.constant 112 : i32
    %add3A_322 = arith.addi %mul3A_2, %add3A_321 : i32
    %dma_wait3A_323 = arith.constant 0 : i32
    %dma_wait3A_324 = tpu.memref_slice %arg5[%add3A_322, %dma_wait3A_323] : memref<8192x4096xf32, #tpu.memory_space<hbm>> -> memref<8x4096xf32, #tpu.memory_space<hbm>>
    %dma_wait3A_325 = arith.constant 0 : i32
    %dma_wait3A_326 = tpu.memref_slice %arg5[%add3A_322, %dma_wait3A_325] : memref<8192x4096xf32, #tpu.memory_space<hbm>> -> memref<8x4096xf32, #tpu.memory_space<hbm>>
    tpu.wait_dma2 semaphore(%arg15 : memref<!tpu.dma_semaphore, #tpu.memory_space<semaphore_mem>>) src(%arg10 : memref<8x4096xf32, #tpu.memory_space<vmem>>) dst(%dma_wait3A_326 : memref<8x4096xf32, #tpu.memory_space<hbm>>)
    %dma_start3A_327 = arith.constant 136 : i32
    %dma_start3A_328 = tpu.memref_slice %arg7[%dma_start3A_327] : memref<256xi32, #tpu.memory_space<vmem>> -> memref<8xi32, #tpu.memory_space<vmem>>
    %dma_start3A_329 = arith.constant 0 : i32
    %dma_start3A_330 = arith.constant 0 : i32
    %dma_start3A_331 = tpu.memref_slice %arg4[%dma_start3A_329, %dma_start3A_330] : memref<4096x4096xf32, #tpu.memory_space<hbm>> -> memref<4096x4096xf32, #tpu.memory_space<hbm>>
    tpu.enqueue_indirect_dma source(%dma_start3A_331 : memref<4096x4096xf32, #tpu.memory_space<hbm>>) target(%arg10 : memref<8x4096xf32, #tpu.memory_space<vmem>>) offsets(%dma_start3A_328 : memref<8xi32, #tpu.memory_space<vmem>>) semaphore(%arg13 : memref<!tpu.dma_semaphore, #tpu.memory_space<semaphore_mem>>)
    %get3A_332 = arith.constant 120 : index
    %get3A_333 = tpu.vector_load %arg8[%get3A_332] {strides = array<i32>} : memref<256xi32, #tpu.memory_space<vmem>>, vector<16xi32>,
    %gather3A_334 = tpu.vector_load_idx %arg9[%iota3A, %get3A_333] : memref<16x4096xf32, #tpu.memory_space<vmem>>[vector<16xi32>, vector<16xi32>], vector<16xf32>,
    %add3A_335 = arith.addf %add3A_309, %gather3A_334 : vector<16xf32>
    %add3A_336 = arith.constant 120 : i32
    %add3A_337 = arith.addi %mul3A_2, %add3A_336 : i32
    %dma_start3A_338 = arith.constant 0 : i32
    %dma_start3A_339 = tpu.memref_slice %arg5[%add3A_337, %dma_start3A_338] : memref<8192x4096xf32, #tpu.memory_space<hbm>> -> memref<16x4096xf32, #tpu.memory_space<hbm>>
    %dma_start3A_340 = arith.constant 0 : i32
    %dma_start3A_341 = tpu.memref_slice %arg5[%add3A_337, %dma_start3A_340] : memref<8192x4096xf32, #tpu.memory_space<hbm>> -> memref<16x4096xf32, #tpu.memory_space<hbm>>
    tpu.enqueue_dma source(%arg9 : memref<16x4096xf32, #tpu.memory_space<vmem>>) target(%dma_start3A_341 : memref<16x4096xf32, #tpu.memory_space<hbm>>) target_semaphore(%arg14 : memref<!tpu.dma_semaphore, #tpu.memory_space<semaphore_mem>>)
    %dma_wait3A_342 = arith.constant 136 : i32
    %dma_wait3A_343 = tpu.memref_slice %arg7[%dma_wait3A_342] : memref<256xi32, #tpu.memory_space<vmem>> -> memref<8xi32, #tpu.memory_space<vmem>>
    %dma_wait3A_344 = arith.constant 0 : i32
    %dma_wait3A_345 = arith.constant 0 : i32
    %dma_wait3A_346 = tpu.memref_slice %arg4[%dma_wait3A_344, %dma_wait3A_345] : memref<4096x4096xf32, #tpu.memory_space<hbm>> -> memref<4096x4096xf32, #tpu.memory_space<hbm>>
    tpu.wait_indirect_dma semaphore(%arg13 : memref<!tpu.dma_semaphore, #tpu.memory_space<semaphore_mem>>) src(%dma_wait3A_346 : memref<4096x4096xf32, #tpu.memory_space<hbm>>) dst(%arg10 : memref<8x4096xf32, #tpu.memory_space<vmem>>)
    %add3A_347 = arith.constant 120 : i32
    %add3A_348 = arith.addi %mul3A_2, %add3A_347 : i32
    %dma_wait3A_349 = arith.constant 0 : i32
    %dma_wait3A_350 = tpu.memref_slice %arg5[%add3A_348, %dma_wait3A_349] : memref<8192x4096xf32, #tpu.memory_space<hbm>> -> memref<16x4096xf32, #tpu.memory_space<hbm>>
    %dma_wait3A_351 = arith.constant 0 : i32
    %dma_wait3A_352 = tpu.memref_slice %arg5[%add3A_348, %dma_wait3A_351] : memref<8192x4096xf32, #tpu.memory_space<hbm>> -> memref<16x4096xf32, #tpu.memory_space<hbm>>
    tpu.wait_dma2 semaphore(%arg14 : memref<!tpu.dma_semaphore, #tpu.memory_space<semaphore_mem>>) src(%arg9 : memref<16x4096xf32, #tpu.memory_space<vmem>>) dst(%dma_wait3A_352 : memref<16x4096xf32, #tpu.memory_space<hbm>>)
    %dma_start3A_353 = arith.constant 144 : i32
    %dma_start3A_354 = tpu.memref_slice %arg7[%dma_start3A_353] : memref<256xi32, #tpu.memory_space<vmem>> -> memref<16xi32, #tpu.memory_space<vmem>>
    %dma_start3A_355 = arith.constant 0 : i32
    %dma_start3A_356 = arith.constant 0 : i32
    %dma_start3A_357 = tpu.memref_slice %arg4[%dma_start3A_355, %dma_start3A_356] : memref<4096x4096xf32, #tpu.memory_space<hbm>> -> memref<4096x4096xf32, #tpu.memory_space<hbm>>
    tpu.enqueue_indirect_dma source(%dma_start3A_357 : memref<4096x4096xf32, #tpu.memory_space<hbm>>) target(%arg9 : memref<16x4096xf32, #tpu.memory_space<vmem>>) offsets(%dma_start3A_354 : memref<16xi32, #tpu.memory_space<vmem>>) semaphore(%arg12 : memref<!tpu.dma_semaphore, #tpu.memory_space<semaphore_mem>>)
    %get3A_358 = arith.constant 136 : index
    %get3A_359 = tpu.vector_load %arg8[%get3A_358] {strides = array<i32>} : memref<256xi32, #tpu.memory_space<vmem>>, vector<16xi32>,
    %lt3A_360 = arith.constant 8 : i32
    %lt3A_361 = vector.broadcast %lt3A_360 : i32 to vector<16xi32>
    %lt3A_362 = arith.cmpi slt, %iota3A, %lt3A_361 : vector<16xi32>
    %jit3A_363 = arith.constant 0 : i32
    %broadcast_in_dim3A_364 = vector.broadcast %jit3A_363 : i32 to vector<16xi32>
    %select_n3A_365 = arith.select %lt3A_362, %iota3A, %broadcast_in_dim3A_364 : vector<16xi1>, vector<16xi32>
    %jit3A_366 = arith.constant 0 : i32
    %broadcast_in_dim3A_367 = vector.broadcast %jit3A_366 : i32 to vector<16xi32>
    %select_n3A_368 = arith.select %lt3A_362, %get3A_359, %broadcast_in_dim3A_367 : vector<16xi1>, vector<16xi32>
    %gather3A_369 = tpu.vector_load_idx %arg10[%select_n3A_365, %select_n3A_368] : memref<8x4096xf32, #tpu.memory_space<vmem>>[vector<16xi32>, vector<16xi32>], vector<16xf32>,
    %jit3A_370 = arith.constant 0.000000e+00 : f32
    %broadcast_in_dim3A_371 = vector.broadcast %jit3A_370 : f32 to vector<16xf32>
    %select_n3A_372 = arith.select %lt3A_362, %gather3A_369, %broadcast_in_dim3A_371 : vector<16xi1>, vector<16xf32>
    %add3A_373 = arith.addf %add3A_335, %select_n3A_372 : vector<16xf32>
    %add3A_374 = arith.constant 136 : i32
    %add3A_375 = arith.addi %mul3A_2, %add3A_374 : i32
    %dma_start3A_376 = arith.constant 0 : i32
    %dma_start3A_377 = tpu.memref_slice %arg5[%add3A_375, %dma_start3A_376] : memref<8192x4096xf32, #tpu.memory_space<hbm>> -> memref<8x4096xf32, #tpu.memory_space<hbm>>
    %dma_start3A_378 = arith.constant 0 : i32
    %dma_start3A_379 = tpu.memref_slice %arg5[%add3A_375, %dma_start3A_378] : memref<8192x4096xf32, #tpu.memory_space<hbm>> -> memref<8x4096xf32, #tpu.memory_space<hbm>>
    tpu.enqueue_dma source(%arg10 : memref<8x4096xf32, #tpu.memory_space<vmem>>) target(%dma_start3A_379 : memref<8x4096xf32, #tpu.memory_space<hbm>>) target_semaphore(%arg15 : memref<!tpu.dma_semaphore, #tpu.memory_space<semaphore_mem>>)
    %dma_wait3A_380 = arith.constant 144 : i32
    %dma_wait3A_381 = tpu.memref_slice %arg7[%dma_wait3A_380] : memref<256xi32, #tpu.memory_space<vmem>> -> memref<16xi32, #tpu.memory_space<vmem>>
    %dma_wait3A_382 = arith.constant 0 : i32
    %dma_wait3A_383 = arith.constant 0 : i32
    %dma_wait3A_384 = tpu.memref_slice %arg4[%dma_wait3A_382, %dma_wait3A_383] : memref<4096x4096xf32, #tpu.memory_space<hbm>> -> memref<4096x4096xf32, #tpu.memory_space<hbm>>
    tpu.wait_indirect_dma semaphore(%arg12 : memref<!tpu.dma_semaphore, #tpu.memory_space<semaphore_mem>>) src(%dma_wait3A_384 : memref<4096x4096xf32, #tpu.memory_space<hbm>>) dst(%arg9 : memref<16x4096xf32, #tpu.memory_space<vmem>>)
    %add3A_385 = arith.constant 136 : i32
    %add3A_386 = arith.addi %mul3A_2, %add3A_385 : i32
    %dma_wait3A_387 = arith.constant 0 : i32
    %dma_wait3A_388 = tpu.memref_slice %arg5[%add3A_386, %dma_wait3A_387] : memref<8192x4096xf32, #tpu.memory_space<hbm>> -> memref<8x4096xf32, #tpu.memory_space<hbm>>
    %dma_wait3A_389 = arith.constant 0 : i32
    %dma_wait3A_390 = tpu.memref_slice %arg5[%add3A_386, %dma_wait3A_389] : memref<8192x4096xf32, #tpu.memory_space<hbm>> -> memref<8x4096xf32, #tpu.memory_space<hbm>>
    tpu.wait_dma2 semaphore(%arg15 : memref<!tpu.dma_semaphore, #tpu.memory_space<semaphore_mem>>) src(%arg10 : memref<8x4096xf32, #tpu.memory_space<vmem>>) dst(%dma_wait3A_390 : memref<8x4096xf32, #tpu.memory_space<hbm>>)
    %dma_start3A_391 = arith.constant 160 : i32
    %dma_start3A_392 = tpu.memref_slice %arg7[%dma_start3A_391] : memref<256xi32, #tpu.memory_space<vmem>> -> memref<8xi32, #tpu.memory_space<vmem>>
    %dma_start3A_393 = arith.constant 0 : i32
    %dma_start3A_394 = arith.constant 0 : i32
    %dma_start3A_395 = tpu.memref_slice %arg4[%dma_start3A_393, %dma_start3A_394] : memref<4096x4096xf32, #tpu.memory_space<hbm>> -> memref<4096x4096xf32, #tpu.memory_space<hbm>>
    tpu.enqueue_indirect_dma source(%dma_start3A_395 : memref<4096x4096xf32, #tpu.memory_space<hbm>>) target(%arg10 : memref<8x4096xf32, #tpu.memory_space<vmem>>) offsets(%dma_start3A_392 : memref<8xi32, #tpu.memory_space<vmem>>) semaphore(%arg13 : memref<!tpu.dma_semaphore, #tpu.memory_space<semaphore_mem>>)
    %get3A_396 = arith.constant 144 : index
    %get3A_397 = tpu.vector_load %arg8[%get3A_396] {strides = array<i32>} : memref<256xi32, #tpu.memory_space<vmem>>, vector<16xi32>,
    %gather3A_398 = tpu.vector_load_idx %arg9[%iota3A, %get3A_397] : memref<16x4096xf32, #tpu.memory_space<vmem>>[vector<16xi32>, vector<16xi32>], vector<16xf32>,
    %add3A_399 = arith.addf %add3A_373, %gather3A_398 : vector<16xf32>
    %add3A_400 = arith.constant 144 : i32
    %add3A_401 = arith.addi %mul3A_2, %add3A_400 : i32
    %dma_start3A_402 = arith.constant 0 : i32
    %dma_start3A_403 = tpu.memref_slice %arg5[%add3A_401, %dma_start3A_402] : memref<8192x4096xf32, #tpu.memory_space<hbm>> -> memref<16x4096xf32, #tpu.memory_space<hbm>>
    %dma_start3A_404 = arith.constant 0 : i32
    %dma_start3A_405 = tpu.memref_slice %arg5[%add3A_401, %dma_start3A_404] : memref<8192x4096xf32, #tpu.memory_space<hbm>> -> memref<16x4096xf32, #tpu.memory_space<hbm>>
    tpu.enqueue_dma source(%arg9 : memref<16x4096xf32, #tpu.memory_space<vmem>>) target(%dma_start3A_405 : memref<16x4096xf32, #tpu.memory_space<hbm>>) target_semaphore(%arg14 : memref<!tpu.dma_semaphore, #tpu.memory_space<semaphore_mem>>)
    %dma_wait3A_406 = arith.constant 160 : i32
    %dma_wait3A_407 = tpu.memref_slice %arg7[%dma_wait3A_406] : memref<256xi32, #tpu.memory_space<vmem>> -> memref<8xi32, #tpu.memory_space<vmem>>
    %dma_wait3A_408 = arith.constant 0 : i32
    %dma_wait3A_409 = arith.constant 0 : i32
    %dma_wait3A_410 = tpu.memref_slice %arg4[%dma_wait3A_408, %dma_wait3A_409] : memref<4096x4096xf32, #tpu.memory_space<hbm>> -> memref<4096x4096xf32, #tpu.memory_space<hbm>>
    tpu.wait_indirect_dma semaphore(%arg13 : memref<!tpu.dma_semaphore, #tpu.memory_space<semaphore_mem>>) src(%dma_wait3A_410 : memref<4096x4096xf32, #tpu.memory_space<hbm>>) dst(%arg10 : memref<8x4096xf32, #tpu.memory_space<vmem>>)
    %add3A_411 = arith.constant 144 : i32
    %add3A_412 = arith.addi %mul3A_2, %add3A_411 : i32
    %dma_wait3A_413 = arith.constant 0 : i32
    %dma_wait3A_414 = tpu.memref_slice %arg5[%add3A_412, %dma_wait3A_413] : memref<8192x4096xf32, #tpu.memory_space<hbm>> -> memref<16x4096xf32, #tpu.memory_space<hbm>>
    %dma_wait3A_415 = arith.constant 0 : i32
    %dma_wait3A_416 = tpu.memref_slice %arg5[%add3A_412, %dma_wait3A_415] : memref<8192x4096xf32, #tpu.memory_space<hbm>> -> memref<16x4096xf32, #tpu.memory_space<hbm>>
    tpu.wait_dma2 semaphore(%arg14 : memref<!tpu.dma_semaphore, #tpu.memory_space<semaphore_mem>>) src(%arg9 : memref<16x4096xf32, #tpu.memory_space<vmem>>) dst(%dma_wait3A_416 : memref<16x4096xf32, #tpu.memory_space<hbm>>)
    %dma_start3A_417 = arith.constant 168 : i32
    %dma_start3A_418 = tpu.memref_slice %arg7[%dma_start3A_417] : memref<256xi32, #tpu.memory_space<vmem>> -> memref<16xi32, #tpu.memory_space<vmem>>
    %dma_start3A_419 = arith.constant 0 : i32
    %dma_start3A_420 = arith.constant 0 : i32
    %dma_start3A_421 = tpu.memref_slice %arg4[%dma_start3A_419, %dma_start3A_420] : memref<4096x4096xf32, #tpu.memory_space<hbm>> -> memref<4096x4096xf32, #tpu.memory_space<hbm>>
    tpu.enqueue_indirect_dma source(%dma_start3A_421 : memref<4096x4096xf32, #tpu.memory_space<hbm>>) target(%arg9 : memref<16x4096xf32, #tpu.memory_space<vmem>>) offsets(%dma_start3A_418 : memref<16xi32, #tpu.memory_space<vmem>>) semaphore(%arg12 : memref<!tpu.dma_semaphore, #tpu.memory_space<semaphore_mem>>)
    %get3A_422 = arith.constant 160 : index
    %get3A_423 = tpu.vector_load %arg8[%get3A_422] {strides = array<i32>} : memref<256xi32, #tpu.memory_space<vmem>>, vector<16xi32>,
    %lt3A_424 = arith.constant 8 : i32
    %lt3A_425 = vector.broadcast %lt3A_424 : i32 to vector<16xi32>
    %lt3A_426 = arith.cmpi slt, %iota3A, %lt3A_425 : vector<16xi32>
    %jit3A_427 = arith.constant 0 : i32
    %broadcast_in_dim3A_428 = vector.broadcast %jit3A_427 : i32 to vector<16xi32>
    %select_n3A_429 = arith.select %lt3A_426, %iota3A, %broadcast_in_dim3A_428 : vector<16xi1>, vector<16xi32>
    %jit3A_430 = arith.constant 0 : i32
    %broadcast_in_dim3A_431 = vector.broadcast %jit3A_430 : i32 to vector<16xi32>
    %select_n3A_432 = arith.select %lt3A_426, %get3A_423, %broadcast_in_dim3A_431 : vector<16xi1>, vector<16xi32>
    %gather3A_433 = tpu.vector_load_idx %arg10[%select_n3A_429, %select_n3A_432] : memref<8x4096xf32, #tpu.memory_space<vmem>>[vector<16xi32>, vector<16xi32>], vector<16xf32>,
    %jit3A_434 = arith.constant 0.000000e+00 : f32
    %broadcast_in_dim3A_435 = vector.broadcast %jit3A_434 : f32 to vector<16xf32>
    %select_n3A_436 = arith.select %lt3A_426, %gather3A_433, %broadcast_in_dim3A_435 : vector<16xi1>, vector<16xf32>
    %add3A_437 = arith.addf %add3A_399, %select_n3A_436 : vector<16xf32>
    %add3A_438 = arith.constant 160 : i32
    %add3A_439 = arith.addi %mul3A_2, %add3A_438 : i32
    %dma_start3A_440 = arith.constant 0 : i32
    %dma_start3A_441 = tpu.memref_slice %arg5[%add3A_439, %dma_start3A_440] : memref<8192x4096xf32, #tpu.memory_space<hbm>> -> memref<8x4096xf32, #tpu.memory_space<hbm>>
    %dma_start3A_442 = arith.constant 0 : i32
    %dma_start3A_443 = tpu.memref_slice %arg5[%add3A_439, %dma_start3A_442] : memref<8192x4096xf32, #tpu.memory_space<hbm>> -> memref<8x4096xf32, #tpu.memory_space<hbm>>
    tpu.enqueue_dma source(%arg10 : memref<8x4096xf32, #tpu.memory_space<vmem>>) target(%dma_start3A_443 : memref<8x4096xf32, #tpu.memory_space<hbm>>) target_semaphore(%arg15 : memref<!tpu.dma_semaphore, #tpu.memory_space<semaphore_mem>>)
    %dma_wait3A_444 = arith.constant 168 : i32
    %dma_wait3A_445 = tpu.memref_slice %arg7[%dma_wait3A_444] : memref<256xi32, #tpu.memory_space<vmem>> -> memref<16xi32, #tpu.memory_space<vmem>>
    %dma_wait3A_446 = arith.constant 0 : i32
    %dma_wait3A_447 = arith.constant 0 : i32
    %dma_wait3A_448 = tpu.memref_slice %arg4[%dma_wait3A_446, %dma_wait3A_447] : memref<4096x4096xf32, #tpu.memory_space<hbm>> -> memref<4096x4096xf32, #tpu.memory_space<hbm>>
    tpu.wait_indirect_dma semaphore(%arg12 : memref<!tpu.dma_semaphore, #tpu.memory_space<semaphore_mem>>) src(%dma_wait3A_448 : memref<4096x4096xf32, #tpu.memory_space<hbm>>) dst(%arg9 : memref<16x4096xf32, #tpu.memory_space<vmem>>)
    %add3A_449 = arith.constant 160 : i32
    %add3A_450 = arith.addi %mul3A_2, %add3A_449 : i32
    %dma_wait3A_451 = arith.constant 0 : i32
    %dma_wait3A_452 = tpu.memref_slice %arg5[%add3A_450, %dma_wait3A_451] : memref<8192x4096xf32, #tpu.memory_space<hbm>> -> memref<8x4096xf32, #tpu.memory_space<hbm>>
    %dma_wait3A_453 = arith.constant 0 : i32
    %dma_wait3A_454 = tpu.memref_slice %arg5[%add3A_450, %dma_wait3A_453] : memref<8192x4096xf32, #tpu.memory_space<hbm>> -> memref<8x4096xf32, #tpu.memory_space<hbm>>
    tpu.wait_dma2 semaphore(%arg15 : memref<!tpu.dma_semaphore, #tpu.memory_space<semaphore_mem>>) src(%arg10 : memref<8x4096xf32, #tpu.memory_space<vmem>>) dst(%dma_wait3A_454 : memref<8x4096xf32, #tpu.memory_space<hbm>>)
    %dma_start3A_455 = arith.constant 184 : i32
    %dma_start3A_456 = tpu.memref_slice %arg7[%dma_start3A_455] : memref<256xi32, #tpu.memory_space<vmem>> -> memref<8xi32, #tpu.memory_space<vmem>>
    %dma_start3A_457 = arith.constant 0 : i32
    %dma_start3A_458 = arith.constant 0 : i32
    %dma_start3A_459 = tpu.memref_slice %arg4[%dma_start3A_457, %dma_start3A_458] : memref<4096x4096xf32, #tpu.memory_space<hbm>> -> memref<4096x4096xf32, #tpu.memory_space<hbm>>
    tpu.enqueue_indirect_dma source(%dma_start3A_459 : memref<4096x4096xf32, #tpu.memory_space<hbm>>) target(%arg10 : memref<8x4096xf32, #tpu.memory_space<vmem>>) offsets(%dma_start3A_456 : memref<8xi32, #tpu.memory_space<vmem>>) semaphore(%arg13 : memref<!tpu.dma_semaphore, #tpu.memory_space<semaphore_mem>>)
    %get3A_460 = arith.constant 168 : index
    %get3A_461 = tpu.vector_load %arg8[%get3A_460] {strides = array<i32>} : memref<256xi32, #tpu.memory_space<vmem>>, vector<16xi32>,
    %gather3A_462 = tpu.vector_load_idx %arg9[%iota3A, %get3A_461] : memref<16x4096xf32, #tpu.memory_space<vmem>>[vector<16xi32>, vector<16xi32>], vector<16xf32>,
    %add3A_463 = arith.addf %add3A_437, %gather3A_462 : vector<16xf32>
    %add3A_464 = arith.constant 168 : i32
    %add3A_465 = arith.addi %mul3A_2, %add3A_464 : i32
    %dma_start3A_466 = arith.constant 0 : i32
    %dma_start3A_467 = tpu.memref_slice %arg5[%add3A_465, %dma_start3A_466] : memref<8192x4096xf32, #tpu.memory_space<hbm>> -> memref<16x4096xf32, #tpu.memory_space<hbm>>
    %dma_start3A_468 = arith.constant 0 : i32
    %dma_start3A_469 = tpu.memref_slice %arg5[%add3A_465, %dma_start3A_468] : memref<8192x4096xf32, #tpu.memory_space<hbm>> -> memref<16x4096xf32, #tpu.memory_space<hbm>>
    tpu.enqueue_dma source(%arg9 : memref<16x4096xf32, #tpu.memory_space<vmem>>) target(%dma_start3A_469 : memref<16x4096xf32, #tpu.memory_space<hbm>>) target_semaphore(%arg14 : memref<!tpu.dma_semaphore, #tpu.memory_space<semaphore_mem>>)
    %dma_wait3A_470 = arith.constant 184 : i32
    %dma_wait3A_471 = tpu.memref_slice %arg7[%dma_wait3A_470] : memref<256xi32, #tpu.memory_space<vmem>> -> memref<8xi32, #tpu.memory_space<vmem>>
    %dma_wait3A_472 = arith.constant 0 : i32
    %dma_wait3A_473 = arith.constant 0 : i32
    %dma_wait3A_474 = tpu.memref_slice %arg4[%dma_wait3A_472, %dma_wait3A_473] : memref<4096x4096xf32, #tpu.memory_space<hbm>> -> memref<4096x4096xf32, #tpu.memory_space<hbm>>
    tpu.wait_indirect_dma semaphore(%arg13 : memref<!tpu.dma_semaphore, #tpu.memory_space<semaphore_mem>>) src(%dma_wait3A_474 : memref<4096x4096xf32, #tpu.memory_space<hbm>>) dst(%arg10 : memref<8x4096xf32, #tpu.memory_space<vmem>>)
    %add3A_475 = arith.constant 168 : i32
    %add3A_476 = arith.addi %mul3A_2, %add3A_475 : i32
    %dma_wait3A_477 = arith.constant 0 : i32
    %dma_wait3A_478 = tpu.memref_slice %arg5[%add3A_476, %dma_wait3A_477] : memref<8192x4096xf32, #tpu.memory_space<hbm>> -> memref<16x4096xf32, #tpu.memory_space<hbm>>
    %dma_wait3A_479 = arith.constant 0 : i32
    %dma_wait3A_480 = tpu.memref_slice %arg5[%add3A_476, %dma_wait3A_479] : memref<8192x4096xf32, #tpu.memory_space<hbm>> -> memref<16x4096xf32, #tpu.memory_space<hbm>>
    tpu.wait_dma2 semaphore(%arg14 : memref<!tpu.dma_semaphore, #tpu.memory_space<semaphore_mem>>) src(%arg9 : memref<16x4096xf32, #tpu.memory_space<vmem>>) dst(%dma_wait3A_480 : memref<16x4096xf32, #tpu.memory_space<hbm>>)
    %dma_start3A_481 = arith.constant 192 : i32
    %dma_start3A_482 = tpu.memref_slice %arg7[%dma_start3A_481] : memref<256xi32, #tpu.memory_space<vmem>> -> memref<16xi32, #tpu.memory_space<vmem>>
    %dma_start3A_483 = arith.constant 0 : i32
    %dma_start3A_484 = arith.constant 0 : i32
    %dma_start3A_485 = tpu.memref_slice %arg4[%dma_start3A_483, %dma_start3A_484] : memref<4096x4096xf32, #tpu.memory_space<hbm>> -> memref<4096x4096xf32, #tpu.memory_space<hbm>>
    tpu.enqueue_indirect_dma source(%dma_start3A_485 : memref<4096x4096xf32, #tpu.memory_space<hbm>>) target(%arg9 : memref<16x4096xf32, #tpu.memory_space<vmem>>) offsets(%dma_start3A_482 : memref<16xi32, #tpu.memory_space<vmem>>) semaphore(%arg12 : memref<!tpu.dma_semaphore, #tpu.memory_space<semaphore_mem>>)
    %get3A_486 = arith.constant 184 : index
    %get3A_487 = tpu.vector_load %arg8[%get3A_486] {strides = array<i32>} : memref<256xi32, #tpu.memory_space<vmem>>, vector<16xi32>,
    %lt3A_488 = arith.constant 8 : i32
    %lt3A_489 = vector.broadcast %lt3A_488 : i32 to vector<16xi32>
    %lt3A_490 = arith.cmpi slt, %iota3A, %lt3A_489 : vector<16xi32>
    %jit3A_491 = arith.constant 0 : i32
    %broadcast_in_dim3A_492 = vector.broadcast %jit3A_491 : i32 to vector<16xi32>
    %select_n3A_493 = arith.select %lt3A_490, %iota3A, %broadcast_in_dim3A_492 : vector<16xi1>, vector<16xi32>
    %jit3A_494 = arith.constant 0 : i32
    %broadcast_in_dim3A_495 = vector.broadcast %jit3A_494 : i32 to vector<16xi32>
    %select_n3A_496 = arith.select %lt3A_490, %get3A_487, %broadcast_in_dim3A_495 : vector<16xi1>, vector<16xi32>
    %gather3A_497 = tpu.vector_load_idx %arg10[%select_n3A_493, %select_n3A_496] : memref<8x4096xf32, #tpu.memory_space<vmem>>[vector<16xi32>, vector<16xi32>], vector<16xf32>,
    %jit3A_498 = arith.constant 0.000000e+00 : f32
    %broadcast_in_dim3A_499 = vector.broadcast %jit3A_498 : f32 to vector<16xf32>
    %select_n3A_500 = arith.select %lt3A_490, %gather3A_497, %broadcast_in_dim3A_499 : vector<16xi1>, vector<16xf32>
    %add3A_501 = arith.addf %add3A_463, %select_n3A_500 : vector<16xf32>
    %add3A_502 = arith.constant 184 : i32
    %add3A_503 = arith.addi %mul3A_2, %add3A_502 : i32
    %dma_start3A_504 = arith.constant 0 : i32
    %dma_start3A_505 = tpu.memref_slice %arg5[%add3A_503, %dma_start3A_504] : memref<8192x4096xf32, #tpu.memory_space<hbm>> -> memref<8x4096xf32, #tpu.memory_space<hbm>>
    %dma_start3A_506 = arith.constant 0 : i32
    %dma_start3A_507 = tpu.memref_slice %arg5[%add3A_503, %dma_start3A_506] : memref<8192x4096xf32, #tpu.memory_space<hbm>> -> memref<8x4096xf32, #tpu.memory_space<hbm>>
    tpu.enqueue_dma source(%arg10 : memref<8x4096xf32, #tpu.memory_space<vmem>>) target(%dma_start3A_507 : memref<8x4096xf32, #tpu.memory_space<hbm>>) target_semaphore(%arg15 : memref<!tpu.dma_semaphore, #tpu.memory_space<semaphore_mem>>)
    %dma_wait3A_508 = arith.constant 192 : i32
    %dma_wait3A_509 = tpu.memref_slice %arg7[%dma_wait3A_508] : memref<256xi32, #tpu.memory_space<vmem>> -> memref<16xi32, #tpu.memory_space<vmem>>
    %dma_wait3A_510 = arith.constant 0 : i32
    %dma_wait3A_511 = arith.constant 0 : i32
    %dma_wait3A_512 = tpu.memref_slice %arg4[%dma_wait3A_510, %dma_wait3A_511] : memref<4096x4096xf32, #tpu.memory_space<hbm>> -> memref<4096x4096xf32, #tpu.memory_space<hbm>>
    tpu.wait_indirect_dma semaphore(%arg12 : memref<!tpu.dma_semaphore, #tpu.memory_space<semaphore_mem>>) src(%dma_wait3A_512 : memref<4096x4096xf32, #tpu.memory_space<hbm>>) dst(%arg9 : memref<16x4096xf32, #tpu.memory_space<vmem>>)
    %add3A_513 = arith.constant 184 : i32
    %add3A_514 = arith.addi %mul3A_2, %add3A_513 : i32
    %dma_wait3A_515 = arith.constant 0 : i32
    %dma_wait3A_516 = tpu.memref_slice %arg5[%add3A_514, %dma_wait3A_515] : memref<8192x4096xf32, #tpu.memory_space<hbm>> -> memref<8x4096xf32, #tpu.memory_space<hbm>>
    %dma_wait3A_517 = arith.constant 0 : i32
    %dma_wait3A_518 = tpu.memref_slice %arg5[%add3A_514, %dma_wait3A_517] : memref<8192x4096xf32, #tpu.memory_space<hbm>> -> memref<8x4096xf32, #tpu.memory_space<hbm>>
    tpu.wait_dma2 semaphore(%arg15 : memref<!tpu.dma_semaphore, #tpu.memory_space<semaphore_mem>>) src(%arg10 : memref<8x4096xf32, #tpu.memory_space<vmem>>) dst(%dma_wait3A_518 : memref<8x4096xf32, #tpu.memory_space<hbm>>)
    %dma_start3A_519 = arith.constant 208 : i32
    %dma_start3A_520 = tpu.memref_slice %arg7[%dma_start3A_519] : memref<256xi32, #tpu.memory_space<vmem>> -> memref<8xi32, #tpu.memory_space<vmem>>
    %dma_start3A_521 = arith.constant 0 : i32
    %dma_start3A_522 = arith.constant 0 : i32
    %dma_start3A_523 = tpu.memref_slice %arg4[%dma_start3A_521, %dma_start3A_522] : memref<4096x4096xf32, #tpu.memory_space<hbm>> -> memref<4096x4096xf32, #tpu.memory_space<hbm>>
    tpu.enqueue_indirect_dma source(%dma_start3A_523 : memref<4096x4096xf32, #tpu.memory_space<hbm>>) target(%arg10 : memref<8x4096xf32, #tpu.memory_space<vmem>>) offsets(%dma_start3A_520 : memref<8xi32, #tpu.memory_space<vmem>>) semaphore(%arg13 : memref<!tpu.dma_semaphore, #tpu.memory_space<semaphore_mem>>)
    %get3A_524 = arith.constant 192 : index
    %get3A_525 = tpu.vector_load %arg8[%get3A_524] {strides = array<i32>} : memref<256xi32, #tpu.memory_space<vmem>>, vector<16xi32>,
    %gather3A_526 = tpu.vector_load_idx %arg9[%iota3A, %get3A_525] : memref<16x4096xf32, #tpu.memory_space<vmem>>[vector<16xi32>, vector<16xi32>], vector<16xf32>,
    %add3A_527 = arith.addf %add3A_501, %gather3A_526 : vector<16xf32>
    %add3A_528 = arith.constant 192 : i32
    %add3A_529 = arith.addi %mul3A_2, %add3A_528 : i32
    %dma_start3A_530 = arith.constant 0 : i32
    %dma_start3A_531 = tpu.memref_slice %arg5[%add3A_529, %dma_start3A_530] : memref<8192x4096xf32, #tpu.memory_space<hbm>> -> memref<16x4096xf32, #tpu.memory_space<hbm>>
    %dma_start3A_532 = arith.constant 0 : i32
    %dma_start3A_533 = tpu.memref_slice %arg5[%add3A_529, %dma_start3A_532] : memref<8192x4096xf32, #tpu.memory_space<hbm>> -> memref<16x4096xf32, #tpu.memory_space<hbm>>
    tpu.enqueue_dma source(%arg9 : memref<16x4096xf32, #tpu.memory_space<vmem>>) target(%dma_start3A_533 : memref<16x4096xf32, #tpu.memory_space<hbm>>) target_semaphore(%arg14 : memref<!tpu.dma_semaphore, #tpu.memory_space<semaphore_mem>>)
    %dma_wait3A_534 = arith.constant 208 : i32
    %dma_wait3A_535 = tpu.memref_slice %arg7[%dma_wait3A_534] : memref<256xi32, #tpu.memory_space<vmem>> -> memref<8xi32, #tpu.memory_space<vmem>>
    %dma_wait3A_536 = arith.constant 0 : i32
    %dma_wait3A_537 = arith.constant 0 : i32
    %dma_wait3A_538 = tpu.memref_slice %arg4[%dma_wait3A_536, %dma_wait3A_537] : memref<4096x4096xf32, #tpu.memory_space<hbm>> -> memref<4096x4096xf32, #tpu.memory_space<hbm>>
    tpu.wait_indirect_dma semaphore(%arg13 : memref<!tpu.dma_semaphore, #tpu.memory_space<semaphore_mem>>) src(%dma_wait3A_538 : memref<4096x4096xf32, #tpu.memory_space<hbm>>) dst(%arg10 : memref<8x4096xf32, #tpu.memory_space<vmem>>)
    %add3A_539 = arith.constant 192 : i32
    %add3A_540 = arith.addi %mul3A_2, %add3A_539 : i32
    %dma_wait3A_541 = arith.constant 0 : i32
    %dma_wait3A_542 = tpu.memref_slice %arg5[%add3A_540, %dma_wait3A_541] : memref<8192x4096xf32, #tpu.memory_space<hbm>> -> memref<16x4096xf32, #tpu.memory_space<hbm>>
    %dma_wait3A_543 = arith.constant 0 : i32
    %dma_wait3A_544 = tpu.memref_slice %arg5[%add3A_540, %dma_wait3A_543] : memref<8192x4096xf32, #tpu.memory_space<hbm>> -> memref<16x4096xf32, #tpu.memory_space<hbm>>
    tpu.wait_dma2 semaphore(%arg14 : memref<!tpu.dma_semaphore, #tpu.memory_space<semaphore_mem>>) src(%arg9 : memref<16x4096xf32, #tpu.memory_space<vmem>>) dst(%dma_wait3A_544 : memref<16x4096xf32, #tpu.memory_space<hbm>>)
    %dma_start3A_545 = arith.constant 216 : i32
    %dma_start3A_546 = tpu.memref_slice %arg7[%dma_start3A_545] : memref<256xi32, #tpu.memory_space<vmem>> -> memref<16xi32, #tpu.memory_space<vmem>>
    %dma_start3A_547 = arith.constant 0 : i32
    %dma_start3A_548 = arith.constant 0 : i32
    %dma_start3A_549 = tpu.memref_slice %arg4[%dma_start3A_547, %dma_start3A_548] : memref<4096x4096xf32, #tpu.memory_space<hbm>> -> memref<4096x4096xf32, #tpu.memory_space<hbm>>
    tpu.enqueue_indirect_dma source(%dma_start3A_549 : memref<4096x4096xf32, #tpu.memory_space<hbm>>) target(%arg9 : memref<16x4096xf32, #tpu.memory_space<vmem>>) offsets(%dma_start3A_546 : memref<16xi32, #tpu.memory_space<vmem>>) semaphore(%arg12 : memref<!tpu.dma_semaphore, #tpu.memory_space<semaphore_mem>>)
    %get3A_550 = arith.constant 208 : index
    %get3A_551 = tpu.vector_load %arg8[%get3A_550] {strides = array<i32>} : memref<256xi32, #tpu.memory_space<vmem>>, vector<16xi32>,
    %lt3A_552 = arith.constant 8 : i32
    %lt3A_553 = vector.broadcast %lt3A_552 : i32 to vector<16xi32>
    %lt3A_554 = arith.cmpi slt, %iota3A, %lt3A_553 : vector<16xi32>
    %jit3A_555 = arith.constant 0 : i32
    %broadcast_in_dim3A_556 = vector.broadcast %jit3A_555 : i32 to vector<16xi32>
    %select_n3A_557 = arith.select %lt3A_554, %iota3A, %broadcast_in_dim3A_556 : vector<16xi1>, vector<16xi32>
    %jit3A_558 = arith.constant 0 : i32
    %broadcast_in_dim3A_559 = vector.broadcast %jit3A_558 : i32 to vector<16xi32>
    %select_n3A_560 = arith.select %lt3A_554, %get3A_551, %broadcast_in_dim3A_559 : vector<16xi1>, vector<16xi32>
    %gather3A_561 = tpu.vector_load_idx %arg10[%select_n3A_557, %select_n3A_560] : memref<8x4096xf32, #tpu.memory_space<vmem>>[vector<16xi32>, vector<16xi32>], vector<16xf32>,
    %jit3A_562 = arith.constant 0.000000e+00 : f32
    %broadcast_in_dim3A_563 = vector.broadcast %jit3A_562 : f32 to vector<16xf32>
    %select_n3A_564 = arith.select %lt3A_554, %gather3A_561, %broadcast_in_dim3A_563 : vector<16xi1>, vector<16xf32>
    %add3A_565 = arith.addf %add3A_527, %select_n3A_564 : vector<16xf32>
    %add3A_566 = arith.constant 208 : i32
    %add3A_567 = arith.addi %mul3A_2, %add3A_566 : i32
    %dma_start3A_568 = arith.constant 0 : i32
    %dma_start3A_569 = tpu.memref_slice %arg5[%add3A_567, %dma_start3A_568] : memref<8192x4096xf32, #tpu.memory_space<hbm>> -> memref<8x4096xf32, #tpu.memory_space<hbm>>
    %dma_start3A_570 = arith.constant 0 : i32
    %dma_start3A_571 = tpu.memref_slice %arg5[%add3A_567, %dma_start3A_570] : memref<8192x4096xf32, #tpu.memory_space<hbm>> -> memref<8x4096xf32, #tpu.memory_space<hbm>>
    tpu.enqueue_dma source(%arg10 : memref<8x4096xf32, #tpu.memory_space<vmem>>) target(%dma_start3A_571 : memref<8x4096xf32, #tpu.memory_space<hbm>>) target_semaphore(%arg15 : memref<!tpu.dma_semaphore, #tpu.memory_space<semaphore_mem>>)
    %dma_wait3A_572 = arith.constant 216 : i32
    %dma_wait3A_573 = tpu.memref_slice %arg7[%dma_wait3A_572] : memref<256xi32, #tpu.memory_space<vmem>> -> memref<16xi32, #tpu.memory_space<vmem>>
    %dma_wait3A_574 = arith.constant 0 : i32
    %dma_wait3A_575 = arith.constant 0 : i32
    %dma_wait3A_576 = tpu.memref_slice %arg4[%dma_wait3A_574, %dma_wait3A_575] : memref<4096x4096xf32, #tpu.memory_space<hbm>> -> memref<4096x4096xf32, #tpu.memory_space<hbm>>
    tpu.wait_indirect_dma semaphore(%arg12 : memref<!tpu.dma_semaphore, #tpu.memory_space<semaphore_mem>>) src(%dma_wait3A_576 : memref<4096x4096xf32, #tpu.memory_space<hbm>>) dst(%arg9 : memref<16x4096xf32, #tpu.memory_space<vmem>>)
    %add3A_577 = arith.constant 208 : i32
    %add3A_578 = arith.addi %mul3A_2, %add3A_577 : i32
    %dma_wait3A_579 = arith.constant 0 : i32
    %dma_wait3A_580 = tpu.memref_slice %arg5[%add3A_578, %dma_wait3A_579] : memref<8192x4096xf32, #tpu.memory_space<hbm>> -> memref<8x4096xf32, #tpu.memory_space<hbm>>
    %dma_wait3A_581 = arith.constant 0 : i32
    %dma_wait3A_582 = tpu.memref_slice %arg5[%add3A_578, %dma_wait3A_581] : memref<8192x4096xf32, #tpu.memory_space<hbm>> -> memref<8x4096xf32, #tpu.memory_space<hbm>>
    tpu.wait_dma2 semaphore(%arg15 : memref<!tpu.dma_semaphore, #tpu.memory_space<semaphore_mem>>) src(%arg10 : memref<8x4096xf32, #tpu.memory_space<vmem>>) dst(%dma_wait3A_582 : memref<8x4096xf32, #tpu.memory_space<hbm>>)
    %dma_start3A_583 = arith.constant 232 : i32
    %dma_start3A_584 = tpu.memref_slice %arg7[%dma_start3A_583] : memref<256xi32, #tpu.memory_space<vmem>> -> memref<8xi32, #tpu.memory_space<vmem>>
    %dma_start3A_585 = arith.constant 0 : i32
    %dma_start3A_586 = arith.constant 0 : i32
    %dma_start3A_587 = tpu.memref_slice %arg4[%dma_start3A_585, %dma_start3A_586] : memref<4096x4096xf32, #tpu.memory_space<hbm>> -> memref<4096x4096xf32, #tpu.memory_space<hbm>>
    tpu.enqueue_indirect_dma source(%dma_start3A_587 : memref<4096x4096xf32, #tpu.memory_space<hbm>>) target(%arg10 : memref<8x4096xf32, #tpu.memory_space<vmem>>) offsets(%dma_start3A_584 : memref<8xi32, #tpu.memory_space<vmem>>) semaphore(%arg13 : memref<!tpu.dma_semaphore, #tpu.memory_space<semaphore_mem>>)
    %get3A_588 = arith.constant 216 : index
    %get3A_589 = tpu.vector_load %arg8[%get3A_588] {strides = array<i32>} : memref<256xi32, #tpu.memory_space<vmem>>, vector<16xi32>,
    %gather3A_590 = tpu.vector_load_idx %arg9[%iota3A, %get3A_589] : memref<16x4096xf32, #tpu.memory_space<vmem>>[vector<16xi32>, vector<16xi32>], vector<16xf32>,
    %add3A_591 = arith.addf %add3A_565, %gather3A_590 : vector<16xf32>
    %add3A_592 = arith.constant 216 : i32
    %add3A_593 = arith.addi %mul3A_2, %add3A_592 : i32
    %dma_start3A_594 = arith.constant 0 : i32
    %dma_start3A_595 = tpu.memref_slice %arg5[%add3A_593, %dma_start3A_594] : memref<8192x4096xf32, #tpu.memory_space<hbm>> -> memref<16x4096xf32, #tpu.memory_space<hbm>>
    %dma_start3A_596 = arith.constant 0 : i32
    %dma_start3A_597 = tpu.memref_slice %arg5[%add3A_593, %dma_start3A_596] : memref<8192x4096xf32, #tpu.memory_space<hbm>> -> memref<16x4096xf32, #tpu.memory_space<hbm>>
    tpu.enqueue_dma source(%arg9 : memref<16x4096xf32, #tpu.memory_space<vmem>>) target(%dma_start3A_597 : memref<16x4096xf32, #tpu.memory_space<hbm>>) target_semaphore(%arg14 : memref<!tpu.dma_semaphore, #tpu.memory_space<semaphore_mem>>)
    %dma_wait3A_598 = arith.constant 232 : i32
    %dma_wait3A_599 = tpu.memref_slice %arg7[%dma_wait3A_598] : memref<256xi32, #tpu.memory_space<vmem>> -> memref<8xi32, #tpu.memory_space<vmem>>
    %dma_wait3A_600 = arith.constant 0 : i32
    %dma_wait3A_601 = arith.constant 0 : i32
    %dma_wait3A_602 = tpu.memref_slice %arg4[%dma_wait3A_600, %dma_wait3A_601] : memref<4096x4096xf32, #tpu.memory_space<hbm>> -> memref<4096x4096xf32, #tpu.memory_space<hbm>>
    tpu.wait_indirect_dma semaphore(%arg13 : memref<!tpu.dma_semaphore, #tpu.memory_space<semaphore_mem>>) src(%dma_wait3A_602 : memref<4096x4096xf32, #tpu.memory_space<hbm>>) dst(%arg10 : memref<8x4096xf32, #tpu.memory_space<vmem>>)
    %add3A_603 = arith.constant 216 : i32
    %add3A_604 = arith.addi %mul3A_2, %add3A_603 : i32
    %dma_wait3A_605 = arith.constant 0 : i32
    %dma_wait3A_606 = tpu.memref_slice %arg5[%add3A_604, %dma_wait3A_605] : memref<8192x4096xf32, #tpu.memory_space<hbm>> -> memref<16x4096xf32, #tpu.memory_space<hbm>>
    %dma_wait3A_607 = arith.constant 0 : i32
    %dma_wait3A_608 = tpu.memref_slice %arg5[%add3A_604, %dma_wait3A_607] : memref<8192x4096xf32, #tpu.memory_space<hbm>> -> memref<16x4096xf32, #tpu.memory_space<hbm>>
    tpu.wait_dma2 semaphore(%arg14 : memref<!tpu.dma_semaphore, #tpu.memory_space<semaphore_mem>>) src(%arg9 : memref<16x4096xf32, #tpu.memory_space<vmem>>) dst(%dma_wait3A_608 : memref<16x4096xf32, #tpu.memory_space<hbm>>)
    %dma_start3A_609 = arith.constant 240 : i32
    %dma_start3A_610 = tpu.memref_slice %arg7[%dma_start3A_609] : memref<256xi32, #tpu.memory_space<vmem>> -> memref<16xi32, #tpu.memory_space<vmem>>
    %dma_start3A_611 = arith.constant 0 : i32
    %dma_start3A_612 = arith.constant 0 : i32
    %dma_start3A_613 = tpu.memref_slice %arg4[%dma_start3A_611, %dma_start3A_612] : memref<4096x4096xf32, #tpu.memory_space<hbm>> -> memref<4096x4096xf32, #tpu.memory_space<hbm>>
    tpu.enqueue_indirect_dma source(%dma_start3A_613 : memref<4096x4096xf32, #tpu.memory_space<hbm>>) target(%arg9 : memref<16x4096xf32, #tpu.memory_space<vmem>>) offsets(%dma_start3A_610 : memref<16xi32, #tpu.memory_space<vmem>>) semaphore(%arg12 : memref<!tpu.dma_semaphore, #tpu.memory_space<semaphore_mem>>)
    %get3A_614 = arith.constant 232 : index
    %get3A_615 = tpu.vector_load %arg8[%get3A_614] {strides = array<i32>} : memref<256xi32, #tpu.memory_space<vmem>>, vector<16xi32>,
    %lt3A_616 = arith.constant 8 : i32
    %lt3A_617 = vector.broadcast %lt3A_616 : i32 to vector<16xi32>
    %lt3A_618 = arith.cmpi slt, %iota3A, %lt3A_617 : vector<16xi32>
    %jit3A_619 = arith.constant 0 : i32
    %broadcast_in_dim3A_620 = vector.broadcast %jit3A_619 : i32 to vector<16xi32>
    %select_n3A_621 = arith.select %lt3A_618, %iota3A, %broadcast_in_dim3A_620 : vector<16xi1>, vector<16xi32>
    %jit3A_622 = arith.constant 0 : i32
    %broadcast_in_dim3A_623 = vector.broadcast %jit3A_622 : i32 to vector<16xi32>
    %select_n3A_624 = arith.select %lt3A_618, %get3A_615, %broadcast_in_dim3A_623 : vector<16xi1>, vector<16xi32>
    %gather3A_625 = tpu.vector_load_idx %arg10[%select_n3A_621, %select_n3A_624] : memref<8x4096xf32, #tpu.memory_space<vmem>>[vector<16xi32>, vector<16xi32>], vector<16xf32>,
    %jit3A_626 = arith.constant 0.000000e+00 : f32
    %broadcast_in_dim3A_627 = vector.broadcast %jit3A_626 : f32 to vector<16xf32>
    %select_n3A_628 = arith.select %lt3A_618, %gather3A_625, %broadcast_in_dim3A_627 : vector<16xi1>, vector<16xf32>
    %add3A_629 = arith.addf %add3A_591, %select_n3A_628 : vector<16xf32>
    %add3A_630 = arith.constant 232 : i32
    %add3A_631 = arith.addi %mul3A_2, %add3A_630 : i32
    %dma_start3A_632 = arith.constant 0 : i32
    %dma_start3A_633 = tpu.memref_slice %arg5[%add3A_631, %dma_start3A_632] : memref<8192x4096xf32, #tpu.memory_space<hbm>> -> memref<8x4096xf32, #tpu.memory_space<hbm>>
    %dma_start3A_634 = arith.constant 0 : i32
    %dma_start3A_635 = tpu.memref_slice %arg5[%add3A_631, %dma_start3A_634] : memref<8192x4096xf32, #tpu.memory_space<hbm>> -> memref<8x4096xf32, #tpu.memory_space<hbm>>
    tpu.enqueue_dma source(%arg10 : memref<8x4096xf32, #tpu.memory_space<vmem>>) target(%dma_start3A_635 : memref<8x4096xf32, #tpu.memory_space<hbm>>) target_semaphore(%arg15 : memref<!tpu.dma_semaphore, #tpu.memory_space<semaphore_mem>>)
    %dma_wait3A_636 = arith.constant 240 : i32
    %dma_wait3A_637 = tpu.memref_slice %arg7[%dma_wait3A_636] : memref<256xi32, #tpu.memory_space<vmem>> -> memref<16xi32, #tpu.memory_space<vmem>>
    %dma_wait3A_638 = arith.constant 0 : i32
    %dma_wait3A_639 = arith.constant 0 : i32
    %dma_wait3A_640 = tpu.memref_slice %arg4[%dma_wait3A_638, %dma_wait3A_639] : memref<4096x4096xf32, #tpu.memory_space<hbm>> -> memref<4096x4096xf32, #tpu.memory_space<hbm>>
    tpu.wait_indirect_dma semaphore(%arg12 : memref<!tpu.dma_semaphore, #tpu.memory_space<semaphore_mem>>) src(%dma_wait3A_640 : memref<4096x4096xf32, #tpu.memory_space<hbm>>) dst(%arg9 : memref<16x4096xf32, #tpu.memory_space<vmem>>)
    %add3A_641 = arith.constant 232 : i32
    %add3A_642 = arith.addi %mul3A_2, %add3A_641 : i32
    %dma_wait3A_643 = arith.constant 0 : i32
    %dma_wait3A_644 = tpu.memref_slice %arg5[%add3A_642, %dma_wait3A_643] : memref<8192x4096xf32, #tpu.memory_space<hbm>> -> memref<8x4096xf32, #tpu.memory_space<hbm>>
    %dma_wait3A_645 = arith.constant 0 : i32
    %dma_wait3A_646 = tpu.memref_slice %arg5[%add3A_642, %dma_wait3A_645] : memref<8192x4096xf32, #tpu.memory_space<hbm>> -> memref<8x4096xf32, #tpu.memory_space<hbm>>
    tpu.wait_dma2 semaphore(%arg15 : memref<!tpu.dma_semaphore, #tpu.memory_space<semaphore_mem>>) src(%arg10 : memref<8x4096xf32, #tpu.memory_space<vmem>>) dst(%dma_wait3A_646 : memref<8x4096xf32, #tpu.memory_space<hbm>>)
    %get3A_647 = arith.constant 240 : index
    %get3A_648 = tpu.vector_load %arg8[%get3A_647] {strides = array<i32>} : memref<256xi32, #tpu.memory_space<vmem>>, vector<16xi32>,
    %gather3A_649 = tpu.vector_load_idx %arg9[%iota3A, %get3A_648] : memref<16x4096xf32, #tpu.memory_space<vmem>>[vector<16xi32>, vector<16xi32>], vector<16xf32>,
    %add3A_650 = arith.addf %add3A_629, %gather3A_649 : vector<16xf32>
    %add3A_651 = arith.constant 240 : i32
    %add3A_652 = arith.addi %mul3A_2, %add3A_651 : i32
    %dma_start3A_653 = arith.constant 0 : i32
    %dma_start3A_654 = tpu.memref_slice %arg5[%add3A_652, %dma_start3A_653] : memref<8192x4096xf32, #tpu.memory_space<hbm>> -> memref<16x4096xf32, #tpu.memory_space<hbm>>
    %dma_start3A_655 = arith.constant 0 : i32
    %dma_start3A_656 = tpu.memref_slice %arg5[%add3A_652, %dma_start3A_655] : memref<8192x4096xf32, #tpu.memory_space<hbm>> -> memref<16x4096xf32, #tpu.memory_space<hbm>>
    tpu.enqueue_dma source(%arg9 : memref<16x4096xf32, #tpu.memory_space<vmem>>) target(%dma_start3A_656 : memref<16x4096xf32, #tpu.memory_space<hbm>>) target_semaphore(%arg14 : memref<!tpu.dma_semaphore, #tpu.memory_space<semaphore_mem>>)
    %add3A_657 = arith.constant 240 : i32
    %add3A_658 = arith.addi %mul3A_2, %add3A_657 : i32
    %dma_wait3A_659 = arith.constant 0 : i32
    %dma_wait3A_660 = tpu.memref_slice %arg5[%add3A_658, %dma_wait3A_659] : memref<8192x4096xf32, #tpu.memory_space<hbm>> -> memref<16x4096xf32, #tpu.memory_space<hbm>>
    %dma_wait3A_661 = arith.constant 0 : i32
    %dma_wait3A_662 = tpu.memref_slice %arg5[%add3A_658, %dma_wait3A_661] : memref<8192x4096xf32, #tpu.memory_space<hbm>> -> memref<16x4096xf32, #tpu.memory_space<hbm>>
    tpu.wait_dma2 semaphore(%arg14 : memref<!tpu.dma_semaphore, #tpu.memory_space<semaphore_mem>>) src(%arg9 : memref<16x4096xf32, #tpu.memory_space<vmem>>) dst(%dma_wait3A_662 : memref<16x4096xf32, #tpu.memory_space<hbm>>)
    %swap3A = arith.constant 0 : index
    %swap3A_663 = tpu.vector_load %arg11[%swap3A] {strides = array<i32>} : memref<16xf32, #tpu.memory_space<vmem>>, vector<16xf32>,
    tpu.vector_store %arg11[%swap3A], %add3A_650 {strides = array<i32>} : memref<16xf32, #tpu.memory_space<vmem>>, vector<16xf32>,
    "tpu.region"() ({
      %run_scoped3A = tpu.sem_alloc : memref<!tpu.dma_semaphore, #tpu.memory_space<semaphore_mem>>
      %dma_start3A_664 = arith.constant 0 : i32
      %dma_start3A_665 = tpu.memref_slice %arg6[%add3A, %dma_start3A_664] : memref<32x16xf32, #tpu.memory_space<hbm>> -> memref<1x16xf32, #tpu.memory_space<hbm>>
      %dma_start3A_666 = tpu.memref_squeeze %dma_start3A_665 : memref<1x16xf32, #tpu.memory_space<hbm>> -> memref<16xf32, #tpu.memory_space<hbm>>
      %dma_start3A_667 = arith.constant 0 : i32
      %dma_start3A_668 = tpu.memref_slice %arg6[%add3A, %dma_start3A_667] : memref<32x16xf32, #tpu.memory_space<hbm>> -> memref<1x16xf32, #tpu.memory_space<hbm>>
      %dma_start3A_669 = tpu.memref_squeeze %dma_start3A_668 : memref<1x16xf32, #tpu.memory_space<hbm>> -> memref<16xf32, #tpu.memory_space<hbm>>
      tpu.enqueue_dma source(%arg11 : memref<16xf32, #tpu.memory_space<vmem>>) target(%dma_start3A_669 : memref<16xf32, #tpu.memory_space<hbm>>) target_semaphore(%run_scoped3A : memref<!tpu.dma_semaphore, #tpu.memory_space<semaphore_mem>>)
      %dma_wait3A_670 = arith.constant 0 : i32
      %dma_wait3A_671 = tpu.memref_slice %arg6[%add3A, %dma_wait3A_670] : memref<32x16xf32, #tpu.memory_space<hbm>> -> memref<1x16xf32, #tpu.memory_space<hbm>>
      %dma_wait3A_672 = tpu.memref_squeeze %dma_wait3A_671 : memref<1x16xf32, #tpu.memory_space<hbm>> -> memref<16xf32, #tpu.memory_space<hbm>>
      %dma_wait3A_673 = arith.constant 0 : i32
      %dma_wait3A_674 = tpu.memref_slice %arg6[%add3A, %dma_wait3A_673] : memref<32x16xf32, #tpu.memory_space<hbm>> -> memref<1x16xf32, #tpu.memory_space<hbm>>
      %dma_wait3A_675 = tpu.memref_squeeze %dma_wait3A_674 : memref<1x16xf32, #tpu.memory_space<hbm>> -> memref<16xf32, #tpu.memory_space<hbm>>
      tpu.wait_dma2 semaphore(%run_scoped3A : memref<!tpu.dma_semaphore, #tpu.memory_space<semaphore_mem>>) src(%arg11 : memref<16xf32, #tpu.memory_space<vmem>>) dst(%dma_wait3A_675 : memref<16xf32, #tpu.memory_space<hbm>>)
      tpu.yield
    }) : () -> ()
    return
  }
}

module attributes {stable_mosaic.version = 14 : i64} {
  func.func @_lse_count_body(%arg0: i32, %arg1: memref<1x8192xi32, #tpu.memory_space<vmem>>, %arg2: memref<512x4096xf32, #tpu.memory_space<vmem>>, %arg3: memref<1x1xf32, #tpu.memory_space<vmem>>) attributes {dimension_semantics = [#tpu.dimension_semantics<arbitrary>], iteration_bounds = array<i64: 8>, scalar_prefetch = 0 : i64, scratch_operands = 0 : i64, tpu.core_type = #tpu.core_type<tc>, window_params = [{pipeline_mode = #tpu.pipeline_mode<synchronous>, transform_indices = @transform_0, window_bounds = array<i64: 1, 8192>}, {transform_indices = @transform_1, window_bounds = array<i64: 512, 4096>}, {pipeline_mode = #tpu.pipeline_mode<synchronous>, transform_indices = @transform_2, window_bounds = array<i64: 1, 1>}]} {
    %get3A = arith.constant 0 : index
    %get3A_0 = arith.constant 0 : index
    %get3A_1 = vector.load %arg2[%get3A, %get3A_0] : memref<512x4096xf32, #tpu.memory_space<vmem>>, vector<512x4096xf32>
    %reduce_max3A = arith.constant dense<0xFF800000> : vector<512xf32>
    %reduce_max3A_2 = vector.multi_reduction <maximumf>, %get3A_1, %reduce_max3A [1] : vector<512x4096xf32> to vector<512xf32>
    %broadcast_in_dim3A = vector.shape_cast %reduce_max3A_2 : vector<512xf32> to vector<512x1xf32>
    %sub3A = vector.broadcast %broadcast_in_dim3A : vector<512x1xf32> to vector<512x4096xf32>
    %sub3A_3 = arith.subf %get3A_1, %sub3A : vector<512x4096xf32>
    %exp3A = math.exp %sub3A_3 : vector<512x4096xf32>
    %reduce_sum3A = arith.constant dense<0.000000e+00> : vector<512xf32>
    %reduce_sum3A_4 = vector.multi_reduction <add>, %exp3A, %reduce_sum3A [1] : vector<512x4096xf32> to vector<512xf32>
    %broadcast_in_dim3A_5 = vector.shape_cast %reduce_sum3A_4 : vector<512xf32> to vector<512x1xf32>
    %log3A = math.log %broadcast_in_dim3A_5 : vector<512x1xf32>
    %add3A = arith.addf %log3A, %broadcast_in_dim3A : vector<512x1xf32>
    %mul3A = arith.constant 512 : i32
    %mul3A_6 = arith.muli %arg0, %mul3A : i32
    %iota3A = tpu.iota {dimensions = array<i32: 0>} : vector<512x1xi32>
    %add3A_7 = vector.broadcast %mul3A_6 : i32 to vector<512x1xi32>
    %add3A_8 = arith.addi %add3A_7, %iota3A : vector<512x1xi32>
    %broadcast_in_dim3A_9 = arith.constant 0.000000e+00 : f32
    %broadcast_in_dim3A_10 = vector.broadcast %broadcast_in_dim3A_9 : f32 to vector<512x1xf32>
    %scan3A = arith.constant 0 : i32
    %scan3A_11 = arith.constant 8 : i32
    %scan3A_12 = arith.addi %scan3A, %scan3A_11 : i32
    %scan3A_13 = arith.constant 1 : i32
    %scan3A_14 = scf.for %scan3A_30 = %scan3A to %scan3A_12 step %scan3A_13 iter_args(%scan3A_31 = %broadcast_in_dim3A_10) -> (vector<512x1xf32>)  : i32 {
      %mul3A_32 = arith.constant 1024 : i32
      %mul3A_33 = arith.muli %scan3A_30, %mul3A_32 : i32
      %get3A_34 = arith.constant 0 : index
      %get3A_35 = arith.index_cast %mul3A_33 : i32 to index
      %get3A_36 = vector.load %arg1[%get3A_34, %get3A_35] : memref<1x8192xi32, #tpu.memory_space<vmem>>, vector<1x1024xi32>
      %eq3A_37 = vector.broadcast %get3A_36 : vector<1x1024xi32> to vector<512x1024xi32>
      %eq3A_38 = vector.broadcast %add3A_8 : vector<512x1xi32> to vector<512x1024xi32>
      %eq3A_39 = arith.cmpi eq, %eq3A_37, %eq3A_38 : vector<512x1024xi32>
      %convert_element_type3A_40 = arith.extui %eq3A_39 : vector<512x1024xi1> to vector<512x1024xi32>
      %convert_element_type3A_41 = arith.sitofp %convert_element_type3A_40 : vector<512x1024xi32> to vector<512x1024xf32>
      %reduce_sum3A_42 = arith.constant dense<0.000000e+00> : vector<512xf32>
      %reduce_sum3A_43 = vector.multi_reduction <add>, %convert_element_type3A_41, %reduce_sum3A_42 [1] : vector<512x1024xf32> to vector<512xf32>
      %broadcast_in_dim3A_44 = vector.shape_cast %reduce_sum3A_43 : vector<512xf32> to vector<512x1xf32>
      %add3A_45 = arith.addf %scan3A_31, %broadcast_in_dim3A_44 : vector<512x1xf32>
      scf.yield %add3A_45 : vector<512x1xf32>
    }
    %scan3A_15 = arith.constant 8 : i32
    %mul3A_16 = arith.mulf %scan3A_14, %add3A : vector<512x1xf32>
    %reduce_sum3A_17 = vector.shape_cast %mul3A_16 : vector<512x1xf32> to vector<1x512x1xf32>
    %reduce_sum3A_18 = arith.constant dense<0.000000e+00> : vector<1xf32>
    %reduce_sum3A_19 = vector.multi_reduction <add>, %reduce_sum3A_17, %reduce_sum3A_18 [1, 2] : vector<1x512x1xf32> to vector<1xf32>
    %reduce_sum3A_20 = vector.shape_cast %reduce_sum3A_19 : vector<1xf32> to vector<1x1x1xf32>
    %reduce_sum3A_21 = vector.extract %reduce_sum3A_20[0, 0, 0] : f32 from vector<1x1x1xf32>
    %reshape3A = vector.broadcast %reduce_sum3A_21 : f32 to vector<1x1xf32>
    %eq3A = arith.constant 0 : i32
    %eq3A_22 = arith.cmpi eq, %arg0, %eq3A : i32
    %convert_element_type3A = arith.extui %eq3A_22 : i1 to i32
    %cond3A = arith.constant 0 : i32
    %cond3A_23 = arith.cmpi ne, %convert_element_type3A, %cond3A : i32
    scf.if %cond3A_23 {
      %broadcast_in_dim3A_30 = arith.constant 0.000000e+00 : f32
      %broadcast_in_dim3A_31 = vector.broadcast %broadcast_in_dim3A_30 : f32 to vector<1x1xf32>
      %swap3A_32 = arith.constant 0 : index
      %swap3A_33 = arith.constant 0 : index
      %swap3A_34 = vector.load %arg3[%swap3A_32, %swap3A_33] : memref<1x1xf32, #tpu.memory_space<vmem>>, vector<1x1xf32>
      tpu.vector_store %arg3[%swap3A_32, %swap3A_33], %broadcast_in_dim3A_31 {strides = array<i32>} : memref<1x1xf32, #tpu.memory_space<vmem>>, vector<1x1xf32>,
    } else {
    }
    %get3A_24 = arith.constant 0 : index
    %get3A_25 = arith.constant 0 : index
    %get3A_26 = vector.load %arg3[%get3A_24, %get3A_25] : memref<1x1xf32, #tpu.memory_space<vmem>>, vector<1x1xf32>
    %add3A_27 = arith.addf %get3A_26, %reshape3A : vector<1x1xf32>
    %swap3A = arith.constant 0 : index
    %swap3A_28 = arith.constant 0 : index
    %swap3A_29 = vector.load %arg3[%swap3A, %swap3A_28] : memref<1x1xf32, #tpu.memory_space<vmem>>, vector<1x1xf32>
    tpu.vector_store %arg3[%swap3A, %swap3A_28], %add3A_27 {strides = array<i32>} : memref<1x1xf32, #tpu.memory_space<vmem>>, vector<1x1xf32>,
    return
  }
  func.func @transform_0(%arg0: i32) -> (i32, i32) {
    %c0_i32 = arith.constant 0 : i32
    %c0_i32_0 = arith.constant 0 : i32
    %c0_i32_1 = arith.constant 0 : i32
    return %c0_i32, %c0_i32_0 : i32, i32
  }
  func.func @transform_1(%arg0: i32) -> (i32, i32) {
    %c0_i32 = arith.constant 0 : i32
    %c0_i32_0 = arith.constant 0 : i32
    return %arg0, %c0_i32 : i32, i32
  }
  func.func @transform_2(%arg0: i32) -> (i32, i32) {
    %c0_i32 = arith.constant 0 : i32
    %c0_i32_0 = arith.constant 0 : i32
    %c0_i32_1 = arith.constant 0 : i32
    return %c0_i32, %c0_i32_0 : i32, i32
  }
}

module attributes {stable_mosaic.version = 14 : i64} {
  func.func @_finalize_body(%arg0: memref<1x1xf32, #tpu.memory_space<vmem>>, %arg1: memref<32x16xf32, #tpu.memory_space<vmem>>, %arg2: memref<1x1xf32, #tpu.memory_space<vmem>>) attributes {dimension_semantics = [], scalar_prefetch = 0 : i64, scratch_operands = 0 : i64, tpu.core_type = #tpu.core_type<tc>} {
    %get3A = arith.constant 0 : index
    %get3A_0 = arith.constant 0 : index
    %get3A_1 = vector.load %arg0[%get3A, %get3A_0] : memref<1x1xf32, #tpu.memory_space<vmem>>, vector<1x1xf32>
    %get3A_2 = vector.extract %get3A_1[0, 0] : f32 from vector<1x1xf32>
    %get3A_3 = arith.constant 0 : index
    %get3A_4 = arith.constant 0 : index
    %get3A_5 = vector.load %arg1[%get3A_3, %get3A_4] : memref<32x16xf32, #tpu.memory_space<vmem>>, vector<32x16xf32>
    %reduce_sum3A = vector.shape_cast %get3A_5 : vector<32x16xf32> to vector<1x32x16xf32>
    %reduce_sum3A_6 = arith.constant dense<0.000000e+00> : vector<1xf32>
    %reduce_sum3A_7 = vector.multi_reduction <add>, %reduce_sum3A, %reduce_sum3A_6 [1, 2] : vector<1x32x16xf32> to vector<1xf32>
    %reduce_sum3A_8 = vector.shape_cast %reduce_sum3A_7 : vector<1xf32> to vector<1x1x1xf32>
    %reduce_sum3A_9 = vector.extract %reduce_sum3A_8[0, 0, 0] : f32 from vector<1x1x1xf32>
    %sub3A = arith.subf %get3A_2, %reduce_sum3A_9 : f32
    %mul3A = arith.constant 1.22070313E-4 : f32
    %mul3A_10 = arith.mulf %sub3A, %mul3A : f32
    %reshape3A = vector.broadcast %mul3A_10 : f32 to vector<1x1xf32>
    %swap3A = arith.constant 0 : index
    %swap3A_11 = arith.constant 0 : index
    %swap3A_12 = vector.load %arg2[%swap3A, %swap3A_11] : memref<1x1xf32, #tpu.memory_space<vmem>>, vector<1x1xf32>
    tpu.vector_store %arg2[%swap3A, %swap3A_11], %reshape3A {strides = array<i32>} : memref<1x1xf32, #tpu.memory_space<vmem>>, vector<1x1xf32>,
    return
  }
}

</mosaic_0001>

<sc_bundles>
// kernel: kernel.5.cloned.1.call-start
scs
__scs_entry_jumppad:
0x0: {  	(pc) =	sbr.rel $0x88, $3  }
0x1: {  	(tag) =	ssettag $0x0;
	lr =	simm.s32 $0x1  }
0x2: {  	[smem:$0x3F9E] =	sst lr;
	_ =	strace $0xD0000000  }
0x3: {  	_ = 	snop  }
0x4: {  	_ = 	snop  }
0x5: {  	_ = 	snop  }
0x6: {  	_ = 	snop  }
0x7: {  	_ = 	snop  }
__scs_overlays_trampoline_lowered:
0x8: {  	[smem:$0x3FAD] =	sst s0  }
0x9: {  	[smem:$0x3FAE] =	sst s1  }
0xa: {  	[smem:$0x3FAF] =	sst s2  }
0xb: {  	[smem:$0x3FB0] =	sst s3  }
0xc: {  	[smem:$0x3FB1] =	sst s4  }
0xd: {  	[smem:$0x3FB2] =	sst s5  }
0xe: {  	[smem:$0x3FB3] =	sst s6  }
0xf: {  	[smem:$0x3FB4] =	sst s7  }
0x10: {  	[smem:$0x3FB5] =	sst s8  }
0x11: {  	[smem:$0x3FB6] =	sst s9;
	s0 =	simm.s32 @!p0 $0x0  }
0x12: {  	s1 =	sld [smem:$0x3F9C];
	s0 =	simm.s32 @p0 $0x1  }
0x13: {  	[smem:$0x3FB7] =	sst s0;
	s0 =	simm.s32 @!p1 $0x0  }
0x14: {  	s2 =	sld [smem:$0x3F9B];
	s0 =	simm.s32 @p1 $0x1  }
0x15: {  	[smem:$0x3FB8] =	sst s0;
	s0 =	simm.s32 @!p2 $0x0  }
0x16: {  	s3 =	sld [smem:$0x3FDB];
	s0 =	simm.s32 @p2 $0x1  }
0x17: {  	s4 =	simm.s32 $0x1BF5;
	[smem:$0x3FBA] =	sst s0  }
0x18: {  	s0 =	sld [smem:$0x3F9D];
	_ =	swait.ge [sflag:s4], $0x0  }
0x19: {  	s7 =	sld [smem:$0x3F9E]  }
0x1a: {  	s8 =	sadd.s32 $0xFFFFE003, lr  }
0x1b: {  	s9 =	sadd.s32 $0xFFFFFEF7, lr;
	s5 =	simm.s32 $0xFFFFFFFF;
	p2 =	slt.u32 s8, $0xFFFFF086  }
0x1c: {  	p1 =	slt.u32 s9, $0xF7A;
	s5 =	simm.s32 @!p2 $0x0  }
0x1d: {  	s5 =	simm.s32 @p1 $0x1;
	p0 =	seq.s32 s7, s2  }
0x1e: {  	s7 =	smul.u32 @!p0 $0xF7A, s2;
	p2 =	seq.s32 @!p0 s5, $0x0  }
0x1f: {  	s9 =	smul.u32 $0xF7A, s1;
	s8 =	simm.s32 @!p0 $0x1BF5;
	p2 =	por !p2, p0  }
0x20: {  	[sflag:s8] =	ssyncset.s32 @!p0 $0xFFFFF086;
	s6 =	sadd.s32 @!p0 s3, s7;
	s7 =	simm.s32 @!p0 $0x108  }
0x21: {  	s3 =	sadd.s32 s3, s9;
	s6 =	sadd.s32 @!p0 $0x88, s6;
	s7 =	simm.s32 @p2 $0x1082  }
0x22: {  	[simem:s7], [sflag:s8] =	dma.local @!p0 [hbm:s6], $0xF7A  }
0x23: {  	s9 =	sor.u32 $0xD0000000, s2;
	s6 =	simm.s32 $0x108;
	_ =	swait.ge @!p0 [sflag:s8], $0x0  }
0x24: {  	s3 =	sadd.s32 $0x88, s3;
	s6 =	simm.s32 @!p1 $0x1082;
	[sflag:s4] =	ssyncset.s32 $0xFFFFF086  }
0x25: {  	[simem:s6], [sflag:s4] =	dma.local [hbm:s3], $0xF7A  }
0x26: {  	[smem:$0x3F9E] =	sst s1;
	(tag) =	ssettag s2;
	_ =	strace s9  }
0x27: {  	s1 =	sld [smem:$0x3FAE]  }
0x28: {  	s2 =	sld [smem:$0x3FAF]  }
0x29: {  	s4 =	sld [smem:$0x3FB1]  }
0x2a: {  	p0 =	seq.s32 s5, $0x0;
	s5 =	sld [smem:$0x3FB2]  }
0x2b: {  	s6 =	sld [smem:$0x3FB3]  }
0x2c: {  	s7 =	sld [smem:$0x3FB4]  }
0x2d: {  	s3 =	simm.s32 $0x108;
	s8 =	sld [smem:$0x3FB5]  }
0x2e: {  	s3 =	simm.s32 @!p0 $0x1082;
	s9 =	sld [smem:$0x3FB6]  }
0x2f: {  	lr =	sadd.s32 s0, s3;
	s0 =	sld [smem:$0x3FAD]  }
0x30: {  	s3 =	sld [smem:$0x3FB0]  }
0x31: {  	[smem:$0x3FB9] =	sst s10  }
0x32: {  	s10 =	sld [smem:$0x3FB7];
	_ =	sdelay $0x3  }
0x33: {  	p0 =	seq.s32 s10, $0x1;
	s10 =	sld [smem:$0x3FB9];
	_ =	sdelay $0x3  }
0x34: {  	[smem:$0x3FB9] =	sst s10  }
0x35: {  	s10 =	sld [smem:$0x3FB8];
	_ =	sdelay $0x3  }
0x36: {  	p1 =	seq.s32 s10, $0x1;
	s10 =	sld [smem:$0x3FB9];
	_ =	sdelay $0x3  }
0x37: {  	[smem:$0x3FB9] =	sst s10  }
0x38: {  	s10 =	sld [smem:$0x3FBA]  }
0x39: {  	_ = 	snop;
	(pc) =	sbr.ind lr, $3  }
0x3a: {  	_ = 	snop  }
0x3b: {  	_ = 	snop  }
0x3c: {  	p2 =	seq.s32 s10, $0x1;
	s10 =	sld [smem:$0x3FB9]  }
0x3d: {  	_ =	shalt  }
0x3e: {  	_ =	shalt  }
0x3f: {  	_ =	shalt  }
0x40: {  	_ =	shalt  }
0x41: {  	_ =	shalt  }
0x42: {  	_ =	shalt  }
0x43: {  	_ =	shalt  }
0x44: {  	_ =	shalt  }
0x45: {  	_ =	shalt  }
0x46: {  	_ =	shalt  }
0x47: {  	_ =	shalt  }
0x48: {  	_ =	shalt  }
0x49: {  	_ =	shalt  }
0x4a: {  	_ =	shalt  }
0x4b: {  	_ =	shalt  }
0x4c: {  	_ =	shalt  }
0x4d: {  	_ =	shalt  }
0x4e: {  	_ =	shalt  }
0x4f: {  	_ =	shalt  }
0x50: {  	_ =	shalt  }
0x51: {  	_ =	shalt  }
0x52: {  	_ =	shalt  }
0x53: {  	_ =	shalt  }
0x54: {  	_ =	shalt  }
0x55: {  	_ =	shalt  }
0x56: {  	_ =	shalt  }
0x57: {  	_ =	shalt  }
0x58: {  	_ =	shalt  }
0x59: {  	_ =	shalt  }
0x5a: {  	_ =	shalt  }
0x5b: {  	_ =	shalt  }
0x5c: {  	_ =	shalt  }
0x5d: {  	_ =	shalt  }
0x5e: {  	_ =	shalt  }
0x5f: {  	_ =	shalt  }
0x60: {  	_ =	shalt  }
0x61: {  	_ =	shalt  }
0x62: {  	_ =	shalt  }
0x63: {  	_ =	shalt  }
0x64: {  	_ =	shalt  }
0x65: {  	_ =	shalt  }
0x66: {  	_ =	shalt  }
0x67: {  	_ =	shalt  }
0x68: {  	_ =	shalt  }
0x69: {  	_ =	shalt  }
0x6a: {  	_ =	shalt  }
0x6b: {  	_ =	shalt  }
0x6c: {  	_ =	shalt  }
0x6d: {  	_ =	shalt  }
0x6e: {  	_ =	shalt  }
0x6f: {  	_ =	shalt  }
0x70: {  	_ =	shalt  }
0x71: {  	_ =	shalt  }
0x72: {  	_ =	shalt  }
0x73: {  	_ =	shalt  }
0x74: {  	_ =	shalt  }
0x75: {  	_ =	shalt  }
0x76: {  	_ =	shalt  }
0x77: {  	_ =	shalt  }
0x78: {  	_ =	shalt  }
0x79: {  	_ =	shalt  }
0x7a: {  	_ =	shalt  }
0x7b: {  	_ =	shalt  }
0x7c: {  	_ =	shalt  }
0x7d: {  	_ =	shalt  }
0x7e: {  	_ =	shalt  }
0x7f: {  	_ =	shalt  }
0x80: {  	_ =	shalt  }
0x81: {  	_ =	shalt  }
0x82: {  	_ =	shalt  }
0x83: {  	_ =	shalt  }
0x84: {  	_ =	shalt  }
0x85: {  	_ =	shalt  }
0x86: {  	_ =	shalt  }
0x87: {  	_ =	shalt  }
.Lfunc_end0:
.L_simem_size_0:
called_computation_lowered:
.L_overlay_start_0:
0x88: {  	s2 =	sld [smem:$0x3FD9]  }
0x89: {  	s3 =	sld [smem:$0x3FFE];
	_ =	sdelay $0x1  }
0x8a: {  	s1 =	srdreg.scid  }
0x8b: {  	s0 =	sand.u32 $0x1, s1  }
0x8c: {  	s14 =	sshll.u32 s0, $0xA;
	s2 =	sadd.s32 s3, s2  }
0x8d: {  	s2 =	sadd.s32 s2, s14  }
0x8e: {  	[smem:$0x3FC5] =	sst s2  }
0x8f: {  	_ = 	snop  }
0x90: {  	s2 =	sld [smem:$0x3FD0];
	_ =	sdelay $0x2  }
0x91: {  	s4 =	simm.s32 $0xA;
	s5 =	simm.s32 $0x10;
	s15 =	sld [smem:$0x3FC7]  }
0x92: {  	[smem:s5], [sflag:s4] =	dma.local [hbm:s2], $0x1  }
0x93: {  	_ =	swait.eq [sflag:s4], $0x1  }
0x94: {  	[sflag:s4] =	ssyncset.done $0x0  }
0x95: {  	[sflag:s4] =	ssyncadd.s32 $0xFFFFFFFF  }
0x96: {  	s16 =	sld [smem:$0x10];
	(tm) =	ssettm $0x1  }
0x97: {  	s17 =	sld [smem:$0x3FFB];
	_ =	sdelay $0x3  }
0x98: {  	_ =	strace s17  }
0x99: {  	s4 =	sld [smem:$0x3FFC];
	_ =	sdelay $0x3  }
0x9a: {  	_ =	strace s4  }
0x9b: {  	s4 =	sld [smem:$0x3FFD];
	_ =	sdelay $0x3  }
0x9c: {  	_ =	strace s4  }
0x9d: {  	_ =	strace $0x8FFFFFFF  }
0x9e: {  	s18 =	sld [smem:$0x3FDB];
	_ =	sdelay $0x1  }
0x9f: {  	s19 =	simm.s32 $_scs_section_size  }
0xa0: {  	s6 =	simm.s32 $_size__tile_overlayer_lowered;
	s7 =	simm.s32 $_tile_overlayer_lowered  }
0xa1: {  	s22 =	simm.s32 $0x1BFF;
	s21 =	sshll.u32 s7, $0x1;
	s4 =	sadd.s32 s19, s18  }
0xa2: {  	s8 =	simm.s32 $0x0;
	s20 =	sshll.u32 s6, $0x1;
	s6 =	sadd.s32 s21, s4  }
0xa3: {  	[timem:s8], [sflag:s22] =	dma.local [hbm:s6], s20  }
0xa4: {  	_ =	swait.ge [sflag:s22], s20  }
0xa5: {  	s5 =	ssub.s32 $0x0, s20;
	[sflag:s22] =	ssyncset.done $0x0  }
0xa6: {  	[sflag:s22] =	ssyncadd.s32 s5;
	_ =	sdelay $0x1  }
0xa7: {  	s23 =	simm.s32 $0x1B8B  }
0xa8: {  	_ =	swait.ge [sflag:s23], $0x1  }
0xa9: {  	[sflag:s23] =	ssyncset.done $0x0  }
0xaa: {  	s25 =	simm.s32 $0x1B8E;
	s24 =	sld [smem:$0x3FFE];
	[sflag:s23] =	ssyncadd.s32 $0xFFFFFFFF  }
0xab: {  	s26 =	simm.s32 $execute0_lowered;
	[smem:$0x3FD2] =	sst s25  }
0xac: {  	s6 =	sshll.u32 s26, $0x1;
	_ =	strace $0x80000046;
	[dreg:$0x1] =	wrdreg $0xFFFFFFFF  }
0xad: {  	s28 =	simm.s32 $_size_execute0_lowered;
	s4 =	sadd.s32 s4, s6;
	[dreg:$0x0] =	wrdreg $0x0  }
0xae: {  	s6 =	sshll.u32 s28, $0x1;
	[dreg:$0x2] =	wrdreg s4  }
0xaf: {  	[dreg:$0x3] =	wrdreg s6  }
0xb0: {  	[dreg:$0x4] =	wrdreg $0xC0  }
0xb1: {  	_ =	task [dreg:s8], $0x5FFFF  }
0xb2: {  	[dreg:$0x1] =	wrdreg $0xFFFFFFFF  }
0xb3: {  	[dreg:$0x0] =	wrdreg $0x60  }
0xb4: {  	[dreg:$0x2] =	wrdreg s24  }
0xb5: {  	[dreg:$0x3] =	wrdreg s15  }
0xb6: {  	[dreg:$0x4] =	wrdreg s16  }
0xb7: {  	[dreg:$0x5] =	wrdreg $0x9  }
0xb8: {  	_ =	task.clear_ibuf [dreg:s8], $0x6FFFF;
	_ =	strace $0x90000046  }
0xb9: {  	s29 =	simm.s32 $0x9;
	_ =	strace $0x80000048  }
0xba: {  	_ =	swait.ge [sflag:s29], $0x1  }
0xbb: {  	[sflag:s29] =	ssyncadd.s32 $0xFFFFFFFF  }
0xbc: {  	_ =	strace $0x90000048  }
0xbd: {  	_ =	sfence  }
0xbe: {  	s30 =	sld [smem:$0x0];
	_ =	sdelay $0x2  }
0xbf: {  	s31 =	sshll.u32 s1, $0xD;
	s1 =	sshrl.u32 s1, $0x2  }
0xc0: {  	s3 =	sand.u32 $0x4000, s31;
	s1 =	sadd.s32 s1, s30  }
0xc1: {  	s0 =	sor.u32 s3, s0;
	s1 =	sshll.u32 s1, $0x11  }
0xc2: {  	s0 =	sor.u32 s1, s0  }
0xc3: {  	s0 =	sadd.s32 $0x8F2B, s0  }
0xc4: {  	[sflag:s0] =	ssyncadd.remote.s32 $0x1  }
0xc5: {  	_ =	sfence.sel $0xFFFF  }
0xc6: {  	[dreg:$0x0] =	wrdreg $0xFFFFFFFF;
	(pc) =	sbr.abs _section_cstart, $3  }
0xc7: {  	[dreg:$0x1] =	wrdreg $0xFFFFFFFF  }
0xc8: {  	_ =	task.clear_ibuf [dreg:s8], $0x2FFFF;
	_ =	strace $0x9FFFFFFF  }
0xc9: {  	(tm) =	ssettm $0x7FFFFFFF  }
tec
execute0_lowered:
.L_overlay_start_1:
0x0: {  	(tag) =	ssettag $0x1  }
0x1: {  	s0 =	srdreg.scid;
	s2 =	stileid.u32  }
0x2: {  	s4 =	rddreg [dreg:$0x0];
	s0 =	sand.u32 $0x1, s0;
	s1 =	sshll.u32 s2, $0x1  }
0x3: {  	s7 =	rddreg [dreg:$0x2];
	s5 =	sshrl.u32 s2, $0x2;
	s1 =	sor.u32 s0, s1  }
0x4: {  	s2 =	rddreg [dreg:$0x1];
	s3 =	sshll.u32 s1, $0x7;
	s1 =	sshll.u32 s1, $0x11  }
0x5: {  	s6 =	sand.u32 $0x380, s3;
	s3 =	simm.s32 $0x0;
	s17 =	sadd.s32 s7, s1  }
0x6: {  	[smem:$0x7FF] =	sst s3;
	s1 =	sadd.s32 $0x2000, s17  }
0x7: {  	s7 =	sadd.s32 $0x3000, s17;
	_ =	strace $0x80000047;
	[dreg:$0x6] =	wrdreg s1  }
0x8: {  	s30 =	simm.s32 $0x100;
	s10 =	sadd.s32 $0x8000, s17;
	[dreg:$0x7] =	wrdreg s7  }
0x9: {  	s31 =	sshll.u32 s5, $0xB;
	s11 =	sadd.s32 $0x9000, s17;
	[dreg:$0xa] =	wrdreg s10  }
0xa: {  	s5 =	sshll.u32 s5, $0xA;
	s13 =	sadd.s32 $0xB000, s17;
	[dreg:$0xb] =	wrdreg s11  }
0xb: {  	s0 =	ssub.s32 $0x2, s0;
	s14 =	sadd.s32 $0xC000, s17;
	[dreg:$0xc] =	wrdreg s13  }
0xc: {  	s12 =	sshrl.u32 s0, $0x1;
	s15 =	sadd.s32 $0xE000, s17;
	[dreg:$0xd] =	wrdreg s14  }
0xd: {  	s0 =	ssub.s32 s0, s12;
	s16 =	sadd.s32 $0xF000, s17;
	[dreg:$0xe] =	wrdreg s15  }
0xe: {  	s12 =	sadd.s32 $0x800, s2;
	s18 =	sadd.s32 $0x11000, s17;
	[dreg:$0xf] =	wrdreg s16  }
0xf: {  	s8 =	sor.u32 s31, s6;
	s19 =	sadd.s32 $0x12000, s17;
	[dreg:$0x10] =	wrdreg s18  }
0x10: {  	s5 =	sor.u32 s5, s6;
	s20 =	sadd.s32 $0x14000, s17;
	[dreg:$0x11] =	wrdreg s19  }
0x11: {  	s6 =	sadd.s32 $0x200, s2;
	s21 =	sadd.s32 $0x15000, s17;
	[dreg:$0x12] =	wrdreg s20  }
0x12: {  	s22 =	sadd.s32 $0x17000, s17;
	s23 =	sadd.s32 $0x18000, s17;
	[dreg:$0x13] =	wrdreg s21  }
0x13: {  	v0 =	vimm.s32 $0x8380;
	vm0 =	vcmask $0x300;
	s24 =	sadd.s32 $0x1A000, s17;
	s25 =	sadd.s32 $0x1B000, s17;
	[dreg:$0x14] =	wrdreg s22  }
0x14: {  	vm1 =	vcmask $0x704;
	v0 =	vsel vm0, $0x0, v0;
	s26 =	sadd.s32 $0x1D000, s17;
	s28 =	sadd.s32 $0x1E000, s17;
	[dreg:$0x15] =	wrdreg s23  }
0x15: {  	v2 =	vlaneseq.u32;
	vm2 =	vcmask $0xB08;
	v1 =	vsel vm1, $0x80, v0;
	s31 =	simm.s32 $0x18200;
	s8 =	sshrl.u32 s8, $0x3;
	[dreg:$0x16] =	wrdreg s24  }
0x16: {  	vm3 =	vcmask $0xF0C;
	vm4 =	vcmask $0x1310;
	v1 =	vsel vm2, $0x100, v1;
	s5 =	sshrl.u32 s5, $0x3;
	s7 =	sadd.s32 $0x300, s2;
	[dreg:$0x17] =	wrdreg s25  }
0x17: {  	vm5 =	vcmask $0x1714;
	v3 =	vshrl.u32 v2, $0x3;
	v4 =	vsel vm3, $0x180, v1;
	s10 =	sadd.s32 $0x600, s2;
	s11 =	sadd.s32 $0x700, s2;
	[dreg:$0x18] =	wrdreg s26  }
0x18: {  	vm6 =	vcmask $0x1B18;
	v1 =	vmul.u32 $0x8, v3;
	v3 =	vsel vm4, $0x200, v4;
	s13 =	sadd.s32 $0x900, s2;
	s14 =	sadd.s32 $0xA00, s2;
	[dreg:$0x1d] =	wrdreg s17  }
0x19: {  	vm7 =	vcmask $0x1F1C;
	vm8 =	vcmask $0x2320;
	s15 =	sadd.s32 $0xB00, s2;
	s16 =	sadd.s32 $0xC00, s2;
	[dreg:$0x19] =	wrdreg s28;
	v3 =	vsel vm5, $0x280, v3  }
0x1a: {  	vm15 =	vcmask $0x2724;
	vm0 =	vmmov $0xffff;
	s18 =	sadd.s32 $0xE00, s2;
	s19 =	sadd.s32 $0xF00, s2;
	[dreg:$0x1b] =	wrdreg s30;
	v3 =	vsel vm6, $0x300, v3  }
0x1b: {  	v0 =	vand.u32 $0x7, v2;
	v4 =	vimm.s32 $0x0;
	s1 =	smax.u32 s0, $0x1;
	s24 =	simm.s32 $0x200;
	[dreg:$0x1c] =	wrdreg s31;
	v3 =	vsel vm7, $0x380, v3  }
0x1c: {  	v2 =	vor.u32 $0x8, v2;
	v4 =	vsel vm1, $0x80, v4;
	s0 =	simm.s32 $0x1;
	s21 =	simm.s32 $0x10200;
	s8 =	sadd.s32 s8, s4;
	v3 =	vsel vm8, $0x8000, v3  }
0x1d: {  	vm1 =	vcmask $0x2B28;
	s22 =	simm.s32 $0x2;
	s23 =	simm.s32 $0x4;
	v4 =	vsel vm2, $0x100, v4;
	s9 =	sadd.s32 $0xC00, s8;
	v3 =	vsel vm15, $0x8080, v3  }
0x1e: {  	s4 =	sadd.s32 s5, s4;
	s8 =	sadd.s32 $0x1000, s8;
	v4 =	vsel vm3, $0x180, v4;
	[dreg:$0x4] =	wrdreg s9;
	v3 =	vsel vm1, $0x8100, v3;
	vm1 =	vcmask $0x2F2C  }
0x1f: {  	s5 =	sadd.s32 $0x100, s2;
	s29 =	sadd.s32 $0x1400, s4;
	[dreg:$0x5] =	wrdreg s8;
	v4 =	vsel vm4, $0x200, v4;
	v3 =	vsel vm1, $0x8180, v3;
	vm1 =	vcmask $0x3330  }
0x20: {  	s4 =	simm.s32 $0x3;
	s8 =	sadd.s32 $0x5000, s17;
	[dreg:$0x1a] =	wrdreg s29;
	v4 =	vsel vm5, $0x280, v4;
	v3 =	vsel vm1, $0x8200, v3;
	vm1 =	vcmask $0x3734  }
0x21: {  	vm2 =	vcmask $0x3B38;
	s9 =	sadd.s32 $0x6000, s17;
	s17 =	sadd.s32 $0xD00, s2;
	[dreg:$0x8] =	wrdreg s8;
	v4 =	vsel vm6, $0x300, v4;
	v3 =	vsel vm1, $0x8280, v3  }
0x22: {  	[dreg:$0x9] =	wrdreg s9;
	s8 =	sadd.s32 $0x400, s2;
	s9 =	sadd.s32 $0x500, s2;
	v4 =	vsel vm7, $0x380, v4;
	vm1 =	vmmov $0xff;
	v3 =	vsel vm2, $0x8300, v3  }
.LBB2_1:
0x23: {  	[dreg:$0x1e] =	wrdreg s1  }
0x24: {  	s25 =	rddreg [dreg:$0x4]  }
0x25: {  	s28 =	simm.s32 $0x80;
	s29 =	simm.s32 $0x400;
	s31 =	simm.s32 $0x5  }
0x26: {  	[tilespmem:s3], [sflag:$0x5] =	stream.strided.gather [hbm4b:s25+s28], $0x100, s29, s28, $0x38;
	[tilespmem:$0x18280] =	vst v63  }
0x27: {  	_ =	swait.ge [sflag:s31], $0x100  }
0x28: {  	s20 =	rddreg [dreg:$0x5];
	[sflag:s31] =	ssyncset.done $0x0  }
0x29: {  	s26 =	rddreg [dreg:$0x1b];
	[sflag:s31] =	ssyncadd.s32 $0xFFFFFF00  }
0x2a: {  	[tilespmem:s26], [sflag:$0x5] =	stream.strided.gather [hbm4b:s20+s28], $0x100, s29, s28, $0x38;
	[tilespmem:$0x18280] =	vst v63  }
0x2b: {  	_ =	swait.ge [sflag:s31], $0x100  }
0x2c: {  	[sflag:s31] =	ssyncset.done $0x0  }
0x2d: {  	[sflag:s31] =	ssyncadd.s32 $0xFFFFFF00  }
0x2e: {  	v5 =	vld [tilespmem:$0x0];
	_ =	sdelay $0x4  }
0x2f: {  	v6 =	vshll.u32 v5, $0x5  }
0x30: {  	v5 =	vand.u32 $0x7, v5;
	v6 =	vand.u32 $0xFFFFFF00, v6  }
0x31: {  	v5 =	vor.u32 v5, v6  }
0x32: {  	v6 =	vperm.xlane v5, v0;
	_ =	sdelay $0x1  }
0x33: {  	v6 =	vadd.s32 v1, v6;
	_ =	sdelay $0x4  }
0x34: {  	[tilespmem:s24], [sflag:$0x1] =	stream.indirect_vreg.gather [hbm4b:s2+s3], $0x80, v6, vm0, $0xb8;
	[tilespmem:$0x18280] =	vst v63  }
0x35: {  	s28 =	simm.s32 $0xA00  }
0x36: {  	[tilespmem:s28], [sflag:$0x1] =	stream.indirect_vreg.gather [hbm4b:s5+s3], $0x80, v6, vm0, $0xb8;
	[tilespmem:$0x18280] =	vst v63  }
0x37: {  	s29 =	simm.s32 $0x1200  }
0x38: {  	[tilespmem:s29], [sflag:$0x1] =	stream.indirect_vreg.gather [hbm4b:s6+s3], $0x80, v6, vm0, $0xb8;
	[tilespmem:$0x18280] =	vst v63  }
0x39: {  	s30 =	simm.s32 $0x1A00  }
0x3a: {  	[tilespmem:s30], [sflag:$0x1] =	stream.indirect_vreg.gather [hbm4b:s7+s3], $0x80, v6, vm0, $0xb8;
	[tilespmem:$0x18280] =	vst v63  }
0x3b: {  	s31 =	simm.s32 $0x2200  }
0x3c: {  	[tilespmem:s31], [sflag:$0x1] =	stream.indirect_vreg.gather [hbm4b:s8+s3], $0x80, v6, vm0, $0xb8;
	[tilespmem:$0x18280] =	vst v63  }
0x3d: {  	s25 =	simm.s32 $0x2A00  }
0x3e: {  	[tilespmem:s25], [sflag:$0x1] =	stream.indirect_vreg.gather [hbm4b:s9+s3], $0x80, v6, vm0, $0xb8;
	[tilespmem:$0x18280] =	vst v63  }
0x3f: {  	s29 =	simm.s32 $0x3200  }
0x40: {  	[tilespmem:s29], [sflag:$0x1] =	stream.indirect_vreg.gather [hbm4b:s10+s3], $0x80, v6, vm0, $0xb8;
	[tilespmem:$0x18280] =	vst v63  }
0x41: {  	s30 =	simm.s32 $0x3A00  }
0x42: {  	[tilespmem:s30], [sflag:$0x1] =	stream.indirect_vreg.gather [hbm4b:s11+s3], $0x80, v6, vm0, $0xb8;
	[tilespmem:$0x18280] =	vst v63  }
0x43: {  	s31 =	simm.s32 $0x4200  }
0x44: {  	[tilespmem:s31], [sflag:$0x1] =	stream.indirect_vreg.gather [hbm4b:s12+s3], $0x80, v6, vm0, $0xb8;
	[tilespmem:$0x18280] =	vst v63  }
0x45: {  	s25 =	simm.s32 $0x4A00  }
0x46: {  	[tilespmem:s25], [sflag:$0x1] =	stream.indirect_vreg.gather [hbm4b:s13+s3], $0x80, v6, vm0, $0xb8;
	[tilespmem:$0x18280] =	vst v63  }
0x47: {  	s29 =	simm.s32 $0x5200  }
0x48: {  	[tilespmem:s29], [sflag:$0x1] =	stream.indirect_vreg.gather [hbm4b:s14+s3], $0x80, v6, vm0, $0xb8;
	[tilespmem:$0x18280] =	vst v63  }
0x49: {  	s30 =	simm.s32 $0x5A00  }
0x4a: {  	[tilespmem:s30], [sflag:$0x1] =	stream.indirect_vreg.gather [hbm4b:s15+s3], $0x80, v6, vm0, $0xb8;
	[tilespmem:$0x18280] =	vst v63  }
0x4b: {  	s31 =	simm.s32 $0x6200  }
0x4c: {  	[tilespmem:s31], [sflag:$0x1] =	stream.indirect_vreg.gather [hbm4b:s16+s3], $0x80, v6, vm0, $0xb8;
	[tilespmem:$0x18280] =	vst v63  }
0x4d: {  	v5 =	vperm.xlane v5, v2;
	s25 =	simm.s32 $0x6A00  }
0x4e: {  	[tilespmem:s25], [sflag:$0x1] =	stream.indirect_vreg.gather [hbm4b:s17+s3], $0x80, v6, vm0, $0xb8;
	[tilespmem:$0x18280] =	vst v63  }
0x4f: {  	v5 =	vadd.s32 v1, v5;
	s29 =	simm.s32 $0x7200  }
0x50: {  	[tilespmem:s29], [sflag:$0x1] =	stream.indirect_vreg.gather [hbm4b:s18+s3], $0x80, v6, vm0, $0xb8;
	[tilespmem:$0x18280] =	vst v63  }
0x51: {  	s30 =	simm.s32 $0x7A00  }
0x52: {  	[tilespmem:s30], [sflag:$0x1] =	stream.indirect_vreg.gather [hbm4b:s19+s3], $0x80, v6, vm0, $0xb8;
	[tilespmem:$0x18280] =	vst v63  }
0x53: {  	s31 =	simm.s32 $0x8200  }
0x54: {  	[tilespmem:s31], [sflag:$0x1] =	stream.indirect_vreg.gather [hbm4b:s2+s3], $0x80, v5, vm0, $0xb8;
	[tilespmem:$0x18280] =	vst v63  }
0x55: {  	s25 =	simm.s32 $0x8A00  }
0x56: {  	[tilespmem:s25], [sflag:$0x1] =	stream.indirect_vreg.gather [hbm4b:s5+s3], $0x80, v5, vm0, $0xb8;
	[tilespmem:$0x18280] =	vst v63  }
0x57: {  	s25 =	simm.s32 $0x9200  }
0x58: {  	[tilespmem:s25], [sflag:$0x1] =	stream.indirect_vreg.gather [hbm4b:s6+s3], $0x80, v5, vm0, $0xb8;
	[tilespmem:$0x18280] =	vst v63  }
0x59: {  	s25 =	simm.s32 $0x9A00  }
0x5a: {  	[tilespmem:s25], [sflag:$0x1] =	stream.indirect_vreg.gather [hbm4b:s7+s3], $0x80, v5, vm0, $0xb8;
	[tilespmem:$0x18280] =	vst v63  }
0x5b: {  	s25 =	simm.s32 $0xA200  }
0x5c: {  	[tilespmem:s25], [sflag:$0x1] =	stream.indirect_vreg.gather [hbm4b:s8+s3], $0x80, v5, vm0, $0xb8;
	[tilespmem:$0x18280] =	vst v63  }
0x5d: {  	s25 =	simm.s32 $0xAA00  }
0x5e: {  	[tilespmem:s25], [sflag:$0x1] =	stream.indirect_vreg.gather [hbm4b:s9+s3], $0x80, v5, vm0, $0xb8;
	[tilespmem:$0x18280] =	vst v63  }
0x5f: {  	s25 =	simm.s32 $0xB200  }
0x60: {  	[tilespmem:s25], [sflag:$0x1] =	stream.indirect_vreg.gather [hbm4b:s10+s3], $0x80, v5, vm0, $0xb8;
	[tilespmem:$0x18280] =	vst v63  }
0x61: {  	s25 =	simm.s32 $0xBA00  }
0x62: {  	[tilespmem:s25], [sflag:$0x1] =	stream.indirect_vreg.gather [hbm4b:s11+s3], $0x80, v5, vm0, $0xb8;
	[tilespmem:$0x18280] =	vst v63  }
0x63: {  	s25 =	simm.s32 $0xC200  }
0x64: {  	[tilespmem:s25], [sflag:$0x1] =	stream.indirect_vreg.gather [hbm4b:s12+s3], $0x80, v5, vm0, $0xb8;
	[tilespmem:$0x18280] =	vst v63  }
0x65: {  	s25 =	simm.s32 $0xCA00  }
0x66: {  	[tilespmem:s25], [sflag:$0x1] =	stream.indirect_vreg.gather [hbm4b:s13+s3], $0x80, v5, vm0, $0xb8;
	[tilespmem:$0x18280] =	vst v63  }
0x67: {  	s25 =	simm.s32 $0xD200  }
0x68: {  	[tilespmem:s25], [sflag:$0x1] =	stream.indirect_vreg.gather [hbm4b:s14+s3], $0x80, v5, vm0, $0xb8;
	[tilespmem:$0x18280] =	vst v63  }
0x69: {  	s25 =	simm.s32 $0xDA00  }
0x6a: {  	[tilespmem:s25], [sflag:$0x1] =	stream.indirect_vreg.gather [hbm4b:s15+s3], $0x80, v5, vm0, $0xb8;
	[tilespmem:$0x18280] =	vst v63  }
0x6b: {  	s25 =	simm.s32 $0xE200  }
0x6c: {  	[tilespmem:s25], [sflag:$0x1] =	stream.indirect_vreg.gather [hbm4b:s16+s3], $0x80, v5, vm0, $0xb8;
	[tilespmem:$0x18280] =	vst v63  }
0x6d: {  	s25 =	simm.s32 $0xEA00  }
0x6e: {  	[tilespmem:s25], [sflag:$0x1] =	stream.indirect_vreg.gather [hbm4b:s17+s3], $0x80, v5, vm0, $0xb8;
	[tilespmem:$0x18280] =	vst v63  }
0x6f: {  	s25 =	simm.s32 $0xF200  }
0x70: {  	[tilespmem:s25], [sflag:$0x1] =	stream.indirect_vreg.gather [hbm4b:s18+s3], $0x80, v5, vm0, $0xb8;
	[tilespmem:$0x18280] =	vst v63  }
0x71: {  	s25 =	simm.s32 $0xFA00  }
0x72: {  	[tilespmem:s25], [sflag:$0x1] =	stream.indirect_vreg.gather [hbm4b:s19+s3], $0x80, v5, vm0, $0xb8;
	[tilespmem:$0x18280] =	vst v63  }
0x73: {  	_ =	swait.ge [sflag:s0], $0x10000  }
0x74: {  	[sflag:s0] =	ssyncset.done $0x0  }
0x75: {  	[sflag:s0] =	ssyncadd.s32 $0xFFFF0000  }
0x76: {  	v5 =	vld.msk [tilespmem:$0x10], $0xff;
	_ =	sdelay $0x4  }
0x77: {  	v6 =	vshll.u32 v5, $0x5  }
0x78: {  	v5 =	vand.u32 $0x7, v5;
	v6 =	vand.u32 $0xFFFFFF00, v6  }
0x79: {  	v5 =	vor.u32 v5, v6  }
0x7a: {  	v5 =	vperm.xlane v5, v0;
	_ =	sdelay $0x1  }
0x7b: {  	v5 =	vadd.s32 v1, v5;
	_ =	sdelay $0x4  }
0x7c: {  	[tilespmem:s21], [sflag:$0x2] =	stream.indirect_vreg.gather [hbm4b:s2+s3], $0x80, v5, vm0, $0xb8;
	[tilespmem:$0x18280] =	vst v63  }
0x7d: {  	s25 =	simm.s32 $0x10A00  }
0x7e: {  	[tilespmem:s25], [sflag:$0x2] =	stream.indirect_vreg.gather [hbm4b:s5+s3], $0x80, v5, vm0, $0xb8;
	[tilespmem:$0x18280] =	vst v63  }
0x7f: {  	s25 =	simm.s32 $0x11200  }
0x80: {  	[tilespmem:s25], [sflag:$0x2] =	stream.indirect_vreg.gather [hbm4b:s6+s3], $0x80, v5, vm0, $0xb8;
	[tilespmem:$0x18280] =	vst v63  }
0x81: {  	s25 =	simm.s32 $0x11A00  }
0x82: {  	[tilespmem:s25], [sflag:$0x2] =	stream.indirect_vreg.gather [hbm4b:s7+s3], $0x80, v5, vm0, $0xb8;
	[tilespmem:$0x18280] =	vst v63  }
0x83: {  	s25 =	simm.s32 $0x12200  }
0x84: {  	[tilespmem:s25], [sflag:$0x2] =	stream.indirect_vreg.gather [hbm4b:s8+s3], $0x80, v5, vm0, $0xb8;
	[tilespmem:$0x18280] =	vst v63  }
0x85: {  	s25 =	simm.s32 $0x12A00  }
0x86: {  	[tilespmem:s25], [sflag:$0x2] =	stream.indirect_vreg.gather [hbm4b:s9+s3], $0x80, v5, vm0, $0xb8;
	[tilespmem:$0x18280] =	vst v63  }
0x87: {  	s25 =	simm.s32 $0x13200  }
0x88: {  	[tilespmem:s25], [sflag:$0x2] =	stream.indirect_vreg.gather [hbm4b:s10+s3], $0x80, v5, vm0, $0xb8;
	[tilespmem:$0x18280] =	vst v63  }
0x89: {  	s25 =	simm.s32 $0x13A00  }
0x8a: {  	[tilespmem:s25], [sflag:$0x2] =	stream.indirect_vreg.gather [hbm4b:s11+s3], $0x80, v5, vm0, $0xb8;
	[tilespmem:$0x18280] =	vst v63  }
0x8b: {  	s25 =	simm.s32 $0x14200  }
0x8c: {  	[tilespmem:s25], [sflag:$0x2] =	stream.indirect_vreg.gather [hbm4b:s12+s3], $0x80, v5, vm0, $0xb8;
	[tilespmem:$0x18280] =	vst v63  }
0x8d: {  	s25 =	simm.s32 $0x14A00  }
0x8e: {  	[tilespmem:s25], [sflag:$0x2] =	stream.indirect_vreg.gather [hbm4b:s13+s3], $0x80, v5, vm0, $0xb8;
	[tilespmem:$0x18280] =	vst v63  }
0x8f: {  	s25 =	simm.s32 $0x15200  }
0x90: {  	[tilespmem:s25], [sflag:$0x2] =	stream.indirect_vreg.gather [hbm4b:s14+s3], $0x80, v5, vm0, $0xb8;
	[tilespmem:$0x18280] =	vst v63  }
0x91: {  	s25 =	simm.s32 $0x15A00  }
0x92: {  	[tilespmem:s25], [sflag:$0x2] =	stream.indirect_vreg.gather [hbm4b:s15+s3], $0x80, v5, vm0, $0xb8;
	[tilespmem:$0x18280] =	vst v63  }
0x93: {  	s25 =	simm.s32 $0x16200  }
0x94: {  	[tilespmem:s25], [sflag:$0x2] =	stream.indirect_vreg.gather [hbm4b:s16+s3], $0x80, v5, vm0, $0xb8;
	[tilespmem:$0x18280] =	vst v63  }
0x95: {  	s25 =	simm.s32 $0x16A00  }
0x96: {  	[tilespmem:s25], [sflag:$0x2] =	stream.indirect_vreg.gather [hbm4b:s17+s3], $0x80, v5, vm0, $0xb8;
	[tilespmem:$0x18280] =	vst v63  }
0x97: {  	s25 =	simm.s32 $0x17200  }
0x98: {  	[tilespmem:s25], [sflag:$0x2] =	stream.indirect_vreg.gather [hbm4b:s18+s3], $0x80, v5, vm0, $0xb8;
	[tilespmem:$0x18280] =	vst v63  }
0x99: {  	s25 =	simm.s32 $0x17A00  }
0x9a: {  	[tilespmem:s25], [sflag:$0x2] =	stream.indirect_vreg.gather [hbm4b:s19+s3], $0x80, v5, vm0, $0xb8;
	[tilespmem:$0x18280] =	vst v63  }
0x9b: {  	v5 =	vld [tilespmem:$0x100];
	_ =	sdelay $0x4  }
0x9c: {  	v6 =	vshll.u32 v5, $0x3  }
0x9d: {  	v5 =	vand.u32 $0x7F, v5;
	v6 =	vand.u32 $0xFFFFFC00, v6  }
0x9e: {  	v5 =	vor.u32 v5, v6  }
0x9f: {  	v5 =	vadd.s32 v3, v5;
	_ =	sdelay $0x3  }
0xa0: {  	s1 =	rddreg [dreg:$0x1d]  }
0xa1: {  	v5 =	vld.idx.msk [tilespmem:v5+s24+$0x0], $0xffff;
	[hbm4b:s1+s3] =	stream.linear.scatter [tilespmem:s24], [sflag:$0x3], $0x10000, $0x38  }
0xa2: {  	_ =	swait.ge [sflag:s22], $0x8000  }
0xa3: {  	[sflag:s22] =	ssyncset.done $0x0  }
0xa4: {  	[sflag:s22] =	ssyncadd.s32 $0xFFFF8000  }
0xa5: {  	_ =	swait.ge [sflag:s4], $0x10000  }
0xa6: {  	[sflag:s4] =	ssyncset.done $0x0  }
0xa7: {  	[sflag:s4] =	ssyncadd.s32 $0xFFFF0000  }
0xa8: {  	v6 =	vld [tilespmem:$0x18];
	_ =	sdelay $0x4  }
0xa9: {  	v7 =	vshll.u32 v6, $0x5  }
0xaa: {  	v6 =	vand.u32 $0x7, v6;
	v7 =	vand.u32 $0xFFFFFF00, v7  }
0xab: {  	v6 =	vor.u32 v6, v7  }
0xac: {  	v7 =	vperm.xlane v6, v0;
	_ =	sdelay $0x1  }
0xad: {  	v7 =	vadd.s32 v1, v7;
	_ =	sdelay $0x4  }
0xae: {  	[tilespmem:s24], [sflag:$0x1] =	stream.indirect_vreg.gather [hbm4b:s2+s3], $0x80, v7, vm0, $0xb8;
	[tilespmem:$0x18280] =	vst v63  }
0xaf: {  	s25 =	simm.s32 $0xA00  }
0xb0: {  	[tilespmem:s25], [sflag:$0x1] =	stream.indirect_vreg.gather [hbm4b:s5+s3], $0x80, v7, vm0, $0xb8;
	[tilespmem:$0x18280] =	vst v63  }
0xb1: {  	s20 =	simm.s32 $0x1200  }
0xb2: {  	[tilespmem:s20], [sflag:$0x1] =	stream.indirect_vreg.gather [hbm4b:s6+s3], $0x80, v7, vm0, $0xb8;
	[tilespmem:$0x18280] =	vst v63  }
0xb3: {  	s26 =	simm.s32 $0x1A00  }
0xb4: {  	[tilespmem:s26], [sflag:$0x1] =	stream.indirect_vreg.gather [hbm4b:s7+s3], $0x80, v7, vm0, $0xb8;
	[tilespmem:$0x18280] =	vst v63  }
0xb5: {  	s28 =	simm.s32 $0x2200  }
0xb6: {  	[tilespmem:s28], [sflag:$0x1] =	stream.indirect_vreg.gather [hbm4b:s8+s3], $0x80, v7, vm0, $0xb8;
	[tilespmem:$0x18280] =	vst v63  }
0xb7: {  	s1 =	simm.s32 $0x2A00  }
0xb8: {  	[tilespmem:s1], [sflag:$0x1] =	stream.indirect_vreg.gather [hbm4b:s9+s3], $0x80, v7, vm0, $0xb8;
	[tilespmem:$0x18280] =	vst v63  }
0xb9: {  	s26 =	simm.s32 $0x3200  }
0xba: {  	[tilespmem:s26], [sflag:$0x1] =	stream.indirect_vreg.gather [hbm4b:s10+s3], $0x80, v7, vm0, $0xb8;
	[tilespmem:$0x18280] =	vst v63  }
0xbb: {  	s28 =	simm.s32 $0x3A00  }
0xbc: {  	[tilespmem:s28], [sflag:$0x1] =	stream.indirect_vreg.gather [hbm4b:s11+s3], $0x80, v7, vm0, $0xb8;
	[tilespmem:$0x18280] =	vst v63  }
0xbd: {  	s25 =	simm.s32 $0x4200  }
0xbe: {  	[tilespmem:s25], [sflag:$0x1] =	stream.indirect_vreg.gather [hbm4b:s12+s3], $0x80, v7, vm0, $0xb8;
	[tilespmem:$0x18280] =	vst v63  }
0xbf: {  	s26 =	simm.s32 $0x4A00  }
0xc0: {  	[tilespmem:s26], [sflag:$0x1] =	stream.indirect_vreg.gather [hbm4b:s13+s3], $0x80, v7, vm0, $0xb8;
	[tilespmem:$0x18280] =	vst v63  }
0xc1: {  	s28 =	simm.s32 $0x5200  }
0xc2: {  	[tilespmem:s28], [sflag:$0x1] =	stream.indirect_vreg.gather [hbm4b:s14+s3], $0x80, v7, vm0, $0xb8;
	[tilespmem:$0x18280] =	vst v63  }
0xc3: {  	s25 =	simm.s32 $0x5A00  }
0xc4: {  	[tilespmem:s25], [sflag:$0x1] =	stream.indirect_vreg.gather [hbm4b:s15+s3], $0x80, v7, vm0, $0xb8;
	[tilespmem:$0x18280] =	vst v63  }
0xc5: {  	s26 =	simm.s32 $0x6200  }
0xc6: {  	[tilespmem:s26], [sflag:$0x1] =	stream.indirect_vreg.gather [hbm4b:s16+s3], $0x80, v7, vm0, $0xb8;
	[tilespmem:$0x18280] =	vst v63  }
0xc7: {  	v6 =	vperm.xlane v6, v2;
	s28 =	simm.s32 $0x6A00  }
0xc8: {  	[tilespmem:s28], [sflag:$0x1] =	stream.indirect_vreg.gather [hbm4b:s17+s3], $0x80, v7, vm0, $0xb8;
	[tilespmem:$0x18280] =	vst v63  }
0xc9: {  	s29 =	simm.s32 $0x7200;
	v6 =	vadd.s32 v1, v6  }
0xca: {  	[tilespmem:s29], [sflag:$0x1] =	stream.indirect_vreg.gather [hbm4b:s18+s3], $0x80, v7, vm0, $0xb8;
	[tilespmem:$0x18280] =	vst v63  }
0xcb: {  	s30 =	simm.s32 $0x7A00  }
0xcc: {  	[tilespmem:s30], [sflag:$0x1] =	stream.indirect_vreg.gather [hbm4b:s19+s3], $0x80, v7, vm0, $0xb8;
	[tilespmem:$0x18280] =	vst v63  }
0xcd: {  	s31 =	simm.s32 $0x8200  }
0xce: {  	[tilespmem:s31], [sflag:$0x1] =	stream.indirect_vreg.gather [hbm4b:s2+s3], $0x80, v6, vm0, $0xb8;
	[tilespmem:$0x18280] =	vst v63  }
0xcf: {  	s31 =	simm.s32 $0x8A00  }
0xd0: {  	[tilespmem:s31], [sflag:$0x1] =	stream.indirect_vreg.gather [hbm4b:s5+s3], $0x80, v6, vm0, $0xb8;
	[tilespmem:$0x18280] =	vst v63  }
0xd1: {  	s20 =	simm.s32 $0x9200  }
0xd2: {  	[tilespmem:s20], [sflag:$0x1] =	stream.indirect_vreg.gather [hbm4b:s6+s3], $0x80, v6, vm0, $0xb8;
	[tilespmem:$0x18280] =	vst v63  }
0xd3: {  	s26 =	simm.s32 $0x9A00  }
0xd4: {  	[tilespmem:s26], [sflag:$0x1] =	stream.indirect_vreg.gather [hbm4b:s7+s3], $0x80, v6, vm0, $0xb8;
	[tilespmem:$0x18280] =	vst v63  }
0xd5: {  	s28 =	simm.s32 $0xA200  }
0xd6: {  	[tilespmem:s28], [sflag:$0x1] =	stream.indirect_vreg.gather [hbm4b:s8+s3], $0x80, v6, vm0, $0xb8;
	[tilespmem:$0x18280] =	vst v63  }
0xd7: {  	s29 =	simm.s32 $0xAA00  }
0xd8: {  	[tilespmem:s29], [sflag:$0x1] =	stream.indirect_vreg.gather [hbm4b:s9+s3], $0x80, v6, vm0, $0xb8;
	[tilespmem:$0x18280] =	vst v63  }
0xd9: {  	s30 =	simm.s32 $0xB200  }
0xda: {  	[tilespmem:s30], [sflag:$0x1] =	stream.indirect_vreg.gather [hbm4b:s10+s3], $0x80, v6, vm0, $0xb8;
	[tilespmem:$0x18280] =	vst v63  }
0xdb: {  	s25 =	simm.s32 $0xBA00  }
0xdc: {  	[tilespmem:s25], [sflag:$0x1] =	stream.indirect_vreg.gather [hbm4b:s11+s3], $0x80, v6, vm0, $0xb8;
	[tilespmem:$0x18280] =	vst v63  }
0xdd: {  	s25 =	simm.s32 $0xC200  }
0xde: {  	[tilespmem:s25], [sflag:$0x1] =	stream.indirect_vreg.gather [hbm4b:s12+s3], $0x80, v6, vm0, $0xb8;
	[tilespmem:$0x18280] =	vst v63  }
0xdf: {  	s25 =	simm.s32 $0xCA00  }
0xe0: {  	[tilespmem:s25], [sflag:$0x1] =	stream.indirect_vreg.gather [hbm4b:s13+s3], $0x80, v6, vm0, $0xb8;
	[tilespmem:$0x18280] =	vst v63  }
0xe1: {  	s25 =	simm.s32 $0xD200  }
0xe2: {  	[tilespmem:s25], [sflag:$0x1] =	stream.indirect_vreg.gather [hbm4b:s14+s3], $0x80, v6, vm0, $0xb8;
	[tilespmem:$0x18280] =	vst v63  }
0xe3: {  	s25 =	simm.s32 $0xDA00  }
0xe4: {  	[tilespmem:s25], [sflag:$0x1] =	stream.indirect_vreg.gather [hbm4b:s15+s3], $0x80, v6, vm0, $0xb8;
	[tilespmem:$0x18280] =	vst v63  }
0xe5: {  	s25 =	simm.s32 $0xE200  }
0xe6: {  	[tilespmem:s25], [sflag:$0x1] =	stream.indirect_vreg.gather [hbm4b:s16+s3], $0x80, v6, vm0, $0xb8;
	[tilespmem:$0x18280] =	vst v63  }
0xe7: {  	s25 =	simm.s32 $0xEA00  }
0xe8: {  	[tilespmem:s25], [sflag:$0x1] =	stream.indirect_vreg.gather [hbm4b:s17+s3], $0x80, v6, vm0, $0xb8;
	[tilespmem:$0x18280] =	vst v63  }
0xe9: {  	s25 =	simm.s32 $0xF200  }
0xea: {  	[tilespmem:s25], [sflag:$0x1] =	stream.indirect_vreg.gather [hbm4b:s18+s3], $0x80, v6, vm0, $0xb8;
	[tilespmem:$0x18280] =	vst v63  }
0xeb: {  	s25 =	simm.s32 $0xFA00  }
0xec: {  	[tilespmem:s25], [sflag:$0x1] =	stream.indirect_vreg.gather [hbm4b:s19+s3], $0x80, v6, vm0, $0xb8;
	[tilespmem:$0x18280] =	vst v63  }
0xed: {  	v6 =	vld [tilespmem:$0x110];
	_ =	sdelay $0x4  }
0xee: {  	v6 =	vnsel vm1, $0x0, v6  }
0xef: {  	v7 =	vshll.u32 v6, $0x3  }
0xf0: {  	v6 =	vand.u32 $0x7F, v6;
	v7 =	vand.u32 $0xFFFFFC00, v7  }
0xf1: {  	v6 =	vor.u32 v7, v6  }
0xf2: {  	v6 =	vor.u32 v4, v6;
	_ =	sdelay $0x3  }
0xf3: {  	s25 =	rddreg [dreg:$0x6]  }
0xf4: {  	v6 =	vld.idx.msk [tilespmem:v6+s21+$0x0], $0xffff;
	[hbm4b:s25+s3] =	stream.linear.scatter [tilespmem:s21], [sflag:$0x4], $0x8000, $0x38  }
0xf5: {  	_ =	swait.ge [sflag:s0], $0x10000  }
0xf6: {  	[sflag:s0] =	ssyncset.done $0x0  }
0xf7: {  	[sflag:s0] =	ssyncadd.s32 $0xFFFF0000  }
0xf8: {  	_ =	swait.ge [sflag:s23], $0x8000  }
0xf9: {  	[sflag:s23] =	ssyncset.done $0x0  }
0xfa: {  	[sflag:s23] =	ssyncadd.s32 $0xFFFF8000  }
0xfb: {  	v7 =	vld.msk [tilespmem:$0x28], $0xff;
	_ =	sdelay $0x4  }
0xfc: {  	v8 =	vshll.u32 v7, $0x5  }
0xfd: {  	v7 =	vand.u32 $0x7, v7;
	v8 =	vand.u32 $0xFFFFFF00, v8  }
0xfe: {  	v7 =	vor.u32 v7, v8  }
0xff: {  	v7 =	vperm.xlane v7, v0;
	_ =	sdelay $0x1  }
0x100: {  	v7 =	vadd.s32 v1, v7;
	_ =	sdelay $0x4  }
0x101: {  	[tilespmem:s21], [sflag:$0x2] =	stream.indirect_vreg.gather [hbm4b:s2+s3], $0x80, v7, vm0, $0xb8;
	[tilespmem:$0x18280] =	vst v63  }
0x102: {  	s25 =	simm.s32 $0x10A00  }
0x103: {  	[tilespmem:s25], [sflag:$0x2] =	stream.indirect_vreg.gather [hbm4b:s5+s3], $0x80, v7, vm0, $0xb8;
	[tilespmem:$0x18280] =	vst v63  }
0x104: {  	s25 =	simm.s32 $0x11200  }
0x105: {  	[tilespmem:s25], [sflag:$0x2] =	stream.indirect_vreg.gather [hbm4b:s6+s3], $0x80, v7, vm0, $0xb8;
	[tilespmem:$0x18280] =	vst v63  }
0x106: {  	s25 =	simm.s32 $0x11A00  }
0x107: {  	[tilespmem:s25], [sflag:$0x2] =	stream.indirect_vreg.gather [hbm4b:s7+s3], $0x80, v7, vm0, $0xb8;
	[tilespmem:$0x18280] =	vst v63  }
0x108: {  	s25 =	simm.s32 $0x12200  }
0x109: {  	[tilespmem:s25], [sflag:$0x2] =	stream.indirect_vreg.gather [hbm4b:s8+s3], $0x80, v7, vm0, $0xb8;
	[tilespmem:$0x18280] =	vst v63  }
0x10a: {  	s25 =	simm.s32 $0x12A00  }
0x10b: {  	[tilespmem:s25], [sflag:$0x2] =	stream.indirect_vreg.gather [hbm4b:s9+s3], $0x80, v7, vm0, $0xb8;
	[tilespmem:$0x18280] =	vst v63  }
0x10c: {  	s25 =	simm.s32 $0x13200  }
0x10d: {  	[tilespmem:s25], [sflag:$0x2] =	stream.indirect_vreg.gather [hbm4b:s10+s3], $0x80, v7, vm0, $0xb8;
	[tilespmem:$0x18280] =	vst v63  }
0x10e: {  	s25 =	simm.s32 $0x13A00  }
0x10f: {  	[tilespmem:s25], [sflag:$0x2] =	stream.indirect_vreg.gather [hbm4b:s11+s3], $0x80, v7, vm0, $0xb8;
	[tilespmem:$0x18280] =	vst v63  }
0x110: {  	s25 =	simm.s32 $0x14200  }
0x111: {  	[tilespmem:s25], [sflag:$0x2] =	stream.indirect_vreg.gather [hbm4b:s12+s3], $0x80, v7, vm0, $0xb8;
	[tilespmem:$0x18280] =	vst v63  }
0x112: {  	s25 =	simm.s32 $0x14A00  }
0x113: {  	[tilespmem:s25], [sflag:$0x2] =	stream.indirect_vreg.gather [hbm4b:s13+s3], $0x80, v7, vm0, $0xb8;
	[tilespmem:$0x18280] =	vst v63  }
0x114: {  	s25 =	simm.s32 $0x15200  }
0x115: {  	[tilespmem:s25], [sflag:$0x2] =	stream.indirect_vreg.gather [hbm4b:s14+s3], $0x80, v7, vm0, $0xb8;
	[tilespmem:$0x18280] =	vst v63  }
0x116: {  	s25 =	simm.s32 $0x15A00  }
0x117: {  	[tilespmem:s25], [sflag:$0x2] =	stream.indirect_vreg.gather [hbm4b:s15+s3], $0x80, v7, vm0, $0xb8;
	[tilespmem:$0x18280] =	vst v63  }
0x118: {  	s25 =	simm.s32 $0x16200  }
0x119: {  	[tilespmem:s25], [sflag:$0x2] =	stream.indirect_vreg.gather [hbm4b:s16+s3], $0x80, v7, vm0, $0xb8;
	[tilespmem:$0x18280] =	vst v63  }
0x11a: {  	s25 =	simm.s32 $0x16A00  }
0x11b: {  	[tilespmem:s25], [sflag:$0x2] =	stream.indirect_vreg.gather [hbm4b:s17+s3], $0x80, v7, vm0, $0xb8;
	[tilespmem:$0x18280] =	vst v63  }
0x11c: {  	s25 =	simm.s32 $0x17200  }
0x11d: {  	[tilespmem:s25], [sflag:$0x2] =	stream.indirect_vreg.gather [hbm4b:s18+s3], $0x80, v7, vm0, $0xb8;
	[tilespmem:$0x18280] =	vst v63  }
0x11e: {  	s25 =	simm.s32 $0x17A00  }
0x11f: {  	[tilespmem:s25], [sflag:$0x2] =	stream.indirect_vreg.gather [hbm4b:s19+s3], $0x80, v7, vm0, $0xb8;
	[tilespmem:$0x18280] =	vst v63  }
0x120: {  	v7 =	vld [tilespmem:$0x118];
	_ =	sdelay $0x4  }
0x121: {  	v26 =	vshll.u32 v7, $0x3  }
0x122: {  	v7 =	vand.u32 $0x7F, v7;
	v8 =	vand.u32 $0xFFFFFC00, v26  }
0x123: {  	v7 =	vor.u32 v7, v8  }
0x124: {  	v7 =	vadd.s32 v3, v7;
	_ =	sdelay $0x3  }
0x125: {  	s25 =	rddreg [dreg:$0x7]  }
0x126: {  	v7 =	vld.idx.msk [tilespmem:v7+s24+$0x0], $0xffff;
	[hbm4b:s25+s3] =	stream.linear.scatter [tilespmem:s24], [sflag:$0x3], $0x10000, $0x38  }
0x127: {  	_ =	swait.ge [sflag:s22], $0x8000  }
0x128: {  	[sflag:s22] =	ssyncset.done $0x0  }
0x129: {  	[sflag:s22] =	ssyncadd.s32 $0xFFFF8000  }
0x12a: {  	_ =	swait.ge [sflag:s4], $0x10000  }
0x12b: {  	[sflag:s4] =	ssyncset.done $0x0  }
0x12c: {  	[sflag:s4] =	ssyncadd.s32 $0xFFFF0000  }
0x12d: {  	v27 =	vld [tilespmem:$0x30];
	_ =	sdelay $0x4  }
0x12e: {  	v9 =	vshll.u32 v27, $0x5  }
0x12f: {  	v8 =	vand.u32 $0x7, v27;
	v9 =	vand.u32 $0xFFFFFF00, v9  }
0x130: {  	v8 =	vor.u32 v8, v9  }
0x131: {  	v9 =	vperm.xlane v8, v0;
	_ =	sdelay $0x1  }
0x132: {  	v9 =	vadd.s32 v1, v9;
	_ =	sdelay $0x4  }
0x133: {  	[tilespmem:s24], [sflag:$0x1] =	stream.indirect_vreg.gather [hbm4b:s2+s3], $0x80, v9, vm0, $0xb8;
	[tilespmem:$0x18280] =	vst v63  }
0x134: {  	s25 =	simm.s32 $0xA00  }
0x135: {  	[tilespmem:s25], [sflag:$0x1] =	stream.indirect_vreg.gather [hbm4b:s5+s3], $0x80, v9, vm0, $0xb8;
	[tilespmem:$0x18280] =	vst v63  }
0x136: {  	s25 =	simm.s32 $0x1200  }
0x137: {  	[tilespmem:s25], [sflag:$0x1] =	stream.indirect_vreg.gather [hbm4b:s6+s3], $0x80, v9, vm0, $0xb8;
	[tilespmem:$0x18280] =	vst v63  }
0x138: {  	s25 =	simm.s32 $0x1A00  }
0x139: {  	[tilespmem:s25], [sflag:$0x1] =	stream.indirect_vreg.gather [hbm4b:s7+s3], $0x80, v9, vm0, $0xb8;
	[tilespmem:$0x18280] =	vst v63  }
0x13a: {  	s25 =	simm.s32 $0x2200  }
0x13b: {  	[tilespmem:s25], [sflag:$0x1] =	stream.indirect_vreg.gather [hbm4b:s8+s3], $0x80, v9, vm0, $0xb8;
	[tilespmem:$0x18280] =	vst v63  }
0x13c: {  	_ = 	snop  }
0x13d: {  	[tilespmem:s1], [sflag:$0x1] =	stream.indirect_vreg.gather [hbm4b:s9+s3], $0x80, v9, vm0, $0xb8;
	[tilespmem:$0x18280] =	vst v63  }
0x13e: {  	s25 =	simm.s32 $0x3200  }
0x13f: {  	[tilespmem:s25], [sflag:$0x1] =	stream.indirect_vreg.gather [hbm4b:s10+s3], $0x80, v9, vm0, $0xb8;
	[tilespmem:$0x18280] =	vst v63  }
0x140: {  	s25 =	simm.s32 $0x3A00  }
0x141: {  	[tilespmem:s25], [sflag:$0x1] =	stream.indirect_vreg.gather [hbm4b:s11+s3], $0x80, v9, vm0, $0xb8;
	[tilespmem:$0x18280] =	vst v63  }
0x142: {  	s25 =	simm.s32 $0x4200  }
0x143: {  	[tilespmem:s25], [sflag:$0x1] =	stream.indirect_vreg.gather [hbm4b:s12+s3], $0x80, v9, vm0, $0xb8;
	[tilespmem:$0x18280] =	vst v63  }
0x144: {  	s25 =	simm.s32 $0x4A00  }
0x145: {  	[tilespmem:s25], [sflag:$0x1] =	stream.indirect_vreg.gather [hbm4b:s13+s3], $0x80, v9, vm0, $0xb8;
	[tilespmem:$0x18280] =	vst v63  }
0x146: {  	s25 =	simm.s32 $0x5200  }
0x147: {  	[tilespmem:s25], [sflag:$0x1] =	stream.indirect_vreg.gather [hbm4b:s14+s3], $0x80, v9, vm0, $0xb8;
	[tilespmem:$0x18280] =	vst v63  }
0x148: {  	s25 =	simm.s32 $0x5A00  }
0x149: {  	[tilespmem:s25], [sflag:$0x1] =	stream.indirect_vreg.gather [hbm4b:s15+s3], $0x80, v9, vm0, $0xb8;
	[tilespmem:$0x18280] =	vst v63  }
0x14a: {  	s25 =	simm.s32 $0x6200  }
0x14b: {  	[tilespmem:s25], [sflag:$0x1] =	stream.indirect_vreg.gather [hbm4b:s16+s3], $0x80, v9, vm0, $0xb8;
	[tilespmem:$0x18280] =	vst v63  }
0x14c: {  	v8 =	vperm.xlane v8, v2;
	s25 =	simm.s32 $0x6A00  }
0x14d: {  	[tilespmem:s25], [sflag:$0x1] =	stream.indirect_vreg.gather [hbm4b:s17+s3], $0x80, v9, vm0, $0xb8;
	[tilespmem:$0x18280] =	vst v63  }
0x14e: {  	v8 =	vadd.s32 v1, v8;
	s25 =	simm.s32 $0x7200  }
0x14f: {  	[tilespmem:s25], [sflag:$0x1] =	stream.indirect_vreg.gather [hbm4b:s18+s3], $0x80, v9, vm0, $0xb8;
	[tilespmem:$0x18280] =	vst v63  }
0x150: {  	s25 =	simm.s32 $0x7A00  }
0x151: {  	[tilespmem:s25], [sflag:$0x1] =	stream.indirect_vreg.gather [hbm4b:s19+s3], $0x80, v9, vm0, $0xb8;
	[tilespmem:$0x18280] =	vst v63  }
0x152: {  	s25 =	simm.s32 $0x8200  }
0x153: {  	[tilespmem:s25], [sflag:$0x1] =	stream.indirect_vreg.gather [hbm4b:s2+s3], $0x80, v8, vm0, $0xb8;
	[tilespmem:$0x18280] =	vst v63  }
0x154: {  	_ = 	snop  }
0x155: {  	[tilespmem:s31], [sflag:$0x1] =	stream.indirect_vreg.gather [hbm4b:s5+s3], $0x80, v8, vm0, $0xb8;
	[tilespmem:$0x18280] =	vst v63  }
0x156: {  	_ = 	snop  }
0x157: {  	[tilespmem:s20], [sflag:$0x1] =	stream.indirect_vreg.gather [hbm4b:s6+s3], $0x80, v8, vm0, $0xb8;
	[tilespmem:$0x18280] =	vst v63  }
0x158: {  	_ = 	snop  }
0x159: {  	[tilespmem:s26], [sflag:$0x1] =	stream.indirect_vreg.gather [hbm4b:s7+s3], $0x80, v8, vm0, $0xb8;
	[tilespmem:$0x18280] =	vst v63  }
0x15a: {  	_ = 	snop  }
0x15b: {  	[tilespmem:s28], [sflag:$0x1] =	stream.indirect_vreg.gather [hbm4b:s8+s3], $0x80, v8, vm0, $0xb8;
	[tilespmem:$0x18280] =	vst v63  }
0x15c: {  	_ = 	snop  }
0x15d: {  	[tilespmem:s29], [sflag:$0x1] =	stream.indirect_vreg.gather [hbm4b:s9+s3], $0x80, v8, vm0, $0xb8;
	[tilespmem:$0x18280] =	vst v63  }
0x15e: {  	_ = 	snop  }
0x15f: {  	[tilespmem:s30], [sflag:$0x1] =	stream.indirect_vreg.gather [hbm4b:s10+s3], $0x80, v8, vm0, $0xb8;
	[tilespmem:$0x18280] =	vst v63  }
0x160: {  	s31 =	simm.s32 $0xBA00  }
0x161: {  	[tilespmem:s31], [sflag:$0x1] =	stream.indirect_vreg.gather [hbm4b:s11+s3], $0x80, v8, vm0, $0xb8;
	[tilespmem:$0x18280] =	vst v63  }
0x162: {  	s25 =	simm.s32 $0xC200  }
0x163: {  	[tilespmem:s25], [sflag:$0x1] =	stream.indirect_vreg.gather [hbm4b:s12+s3], $0x80, v8, vm0, $0xb8;
	[tilespmem:$0x18280] =	vst v63  }
0x164: {  	s25 =	simm.s32 $0xCA00  }
0x165: {  	[tilespmem:s25], [sflag:$0x1] =	stream.indirect_vreg.gather [hbm4b:s13+s3], $0x80, v8, vm0, $0xb8;
	[tilespmem:$0x18280] =	vst v63  }
0x166: {  	s25 =	simm.s32 $0xD200  }
0x167: {  	[tilespmem:s25], [sflag:$0x1] =	stream.indirect_vreg.gather [hbm4b:s14+s3], $0x80, v8, vm0, $0xb8;
	[tilespmem:$0x18280] =	vst v63  }
0x168: {  	s25 =	simm.s32 $0xDA00  }
0x169: {  	[tilespmem:s25], [sflag:$0x1] =	stream.indirect_vreg.gather [hbm4b:s15+s3], $0x80, v8, vm0, $0xb8;
	[tilespmem:$0x18280] =	vst v63  }
0x16a: {  	s25 =	simm.s32 $0xE200  }
0x16b: {  	[tilespmem:s25], [sflag:$0x1] =	stream.indirect_vreg.gather [hbm4b:s16+s3], $0x80, v8, vm0, $0xb8;
	[tilespmem:$0x18280] =	vst v63  }
0x16c: {  	s25 =	simm.s32 $0xEA00  }
0x16d: {  	[tilespmem:s25], [sflag:$0x1] =	stream.indirect_vreg.gather [hbm4b:s17+s3], $0x80, v8, vm0, $0xb8;
	[tilespmem:$0x18280] =	vst v63  }
0x16e: {  	s25 =	simm.s32 $0xF200  }
0x16f: {  	[tilespmem:s25], [sflag:$0x1] =	stream.indirect_vreg.gather [hbm4b:s18+s3], $0x80, v8, vm0, $0xb8;
	[tilespmem:$0x18280] =	vst v63  }
0x170: {  	s25 =	simm.s32 $0xFA00  }
0x171: {  	[tilespmem:s25], [sflag:$0x1] =	stream.indirect_vreg.gather [hbm4b:s19+s3], $0x80, v8, vm0, $0xb8;
	[tilespmem:$0x18280] =	vst v63  }
0x172: {  	v8 =	vld [tilespmem:$0x128];
	_ =	sdelay $0x4  }
0x173: {  	v8 =	vnsel vm1, $0x0, v8  }
0x174: {  	v28 =	vshll.u32 v8, $0x3  }
0x175: {  	v8 =	vand.u32 $0x7F, v8;
	v9 =	vand.u32 $0xFFFFFC00, v28  }
0x176: {  	v8 =	vor.u32 v9, v8  }
0x177: {  	v8 =	vor.u32 v4, v8;
	_ =	sdelay $0x3  }
0x178: {  	s25 =	rddreg [dreg:$0x8]  }
0x179: {  	v8 =	vld.idx.msk [tilespmem:v8+s21+$0x0], $0xffff;
	[hbm4b:s25+s3] =	stream.linear.scatter [tilespmem:s21], [sflag:$0x4], $0x8000, $0x38  }
0x17a: {  	_ =	swait.ge [sflag:s0], $0x10000  }
0x17b: {  	[sflag:s0] =	ssyncset.done $0x0  }
0x17c: {  	[sflag:s0] =	ssyncadd.s32 $0xFFFF0000  }
0x17d: {  	_ =	swait.ge [sflag:s23], $0x8000  }
0x17e: {  	[sflag:s23] =	ssyncset.done $0x0  }
0x17f: {  	[sflag:s23] =	ssyncadd.s32 $0xFFFF8000  }
0x180: {  	v29 =	vld.msk [tilespmem:$0x40], $0xff;
	_ =	sdelay $0x4  }
0x181: {  	v10 =	vshll.u32 v29, $0x5  }
0x182: {  	v9 =	vand.u32 $0x7, v29;
	v10 =	vand.u32 $0xFFFFFF00, v10  }
0x183: {  	v9 =	vor.u32 v9, v10  }
0x184: {  	v9 =	vperm.xlane v9, v0;
	_ =	sdelay $0x1  }
0x185: {  	v9 =	vadd.s32 v1, v9;
	_ =	sdelay $0x4  }
0x186: {  	[tilespmem:s21], [sflag:$0x2] =	stream.indirect_vreg.gather [hbm4b:s2+s3], $0x80, v9, vm0, $0xb8;
	[tilespmem:$0x18280] =	vst v63  }
0x187: {  	s25 =	simm.s32 $0x10A00  }
0x188: {  	[tilespmem:s25], [sflag:$0x2] =	stream.indirect_vreg.gather [hbm4b:s5+s3], $0x80, v9, vm0, $0xb8;
	[tilespmem:$0x18280] =	vst v63  }
0x189: {  	s25 =	simm.s32 $0x11200  }
0x18a: {  	[tilespmem:s25], [sflag:$0x2] =	stream.indirect_vreg.gather [hbm4b:s6+s3], $0x80, v9, vm0, $0xb8;
	[tilespmem:$0x18280] =	vst v63  }
0x18b: {  	s25 =	simm.s32 $0x11A00  }
0x18c: {  	[tilespmem:s25], [sflag:$0x2] =	stream.indirect_vreg.gather [hbm4b:s7+s3], $0x80, v9, vm0, $0xb8;
	[tilespmem:$0x18280] =	vst v63  }
0x18d: {  	s25 =	simm.s32 $0x12200  }
0x18e: {  	[tilespmem:s25], [sflag:$0x2] =	stream.indirect_vreg.gather [hbm4b:s8+s3], $0x80, v9, vm0, $0xb8;
	[tilespmem:$0x18280] =	vst v63  }
0x18f: {  	s25 =	simm.s32 $0x12A00  }
0x190: {  	[tilespmem:s25], [sflag:$0x2] =	stream.indirect_vreg.gather [hbm4b:s9+s3], $0x80, v9, vm0, $0xb8;
	[tilespmem:$0x18280] =	vst v63  }
0x191: {  	s25 =	simm.s32 $0x13200  }
0x192: {  	[tilespmem:s25], [sflag:$0x2] =	stream.indirect_vreg.gather [hbm4b:s10+s3], $0x80, v9, vm0, $0xb8;
	[tilespmem:$0x18280] =	vst v63  }
0x193: {  	s25 =	simm.s32 $0x13A00  }
0x194: {  	[tilespmem:s25], [sflag:$0x2] =	stream.indirect_vreg.gather [hbm4b:s11+s3], $0x80, v9, vm0, $0xb8;
	[tilespmem:$0x18280] =	vst v63  }
0x195: {  	s25 =	simm.s32 $0x14200  }
0x196: {  	[tilespmem:s25], [sflag:$0x2] =	stream.indirect_vreg.gather [hbm4b:s12+s3], $0x80, v9, vm0, $0xb8;
	[tilespmem:$0x18280] =	vst v63  }
0x197: {  	s25 =	simm.s32 $0x14A00  }
0x198: {  	[tilespmem:s25], [sflag:$0x2] =	stream.indirect_vreg.gather [hbm4b:s13+s3], $0x80, v9, vm0, $0xb8;
	[tilespmem:$0x18280] =	vst v63  }
0x199: {  	s25 =	simm.s32 $0x15200  }
0x19a: {  	[tilespmem:s25], [sflag:$0x2] =	stream.indirect_vreg.gather [hbm4b:s14+s3], $0x80, v9, vm0, $0xb8;
	[tilespmem:$0x18280] =	vst v63  }
0x19b: {  	s25 =	simm.s32 $0x15A00  }
0x19c: {  	[tilespmem:s25], [sflag:$0x2] =	stream.indirect_vreg.gather [hbm4b:s15+s3], $0x80, v9, vm0, $0xb8;
	[tilespmem:$0x18280] =	vst v63  }
0x19d: {  	s25 =	simm.s32 $0x16200  }
0x19e: {  	[tilespmem:s25], [sflag:$0x2] =	stream.indirect_vreg.gather [hbm4b:s16+s3], $0x80, v9, vm0, $0xb8;
	[tilespmem:$0x18280] =	vst v63  }
0x19f: {  	s25 =	simm.s32 $0x16A00  }
0x1a0: {  	[tilespmem:s25], [sflag:$0x2] =	stream.indirect_vreg.gather [hbm4b:s17+s3], $0x80, v9, vm0, $0xb8;
	[tilespmem:$0x18280] =	vst v63  }
0x1a1: {  	s25 =	simm.s32 $0x17200  }
0x1a2: {  	[tilespmem:s25], [sflag:$0x2] =	stream.indirect_vreg.gather [hbm4b:s18+s3], $0x80, v9, vm0, $0xb8;
	[tilespmem:$0x18280] =	vst v63  }
0x1a3: {  	s25 =	simm.s32 $0x17A00  }
0x1a4: {  	[tilespmem:s25], [sflag:$0x2] =	stream.indirect_vreg.gather [hbm4b:s19+s3], $0x80, v9, vm0, $0xb8;
	[tilespmem:$0x18280] =	vst v63  }
0x1a5: {  	v9 =	vld [tilespmem:$0x130];
	_ =	sdelay $0x4  }
0x1a6: {  	v30 =	vshll.u32 v9, $0x3  }
0x1a7: {  	v9 =	vand.u32 $0x7F, v9;
	v10 =	vand.u32 $0xFFFFFC00, v30  }
0x1a8: {  	v9 =	vor.u32 v9, v10  }
0x1a9: {  	v9 =	vadd.s32 v3, v9;
	_ =	sdelay $0x3  }
0x1aa: {  	s25 =	rddreg [dreg:$0x9]  }
0x1ab: {  	v9 =	vld.idx.msk [tilespmem:v9+s24+$0x0], $0xffff;
	[hbm4b:s25+s3] =	stream.linear.scatter [tilespmem:s24], [sflag:$0x3], $0x10000, $0x38  }
0x1ac: {  	_ =	swait.ge [sflag:s22], $0x8000  }
0x1ad: {  	[sflag:s22] =	ssyncset.done $0x0  }
0x1ae: {  	[sflag:s22] =	ssyncadd.s32 $0xFFFF8000  }
0x1af: {  	_ =	swait.ge [sflag:s4], $0x10000  }
0x1b0: {  	[sflag:s4] =	ssyncset.done $0x0  }
0x1b1: {  	[sflag:s4] =	ssyncadd.s32 $0xFFFF0000  }
0x1b2: {  	v31 =	vld [tilespmem:$0x48];
	_ =	sdelay $0x4  }
0x1b3: {  	v11 =	vshll.u32 v31, $0x5  }
0x1b4: {  	v10 =	vand.u32 $0x7, v31;
	v11 =	vand.u32 $0xFFFFFF00, v11  }
0x1b5: {  	v10 =	vor.u32 v10, v11  }
0x1b6: {  	v11 =	vperm.xlane v10, v0;
	_ =	sdelay $0x1  }
0x1b7: {  	v11 =	vadd.s32 v1, v11;
	_ =	sdelay $0x4  }
0x1b8: {  	[tilespmem:s24], [sflag:$0x1] =	stream.indirect_vreg.gather [hbm4b:s2+s3], $0x80, v11, vm0, $0xb8;
	[tilespmem:$0x18280] =	vst v63  }
0x1b9: {  	s25 =	simm.s32 $0xA00  }
0x1ba: {  	[tilespmem:s25], [sflag:$0x1] =	stream.indirect_vreg.gather [hbm4b:s5+s3], $0x80, v11, vm0, $0xb8;
	[tilespmem:$0x18280] =	vst v63  }
0x1bb: {  	s25 =	simm.s32 $0x1200  }
0x1bc: {  	[tilespmem:s25], [sflag:$0x1] =	stream.indirect_vreg.gather [hbm4b:s6+s3], $0x80, v11, vm0, $0xb8;
	[tilespmem:$0x18280] =	vst v63  }
0x1bd: {  	s25 =	simm.s32 $0x1A00  }
0x1be: {  	[tilespmem:s25], [sflag:$0x1] =	stream.indirect_vreg.gather [hbm4b:s7+s3], $0x80, v11, vm0, $0xb8;
	[tilespmem:$0x18280] =	vst v63  }
0x1bf: {  	s25 =	simm.s32 $0x2200  }
0x1c0: {  	[tilespmem:s25], [sflag:$0x1] =	stream.indirect_vreg.gather [hbm4b:s8+s3], $0x80, v11, vm0, $0xb8;
	[tilespmem:$0x18280] =	vst v63  }
0x1c1: {  	s25 =	simm.s32 $0x2A00  }
0x1c2: {  	[tilespmem:s25], [sflag:$0x1] =	stream.indirect_vreg.gather [hbm4b:s9+s3], $0x80, v11, vm0, $0xb8;
	[tilespmem:$0x18280] =	vst v63  }
0x1c3: {  	s25 =	simm.s32 $0x3200  }
0x1c4: {  	[tilespmem:s25], [sflag:$0x1] =	stream.indirect_vreg.gather [hbm4b:s10+s3], $0x80, v11, vm0, $0xb8;
	[tilespmem:$0x18280] =	vst v63  }
0x1c5: {  	s25 =	simm.s32 $0x3A00  }
0x1c6: {  	[tilespmem:s25], [sflag:$0x1] =	stream.indirect_vreg.gather [hbm4b:s11+s3], $0x80, v11, vm0, $0xb8;
	[tilespmem:$0x18280] =	vst v63  }
0x1c7: {  	s25 =	simm.s32 $0x4200  }
0x1c8: {  	[tilespmem:s25], [sflag:$0x1] =	stream.indirect_vreg.gather [hbm4b:s12+s3], $0x80, v11, vm0, $0xb8;
	[tilespmem:$0x18280] =	vst v63  }
0x1c9: {  	s25 =	simm.s32 $0x4A00  }
0x1ca: {  	[tilespmem:s25], [sflag:$0x1] =	stream.indirect_vreg.gather [hbm4b:s13+s3], $0x80, v11, vm0, $0xb8;
	[tilespmem:$0x18280] =	vst v63  }
0x1cb: {  	s25 =	simm.s32 $0x5200  }
0x1cc: {  	[tilespmem:s25], [sflag:$0x1] =	stream.indirect_vreg.gather [hbm4b:s14+s3], $0x80, v11, vm0, $0xb8;
	[tilespmem:$0x18280] =	vst v63  }
0x1cd: {  	s25 =	simm.s32 $0x5A00  }
0x1ce: {  	[tilespmem:s25], [sflag:$0x1] =	stream.indirect_vreg.gather [hbm4b:s15+s3], $0x80, v11, vm0, $0xb8;
	[tilespmem:$0x18280] =	vst v63  }
0x1cf: {  	s25 =	simm.s32 $0x6200  }
0x1d0: {  	[tilespmem:s25], [sflag:$0x1] =	stream.indirect_vreg.gather [hbm4b:s16+s3], $0x80, v11, vm0, $0xb8;
	[tilespmem:$0x18280] =	vst v63  }
0x1d1: {  	v10 =	vperm.xlane v10, v2;
	s25 =	simm.s32 $0x6A00  }
0x1d2: {  	[tilespmem:s25], [sflag:$0x1] =	stream.indirect_vreg.gather [hbm4b:s17+s3], $0x80, v11, vm0, $0xb8;
	[tilespmem:$0x18280] =	vst v63  }
0x1d3: {  	v10 =	vadd.s32 v1, v10;
	s25 =	simm.s32 $0x7200  }
0x1d4: {  	[tilespmem:s25], [sflag:$0x1] =	stream.indirect_vreg.gather [hbm4b:s18+s3], $0x80, v11, vm0, $0xb8;
	[tilespmem:$0x18280] =	vst v63  }
0x1d5: {  	s25 =	simm.s32 $0x7A00  }
0x1d6: {  	[tilespmem:s25], [sflag:$0x1] =	stream.indirect_vreg.gather [hbm4b:s19+s3], $0x80, v11, vm0, $0xb8;
	[tilespmem:$0x18280] =	vst v63  }
0x1d7: {  	s25 =	simm.s32 $0x8200  }
0x1d8: {  	[tilespmem:s25], [sflag:$0x1] =	stream.indirect_vreg.gather [hbm4b:s2+s3], $0x80, v10, vm0, $0xb8;
	[tilespmem:$0x18280] =	vst v63  }
0x1d9: {  	s1 =	simm.s32 $0x8A00  }
0x1da: {  	[tilespmem:s1], [sflag:$0x1] =	stream.indirect_vreg.gather [hbm4b:s5+s3], $0x80, v10, vm0, $0xb8;
	[tilespmem:$0x18280] =	vst v63  }
0x1db: {  	s20 =	simm.s32 $0x9200  }
0x1dc: {  	[tilespmem:s20], [sflag:$0x1] =	stream.indirect_vreg.gather [hbm4b:s6+s3], $0x80, v10, vm0, $0xb8;
	[tilespmem:$0x18280] =	vst v63  }
0x1dd: {  	s26 =	simm.s32 $0x9A00  }
0x1de: {  	[tilespmem:s26], [sflag:$0x1] =	stream.indirect_vreg.gather [hbm4b:s7+s3], $0x80, v10, vm0, $0xb8;
	[tilespmem:$0x18280] =	vst v63  }
0x1df: {  	s28 =	simm.s32 $0xA200  }
0x1e0: {  	[tilespmem:s28], [sflag:$0x1] =	stream.indirect_vreg.gather [hbm4b:s8+s3], $0x80, v10, vm0, $0xb8;
	[tilespmem:$0x18280] =	vst v63  }
0x1e1: {  	s29 =	simm.s32 $0xAA00  }
0x1e2: {  	[tilespmem:s29], [sflag:$0x1] =	stream.indirect_vreg.gather [hbm4b:s9+s3], $0x80, v10, vm0, $0xb8;
	[tilespmem:$0x18280] =	vst v63  }
0x1e3: {  	s30 =	simm.s32 $0xB200  }
0x1e4: {  	[tilespmem:s30], [sflag:$0x1] =	stream.indirect_vreg.gather [hbm4b:s10+s3], $0x80, v10, vm0, $0xb8;
	[tilespmem:$0x18280] =	vst v63  }
0x1e5: {  	s31 =	simm.s32 $0xBA00  }
0x1e6: {  	[tilespmem:s31], [sflag:$0x1] =	stream.indirect_vreg.gather [hbm4b:s11+s3], $0x80, v10, vm0, $0xb8;
	[tilespmem:$0x18280] =	vst v63  }
0x1e7: {  	s25 =	simm.s32 $0xC200  }
0x1e8: {  	[tilespmem:s25], [sflag:$0x1] =	stream.indirect_vreg.gather [hbm4b:s12+s3], $0x80, v10, vm0, $0xb8;
	[tilespmem:$0x18280] =	vst v63  }
0x1e9: {  	s25 =	simm.s32 $0xCA00  }
0x1ea: {  	[tilespmem:s25], [sflag:$0x1] =	stream.indirect_vreg.gather [hbm4b:s13+s3], $0x80, v10, vm0, $0xb8;
	[tilespmem:$0x18280] =	vst v63  }
0x1eb: {  	s25 =	simm.s32 $0xD200  }
0x1ec: {  	[tilespmem:s25], [sflag:$0x1] =	stream.indirect_vreg.gather [hbm4b:s14+s3], $0x80, v10, vm0, $0xb8;
	[tilespmem:$0x18280] =	vst v63  }
0x1ed: {  	s25 =	simm.s32 $0xDA00  }
0x1ee: {  	[tilespmem:s25], [sflag:$0x1] =	stream.indirect_vreg.gather [hbm4b:s15+s3], $0x80, v10, vm0, $0xb8;
	[tilespmem:$0x18280] =	vst v63  }
0x1ef: {  	s25 =	simm.s32 $0xE200  }
0x1f0: {  	[tilespmem:s25], [sflag:$0x1] =	stream.indirect_vreg.gather [hbm4b:s16+s3], $0x80, v10, vm0, $0xb8;
	[tilespmem:$0x18280] =	vst v63  }
0x1f1: {  	s25 =	simm.s32 $0xEA00  }
0x1f2: {  	[tilespmem:s25], [sflag:$0x1] =	stream.indirect_vreg.gather [hbm4b:s17+s3], $0x80, v10, vm0, $0xb8;
	[tilespmem:$0x18280] =	vst v63  }
0x1f3: {  	s25 =	simm.s32 $0xF200  }
0x1f4: {  	[tilespmem:s25], [sflag:$0x1] =	stream.indirect_vreg.gather [hbm4b:s18+s3], $0x80, v10, vm0, $0xb8;
	[tilespmem:$0x18280] =	vst v63  }
0x1f5: {  	s25 =	simm.s32 $0xFA00  }
0x1f6: {  	[tilespmem:s25], [sflag:$0x1] =	stream.indirect_vreg.gather [hbm4b:s19+s3], $0x80, v10, vm0, $0xb8;
	[tilespmem:$0x18280] =	vst v63  }
0x1f7: {  	v10 =	vld [tilespmem:$0x140];
	_ =	sdelay $0x4  }
0x1f8: {  	v10 =	vnsel vm1, $0x0, v10  }
0x1f9: {  	v32 =	vshll.u32 v10, $0x3  }
0x1fa: {  	v10 =	vand.u32 $0x7F, v10;
	v11 =	vand.u32 $0xFFFFFC00, v32  }
0x1fb: {  	v10 =	vor.u32 v11, v10  }
0x1fc: {  	v10 =	vor.u32 v4, v10;
	_ =	sdelay $0x3  }
0x1fd: {  	s25 =	rddreg [dreg:$0xa]  }
0x1fe: {  	v10 =	vld.idx.msk [tilespmem:v10+s21+$0x0], $0xffff;
	[hbm4b:s25+s3] =	stream.linear.scatter [tilespmem:s21], [sflag:$0x4], $0x8000, $0x38  }
0x1ff: {  	_ =	swait.ge [sflag:s0], $0x10000  }
0x200: {  	[sflag:s0] =	ssyncset.done $0x0  }
0x201: {  	[sflag:s0] =	ssyncadd.s32 $0xFFFF0000  }
0x202: {  	_ =	swait.ge [sflag:s23], $0x8000  }
0x203: {  	[sflag:s23] =	ssyncset.done $0x0  }
0x204: {  	[sflag:s23] =	ssyncadd.s32 $0xFFFF8000  }
0x205: {  	v33 =	vld.msk [tilespmem:$0x58], $0xff;
	_ =	sdelay $0x4  }
0x206: {  	v12 =	vshll.u32 v33, $0x5  }
0x207: {  	v11 =	vand.u32 $0x7, v33;
	v12 =	vand.u32 $0xFFFFFF00, v12  }
0x208: {  	v11 =	vor.u32 v11, v12  }
0x209: {  	v11 =	vperm.xlane v11, v0;
	_ =	sdelay $0x1  }
0x20a: {  	v11 =	vadd.s32 v1, v11;
	_ =	sdelay $0x4  }
0x20b: {  	[tilespmem:s21], [sflag:$0x2] =	stream.indirect_vreg.gather [hbm4b:s2+s3], $0x80, v11, vm0, $0xb8;
	[tilespmem:$0x18280] =	vst v63  }
0x20c: {  	s25 =	simm.s32 $0x10A00  }
0x20d: {  	[tilespmem:s25], [sflag:$0x2] =	stream.indirect_vreg.gather [hbm4b:s5+s3], $0x80, v11, vm0, $0xb8;
	[tilespmem:$0x18280] =	vst v63  }
0x20e: {  	s25 =	simm.s32 $0x11200  }
0x20f: {  	[tilespmem:s25], [sflag:$0x2] =	stream.indirect_vreg.gather [hbm4b:s6+s3], $0x80, v11, vm0, $0xb8;
	[tilespmem:$0x18280] =	vst v63  }
0x210: {  	s25 =	simm.s32 $0x11A00  }
0x211: {  	[tilespmem:s25], [sflag:$0x2] =	stream.indirect_vreg.gather [hbm4b:s7+s3], $0x80, v11, vm0, $0xb8;
	[tilespmem:$0x18280] =	vst v63  }
0x212: {  	s25 =	simm.s32 $0x12200  }
0x213: {  	[tilespmem:s25], [sflag:$0x2] =	stream.indirect_vreg.gather [hbm4b:s8+s3], $0x80, v11, vm0, $0xb8;
	[tilespmem:$0x18280] =	vst v63  }
0x214: {  	s25 =	simm.s32 $0x12A00  }
0x215: {  	[tilespmem:s25], [sflag:$0x2] =	stream.indirect_vreg.gather [hbm4b:s9+s3], $0x80, v11, vm0, $0xb8;
	[tilespmem:$0x18280] =	vst v63  }
0x216: {  	s25 =	simm.s32 $0x13200  }
0x217: {  	[tilespmem:s25], [sflag:$0x2] =	stream.indirect_vreg.gather [hbm4b:s10+s3], $0x80, v11, vm0, $0xb8;
	[tilespmem:$0x18280] =	vst v63  }
0x218: {  	s25 =	simm.s32 $0x13A00  }
0x219: {  	[tilespmem:s25], [sflag:$0x2] =	stream.indirect_vreg.gather [hbm4b:s11+s3], $0x80, v11, vm0, $0xb8;
	[tilespmem:$0x18280] =	vst v63  }
0x21a: {  	s25 =	simm.s32 $0x14200  }
0x21b: {  	[tilespmem:s25], [sflag:$0x2] =	stream.indirect_vreg.gather [hbm4b:s12+s3], $0x80, v11, vm0, $0xb8;
	[tilespmem:$0x18280] =	vst v63  }
0x21c: {  	s25 =	simm.s32 $0x14A00  }
0x21d: {  	[tilespmem:s25], [sflag:$0x2] =	stream.indirect_vreg.gather [hbm4b:s13+s3], $0x80, v11, vm0, $0xb8;
	[tilespmem:$0x18280] =	vst v63  }
0x21e: {  	s25 =	simm.s32 $0x15200  }
0x21f: {  	[tilespmem:s25], [sflag:$0x2] =	stream.indirect_vreg.gather [hbm4b:s14+s3], $0x80, v11, vm0, $0xb8;
	[tilespmem:$0x18280] =	vst v63  }
0x220: {  	s25 =	simm.s32 $0x15A00  }
0x221: {  	[tilespmem:s25], [sflag:$0x2] =	stream.indirect_vreg.gather [hbm4b:s15+s3], $0x80, v11, vm0, $0xb8;
	[tilespmem:$0x18280] =	vst v63  }
0x222: {  	s25 =	simm.s32 $0x16200  }
0x223: {  	[tilespmem:s25], [sflag:$0x2] =	stream.indirect_vreg.gather [hbm4b:s16+s3], $0x80, v11, vm0, $0xb8;
	[tilespmem:$0x18280] =	vst v63  }
0x224: {  	s25 =	simm.s32 $0x16A00  }
0x225: {  	[tilespmem:s25], [sflag:$0x2] =	stream.indirect_vreg.gather [hbm4b:s17+s3], $0x80, v11, vm0, $0xb8;
	[tilespmem:$0x18280] =	vst v63  }
0x226: {  	s25 =	simm.s32 $0x17200  }
0x227: {  	[tilespmem:s25], [sflag:$0x2] =	stream.indirect_vreg.gather [hbm4b:s18+s3], $0x80, v11, vm0, $0xb8;
	[tilespmem:$0x18280] =	vst v63  }
0x228: {  	s25 =	simm.s32 $0x17A00  }
0x229: {  	[tilespmem:s25], [sflag:$0x2] =	stream.indirect_vreg.gather [hbm4b:s19+s3], $0x80, v11, vm0, $0xb8;
	[tilespmem:$0x18280] =	vst v63  }
0x22a: {  	v11 =	vld [tilespmem:$0x148];
	_ =	sdelay $0x4  }
0x22b: {  	v34 =	vshll.u32 v11, $0x3  }
0x22c: {  	v11 =	vand.u32 $0x7F, v11;
	v12 =	vand.u32 $0xFFFFFC00, v34  }
0x22d: {  	v11 =	vor.u32 v11, v12  }
0x22e: {  	v11 =	vadd.s32 v3, v11;
	_ =	sdelay $0x3  }
0x22f: {  	s25 =	rddreg [dreg:$0xb]  }
0x230: {  	v11 =	vld.idx.msk [tilespmem:v11+s24+$0x0], $0xffff;
	[hbm4b:s25+s3] =	stream.linear.scatter [tilespmem:s24], [sflag:$0x3], $0x10000, $0x38  }
0x231: {  	_ =	swait.ge [sflag:s22], $0x8000  }
0x232: {  	[sflag:s22] =	ssyncset.done $0x0  }
0x233: {  	[sflag:s22] =	ssyncadd.s32 $0xFFFF8000  }
0x234: {  	_ =	swait.ge [sflag:s4], $0x10000  }
0x235: {  	[sflag:s4] =	ssyncset.done $0x0  }
0x236: {  	[sflag:s4] =	ssyncadd.s32 $0xFFFF0000  }
0x237: {  	v35 =	vld [tilespmem:$0x60];
	_ =	sdelay $0x4  }
0x238: {  	v13 =	vshll.u32 v35, $0x5  }
0x239: {  	v12 =	vand.u32 $0x7, v35;
	v13 =	vand.u32 $0xFFFFFF00, v13  }
0x23a: {  	v12 =	vor.u32 v12, v13  }
0x23b: {  	v13 =	vperm.xlane v12, v0;
	_ =	sdelay $0x1  }
0x23c: {  	v13 =	vadd.s32 v1, v13;
	_ =	sdelay $0x4  }
0x23d: {  	[tilespmem:s24], [sflag:$0x1] =	stream.indirect_vreg.gather [hbm4b:s2+s3], $0x80, v13, vm0, $0xb8;
	[tilespmem:$0x18280] =	vst v63  }
0x23e: {  	s25 =	simm.s32 $0xA00  }
0x23f: {  	[tilespmem:s25], [sflag:$0x1] =	stream.indirect_vreg.gather [hbm4b:s5+s3], $0x80, v13, vm0, $0xb8;
	[tilespmem:$0x18280] =	vst v63  }
0x240: {  	s25 =	simm.s32 $0x1200  }
0x241: {  	[tilespmem:s25], [sflag:$0x1] =	stream.indirect_vreg.gather [hbm4b:s6+s3], $0x80, v13, vm0, $0xb8;
	[tilespmem:$0x18280] =	vst v63  }
0x242: {  	s25 =	simm.s32 $0x1A00  }
0x243: {  	[tilespmem:s25], [sflag:$0x1] =	stream.indirect_vreg.gather [hbm4b:s7+s3], $0x80, v13, vm0, $0xb8;
	[tilespmem:$0x18280] =	vst v63  }
0x244: {  	s25 =	simm.s32 $0x2200  }
0x245: {  	[tilespmem:s25], [sflag:$0x1] =	stream.indirect_vreg.gather [hbm4b:s8+s3], $0x80, v13, vm0, $0xb8;
	[tilespmem:$0x18280] =	vst v63  }
0x246: {  	s25 =	simm.s32 $0x2A00  }
0x247: {  	[tilespmem:s25], [sflag:$0x1] =	stream.indirect_vreg.gather [hbm4b:s9+s3], $0x80, v13, vm0, $0xb8;
	[tilespmem:$0x18280] =	vst v63  }
0x248: {  	s25 =	simm.s32 $0x3200  }
0x249: {  	[tilespmem:s25], [sflag:$0x1] =	stream.indirect_vreg.gather [hbm4b:s10+s3], $0x80, v13, vm0, $0xb8;
	[tilespmem:$0x18280] =	vst v63  }
0x24a: {  	s25 =	simm.s32 $0x3A00  }
0x24b: {  	[tilespmem:s25], [sflag:$0x1] =	stream.indirect_vreg.gather [hbm4b:s11+s3], $0x80, v13, vm0, $0xb8;
	[tilespmem:$0x18280] =	vst v63  }
0x24c: {  	s25 =	simm.s32 $0x4200  }
0x24d: {  	[tilespmem:s25], [sflag:$0x1] =	stream.indirect_vreg.gather [hbm4b:s12+s3], $0x80, v13, vm0, $0xb8;
	[tilespmem:$0x18280] =	vst v63  }
0x24e: {  	s25 =	simm.s32 $0x4A00  }
0x24f: {  	[tilespmem:s25], [sflag:$0x1] =	stream.indirect_vreg.gather [hbm4b:s13+s3], $0x80, v13, vm0, $0xb8;
	[tilespmem:$0x18280] =	vst v63  }
0x250: {  	s25 =	simm.s32 $0x5200  }
0x251: {  	[tilespmem:s25], [sflag:$0x1] =	stream.indirect_vreg.gather [hbm4b:s14+s3], $0x80, v13, vm0, $0xb8;
	[tilespmem:$0x18280] =	vst v63  }
0x252: {  	s25 =	simm.s32 $0x5A00  }
0x253: {  	[tilespmem:s25], [sflag:$0x1] =	stream.indirect_vreg.gather [hbm4b:s15+s3], $0x80, v13, vm0, $0xb8;
	[tilespmem:$0x18280] =	vst v63  }
0x254: {  	s25 =	simm.s32 $0x6200  }
0x255: {  	[tilespmem:s25], [sflag:$0x1] =	stream.indirect_vreg.gather [hbm4b:s16+s3], $0x80, v13, vm0, $0xb8;
	[tilespmem:$0x18280] =	vst v63  }
0x256: {  	v12 =	vperm.xlane v12, v2;
	s25 =	simm.s32 $0x6A00  }
0x257: {  	[tilespmem:s25], [sflag:$0x1] =	stream.indirect_vreg.gather [hbm4b:s17+s3], $0x80, v13, vm0, $0xb8;
	[tilespmem:$0x18280] =	vst v63  }
0x258: {  	v12 =	vadd.s32 v1, v12;
	s25 =	simm.s32 $0x7200  }
0x259: {  	[tilespmem:s25], [sflag:$0x1] =	stream.indirect_vreg.gather [hbm4b:s18+s3], $0x80, v13, vm0, $0xb8;
	[tilespmem:$0x18280] =	vst v63  }
0x25a: {  	s25 =	simm.s32 $0x7A00  }
0x25b: {  	[tilespmem:s25], [sflag:$0x1] =	stream.indirect_vreg.gather [hbm4b:s19+s3], $0x80, v13, vm0, $0xb8;
	[tilespmem:$0x18280] =	vst v63  }
0x25c: {  	s25 =	simm.s32 $0x8200  }
0x25d: {  	[tilespmem:s25], [sflag:$0x1] =	stream.indirect_vreg.gather [hbm4b:s2+s3], $0x80, v12, vm0, $0xb8;
	[tilespmem:$0x18280] =	vst v63  }
0x25e: {  	s1 =	simm.s32 $0x8A00  }
0x25f: {  	[tilespmem:s1], [sflag:$0x1] =	stream.indirect_vreg.gather [hbm4b:s5+s3], $0x80, v12, vm0, $0xb8;
	[tilespmem:$0x18280] =	vst v63  }
0x260: {  	s20 =	simm.s32 $0x9200  }
0x261: {  	[tilespmem:s20], [sflag:$0x1] =	stream.indirect_vreg.gather [hbm4b:s6+s3], $0x80, v12, vm0, $0xb8;
	[tilespmem:$0x18280] =	vst v63  }
0x262: {  	s26 =	simm.s32 $0x9A00  }
0x263: {  	[tilespmem:s26], [sflag:$0x1] =	stream.indirect_vreg.gather [hbm4b:s7+s3], $0x80, v12, vm0, $0xb8;
	[tilespmem:$0x18280] =	vst v63  }
0x264: {  	s28 =	simm.s32 $0xA200  }
0x265: {  	[tilespmem:s28], [sflag:$0x1] =	stream.indirect_vreg.gather [hbm4b:s8+s3], $0x80, v12, vm0, $0xb8;
	[tilespmem:$0x18280] =	vst v63  }
0x266: {  	s29 =	simm.s32 $0xAA00  }
0x267: {  	[tilespmem:s29], [sflag:$0x1] =	stream.indirect_vreg.gather [hbm4b:s9+s3], $0x80, v12, vm0, $0xb8;
	[tilespmem:$0x18280] =	vst v63  }
0x268: {  	s30 =	simm.s32 $0xB200  }
0x269: {  	[tilespmem:s30], [sflag:$0x1] =	stream.indirect_vreg.gather [hbm4b:s10+s3], $0x80, v12, vm0, $0xb8;
	[tilespmem:$0x18280] =	vst v63  }
0x26a: {  	s31 =	simm.s32 $0xBA00  }
0x26b: {  	[tilespmem:s31], [sflag:$0x1] =	stream.indirect_vreg.gather [hbm4b:s11+s3], $0x80, v12, vm0, $0xb8;
	[tilespmem:$0x18280] =	vst v63  }
0x26c: {  	s25 =	simm.s32 $0xC200  }
0x26d: {  	[tilespmem:s25], [sflag:$0x1] =	stream.indirect_vreg.gather [hbm4b:s12+s3], $0x80, v12, vm0, $0xb8;
	[tilespmem:$0x18280] =	vst v63  }
0x26e: {  	s25 =	simm.s32 $0xCA00  }
0x26f: {  	[tilespmem:s25], [sflag:$0x1] =	stream.indirect_vreg.gather [hbm4b:s13+s3], $0x80, v12, vm0, $0xb8;
	[tilespmem:$0x18280] =	vst v63  }
0x270: {  	s25 =	simm.s32 $0xD200  }
0x271: {  	[tilespmem:s25], [sflag:$0x1] =	stream.indirect_vreg.gather [hbm4b:s14+s3], $0x80, v12, vm0, $0xb8;
	[tilespmem:$0x18280] =	vst v63  }
0x272: {  	s25 =	simm.s32 $0xDA00  }
0x273: {  	[tilespmem:s25], [sflag:$0x1] =	stream.indirect_vreg.gather [hbm4b:s15+s3], $0x80, v12, vm0, $0xb8;
	[tilespmem:$0x18280] =	vst v63  }
0x274: {  	s25 =	simm.s32 $0xE200  }
0x275: {  	[tilespmem:s25], [sflag:$0x1] =	stream.indirect_vreg.gather [hbm4b:s16+s3], $0x80, v12, vm0, $0xb8;
	[tilespmem:$0x18280] =	vst v63  }
0x276: {  	s25 =	simm.s32 $0xEA00  }
0x277: {  	[tilespmem:s25], [sflag:$0x1] =	stream.indirect_vreg.gather [hbm4b:s17+s3], $0x80, v12, vm0, $0xb8;
	[tilespmem:$0x18280] =	vst v63  }
0x278: {  	s25 =	simm.s32 $0xF200  }
0x279: {  	[tilespmem:s25], [sflag:$0x1] =	stream.indirect_vreg.gather [hbm4b:s18+s3], $0x80, v12, vm0, $0xb8;
	[tilespmem:$0x18280] =	vst v63  }
0x27a: {  	s25 =	simm.s32 $0xFA00  }
0x27b: {  	[tilespmem:s25], [sflag:$0x1] =	stream.indirect_vreg.gather [hbm4b:s19+s3], $0x80, v12, vm0, $0xb8;
	[tilespmem:$0x18280] =	vst v63  }
0x27c: {  	v12 =	vld [tilespmem:$0x158];
	_ =	sdelay $0x4  }
0x27d: {  	v12 =	vnsel vm1, $0x0, v12  }
0x27e: {  	v36 =	vshll.u32 v12, $0x3  }
0x27f: {  	v12 =	vand.u32 $0x7F, v12;
	v13 =	vand.u32 $0xFFFFFC00, v36  }
0x280: {  	v12 =	vor.u32 v13, v12  }
0x281: {  	v12 =	vor.u32 v4, v12;
	_ =	sdelay $0x3  }
0x282: {  	s25 =	rddreg [dreg:$0xc]  }
0x283: {  	v12 =	vld.idx.msk [tilespmem:v12+s21+$0x0], $0xffff;
	[hbm4b:s25+s3] =	stream.linear.scatter [tilespmem:s21], [sflag:$0x4], $0x8000, $0x38  }
0x284: {  	_ =	swait.ge [sflag:s0], $0x10000  }
0x285: {  	[sflag:s0] =	ssyncset.done $0x0  }
0x286: {  	[sflag:s0] =	ssyncadd.s32 $0xFFFF0000  }
0x287: {  	_ =	swait.ge [sflag:s23], $0x8000  }
0x288: {  	[sflag:s23] =	ssyncset.done $0x0  }
0x289: {  	[sflag:s23] =	ssyncadd.s32 $0xFFFF8000  }
0x28a: {  	v37 =	vld.msk [tilespmem:$0x70], $0xff;
	_ =	sdelay $0x4  }
0x28b: {  	v14 =	vshll.u32 v37, $0x5  }
0x28c: {  	v13 =	vand.u32 $0x7, v37;
	v14 =	vand.u32 $0xFFFFFF00, v14  }
0x28d: {  	v13 =	vor.u32 v13, v14  }
0x28e: {  	v13 =	vperm.xlane v13, v0;
	_ =	sdelay $0x1  }
0x28f: {  	v13 =	vadd.s32 v1, v13;
	_ =	sdelay $0x4  }
0x290: {  	[tilespmem:s21], [sflag:$0x2] =	stream.indirect_vreg.gather [hbm4b:s2+s3], $0x80, v13, vm0, $0xb8;
	[tilespmem:$0x18280] =	vst v63  }
0x291: {  	s25 =	simm.s32 $0x10A00  }
0x292: {  	[tilespmem:s25], [sflag:$0x2] =	stream.indirect_vreg.gather [hbm4b:s5+s3], $0x80, v13, vm0, $0xb8;
	[tilespmem:$0x18280] =	vst v63  }
0x293: {  	s25 =	simm.s32 $0x11200  }
0x294: {  	[tilespmem:s25], [sflag:$0x2] =	stream.indirect_vreg.gather [hbm4b:s6+s3], $0x80, v13, vm0, $0xb8;
	[tilespmem:$0x18280] =	vst v63  }
0x295: {  	s25 =	simm.s32 $0x11A00  }
0x296: {  	[tilespmem:s25], [sflag:$0x2] =	stream.indirect_vreg.gather [hbm4b:s7+s3], $0x80, v13, vm0, $0xb8;
	[tilespmem:$0x18280] =	vst v63  }
0x297: {  	s25 =	simm.s32 $0x12200  }
0x298: {  	[tilespmem:s25], [sflag:$0x2] =	stream.indirect_vreg.gather [hbm4b:s8+s3], $0x80, v13, vm0, $0xb8;
	[tilespmem:$0x18280] =	vst v63  }
0x299: {  	s25 =	simm.s32 $0x12A00  }
0x29a: {  	[tilespmem:s25], [sflag:$0x2] =	stream.indirect_vreg.gather [hbm4b:s9+s3], $0x80, v13, vm0, $0xb8;
	[tilespmem:$0x18280] =	vst v63  }
0x29b: {  	s25 =	simm.s32 $0x13200  }
0x29c: {  	[tilespmem:s25], [sflag:$0x2] =	stream.indirect_vreg.gather [hbm4b:s10+s3], $0x80, v13, vm0, $0xb8;
	[tilespmem:$0x18280] =	vst v63  }
0x29d: {  	s25 =	simm.s32 $0x13A00  }
0x29e: {  	[tilespmem:s25], [sflag:$0x2] =	stream.indirect_vreg.gather [hbm4b:s11+s3], $0x80, v13, vm0, $0xb8;
	[tilespmem:$0x18280] =	vst v63  }
0x29f: {  	s25 =	simm.s32 $0x14200  }
0x2a0: {  	[tilespmem:s25], [sflag:$0x2] =	stream.indirect_vreg.gather [hbm4b:s12+s3], $0x80, v13, vm0, $0xb8;
	[tilespmem:$0x18280] =	vst v63  }
0x2a1: {  	s25 =	simm.s32 $0x14A00  }
0x2a2: {  	[tilespmem:s25], [sflag:$0x2] =	stream.indirect_vreg.gather [hbm4b:s13+s3], $0x80, v13, vm0, $0xb8;
	[tilespmem:$0x18280] =	vst v63  }
0x2a3: {  	s25 =	simm.s32 $0x15200  }
0x2a4: {  	[tilespmem:s25], [sflag:$0x2] =	stream.indirect_vreg.gather [hbm4b:s14+s3], $0x80, v13, vm0, $0xb8;
	[tilespmem:$0x18280] =	vst v63  }
0x2a5: {  	s25 =	simm.s32 $0x15A00  }
0x2a6: {  	[tilespmem:s25], [sflag:$0x2] =	stream.indirect_vreg.gather [hbm4b:s15+s3], $0x80, v13, vm0, $0xb8;
	[tilespmem:$0x18280] =	vst v63  }
0x2a7: {  	s25 =	simm.s32 $0x16200  }
0x2a8: {  	[tilespmem:s25], [sflag:$0x2] =	stream.indirect_vreg.gather [hbm4b:s16+s3], $0x80, v13, vm0, $0xb8;
	[tilespmem:$0x18280] =	vst v63  }
0x2a9: {  	s25 =	simm.s32 $0x16A00  }
0x2aa: {  	[tilespmem:s25], [sflag:$0x2] =	stream.indirect_vreg.gather [hbm4b:s17+s3], $0x80, v13, vm0, $0xb8;
	[tilespmem:$0x18280] =	vst v63  }
0x2ab: {  	s25 =	simm.s32 $0x17200  }
0x2ac: {  	[tilespmem:s25], [sflag:$0x2] =	stream.indirect_vreg.gather [hbm4b:s18+s3], $0x80, v13, vm0, $0xb8;
	[tilespmem:$0x18280] =	vst v63  }
0x2ad: {  	s25 =	simm.s32 $0x17A00  }
0x2ae: {  	[tilespmem:s25], [sflag:$0x2] =	stream.indirect_vreg.gather [hbm4b:s19+s3], $0x80, v13, vm0, $0xb8;
	[tilespmem:$0x18280] =	vst v63  }
0x2af: {  	v13 =	vld [tilespmem:$0x160];
	_ =	sdelay $0x4  }
0x2b0: {  	v38 =	vshll.u32 v13, $0x3  }
0x2b1: {  	v13 =	vand.u32 $0x7F, v13;
	v14 =	vand.u32 $0xFFFFFC00, v38  }
0x2b2: {  	v13 =	vor.u32 v13, v14  }
0x2b3: {  	v13 =	vadd.s32 v3, v13;
	_ =	sdelay $0x3  }
0x2b4: {  	s25 =	rddreg [dreg:$0xd]  }
0x2b5: {  	v13 =	vld.idx.msk [tilespmem:v13+s24+$0x0], $0xffff;
	[hbm4b:s25+s3] =	stream.linear.scatter [tilespmem:s24], [sflag:$0x3], $0x10000, $0x38  }
0x2b6: {  	_ =	swait.ge [sflag:s22], $0x8000  }
0x2b7: {  	[sflag:s22] =	ssyncset.done $0x0  }
0x2b8: {  	[sflag:s22] =	ssyncadd.s32 $0xFFFF8000  }
0x2b9: {  	_ =	swait.ge [sflag:s4], $0x10000  }
0x2ba: {  	[sflag:s4] =	ssyncset.done $0x0  }
0x2bb: {  	[sflag:s4] =	ssyncadd.s32 $0xFFFF0000  }
0x2bc: {  	v39 =	vld [tilespmem:$0x78];
	_ =	sdelay $0x4  }
0x2bd: {  	v15 =	vshll.u32 v39, $0x5  }
0x2be: {  	v14 =	vand.u32 $0x7, v39;
	v15 =	vand.u32 $0xFFFFFF00, v15  }
0x2bf: {  	v14 =	vor.u32 v14, v15  }
0x2c0: {  	v15 =	vperm.xlane v14, v0;
	_ =	sdelay $0x1  }
0x2c1: {  	v15 =	vadd.s32 v1, v15;
	_ =	sdelay $0x4  }
0x2c2: {  	[tilespmem:s24], [sflag:$0x1] =	stream.indirect_vreg.gather [hbm4b:s2+s3], $0x80, v15, vm0, $0xb8;
	[tilespmem:$0x18280] =	vst v63  }
0x2c3: {  	s25 =	simm.s32 $0xA00  }
0x2c4: {  	[tilespmem:s25], [sflag:$0x1] =	stream.indirect_vreg.gather [hbm4b:s5+s3], $0x80, v15, vm0, $0xb8;
	[tilespmem:$0x18280] =	vst v63  }
0x2c5: {  	s25 =	simm.s32 $0x1200  }
0x2c6: {  	[tilespmem:s25], [sflag:$0x1] =	stream.indirect_vreg.gather [hbm4b:s6+s3], $0x80, v15, vm0, $0xb8;
	[tilespmem:$0x18280] =	vst v63  }
0x2c7: {  	s25 =	simm.s32 $0x1A00  }
0x2c8: {  	[tilespmem:s25], [sflag:$0x1] =	stream.indirect_vreg.gather [hbm4b:s7+s3], $0x80, v15, vm0, $0xb8;
	[tilespmem:$0x18280] =	vst v63  }
0x2c9: {  	s25 =	simm.s32 $0x2200  }
0x2ca: {  	[tilespmem:s25], [sflag:$0x1] =	stream.indirect_vreg.gather [hbm4b:s8+s3], $0x80, v15, vm0, $0xb8;
	[tilespmem:$0x18280] =	vst v63  }
0x2cb: {  	s25 =	simm.s32 $0x2A00  }
0x2cc: {  	[tilespmem:s25], [sflag:$0x1] =	stream.indirect_vreg.gather [hbm4b:s9+s3], $0x80, v15, vm0, $0xb8;
	[tilespmem:$0x18280] =	vst v63  }
0x2cd: {  	s25 =	simm.s32 $0x3200  }
0x2ce: {  	[tilespmem:s25], [sflag:$0x1] =	stream.indirect_vreg.gather [hbm4b:s10+s3], $0x80, v15, vm0, $0xb8;
	[tilespmem:$0x18280] =	vst v63  }
0x2cf: {  	s25 =	simm.s32 $0x3A00  }
0x2d0: {  	[tilespmem:s25], [sflag:$0x1] =	stream.indirect_vreg.gather [hbm4b:s11+s3], $0x80, v15, vm0, $0xb8;
	[tilespmem:$0x18280] =	vst v63  }
0x2d1: {  	s25 =	simm.s32 $0x4200  }
0x2d2: {  	[tilespmem:s25], [sflag:$0x1] =	stream.indirect_vreg.gather [hbm4b:s12+s3], $0x80, v15, vm0, $0xb8;
	[tilespmem:$0x18280] =	vst v63  }
0x2d3: {  	s25 =	simm.s32 $0x4A00  }
0x2d4: {  	[tilespmem:s25], [sflag:$0x1] =	stream.indirect_vreg.gather [hbm4b:s13+s3], $0x80, v15, vm0, $0xb8;
	[tilespmem:$0x18280] =	vst v63  }
0x2d5: {  	s25 =	simm.s32 $0x5200  }
0x2d6: {  	[tilespmem:s25], [sflag:$0x1] =	stream.indirect_vreg.gather [hbm4b:s14+s3], $0x80, v15, vm0, $0xb8;
	[tilespmem:$0x18280] =	vst v63  }
0x2d7: {  	s25 =	simm.s32 $0x5A00  }
0x2d8: {  	[tilespmem:s25], [sflag:$0x1] =	stream.indirect_vreg.gather [hbm4b:s15+s3], $0x80, v15, vm0, $0xb8;
	[tilespmem:$0x18280] =	vst v63  }
0x2d9: {  	s25 =	simm.s32 $0x6200  }
0x2da: {  	[tilespmem:s25], [sflag:$0x1] =	stream.indirect_vreg.gather [hbm4b:s16+s3], $0x80, v15, vm0, $0xb8;
	[tilespmem:$0x18280] =	vst v63  }
0x2db: {  	v14 =	vperm.xlane v14, v2;
	s25 =	simm.s32 $0x6A00  }
0x2dc: {  	[tilespmem:s25], [sflag:$0x1] =	stream.indirect_vreg.gather [hbm4b:s17+s3], $0x80, v15, vm0, $0xb8;
	[tilespmem:$0x18280] =	vst v63  }
0x2dd: {  	v14 =	vadd.s32 v1, v14;
	s25 =	simm.s32 $0x7200  }
0x2de: {  	[tilespmem:s25], [sflag:$0x1] =	stream.indirect_vreg.gather [hbm4b:s18+s3], $0x80, v15, vm0, $0xb8;
	[tilespmem:$0x18280] =	vst v63  }
0x2df: {  	s25 =	simm.s32 $0x7A00  }
0x2e0: {  	[tilespmem:s25], [sflag:$0x1] =	stream.indirect_vreg.gather [hbm4b:s19+s3], $0x80, v15, vm0, $0xb8;
	[tilespmem:$0x18280] =	vst v63  }
0x2e1: {  	s25 =	simm.s32 $0x8200  }
0x2e2: {  	[tilespmem:s25], [sflag:$0x1] =	stream.indirect_vreg.gather [hbm4b:s2+s3], $0x80, v14, vm0, $0xb8;
	[tilespmem:$0x18280] =	vst v63  }
0x2e3: {  	s1 =	simm.s32 $0x8A00  }
0x2e4: {  	[tilespmem:s1], [sflag:$0x1] =	stream.indirect_vreg.gather [hbm4b:s5+s3], $0x80, v14, vm0, $0xb8;
	[tilespmem:$0x18280] =	vst v63  }
0x2e5: {  	s20 =	simm.s32 $0x9200  }
0x2e6: {  	[tilespmem:s20], [sflag:$0x1] =	stream.indirect_vreg.gather [hbm4b:s6+s3], $0x80, v14, vm0, $0xb8;
	[tilespmem:$0x18280] =	vst v63  }
0x2e7: {  	s26 =	simm.s32 $0x9A00  }
0x2e8: {  	[tilespmem:s26], [sflag:$0x1] =	stream.indirect_vreg.gather [hbm4b:s7+s3], $0x80, v14, vm0, $0xb8;
	[tilespmem:$0x18280] =	vst v63  }
0x2e9: {  	s28 =	simm.s32 $0xA200  }
0x2ea: {  	[tilespmem:s28], [sflag:$0x1] =	stream.indirect_vreg.gather [hbm4b:s8+s3], $0x80, v14, vm0, $0xb8;
	[tilespmem:$0x18280] =	vst v63  }
0x2eb: {  	s29 =	simm.s32 $0xAA00  }
0x2ec: {  	[tilespmem:s29], [sflag:$0x1] =	stream.indirect_vreg.gather [hbm4b:s9+s3], $0x80, v14, vm0, $0xb8;
	[tilespmem:$0x18280] =	vst v63  }
0x2ed: {  	s30 =	simm.s32 $0xB200  }
0x2ee: {  	[tilespmem:s30], [sflag:$0x1] =	stream.indirect_vreg.gather [hbm4b:s10+s3], $0x80, v14, vm0, $0xb8;
	[tilespmem:$0x18280] =	vst v63  }
0x2ef: {  	s31 =	simm.s32 $0xBA00  }
0x2f0: {  	[tilespmem:s31], [sflag:$0x1] =	stream.indirect_vreg.gather [hbm4b:s11+s3], $0x80, v14, vm0, $0xb8;
	[tilespmem:$0x18280] =	vst v63  }
0x2f1: {  	s25 =	simm.s32 $0xC200  }
0x2f2: {  	[tilespmem:s25], [sflag:$0x1] =	stream.indirect_vreg.gather [hbm4b:s12+s3], $0x80, v14, vm0, $0xb8;
	[tilespmem:$0x18280] =	vst v63  }
0x2f3: {  	s25 =	simm.s32 $0xCA00  }
0x2f4: {  	[tilespmem:s25], [sflag:$0x1] =	stream.indirect_vreg.gather [hbm4b:s13+s3], $0x80, v14, vm0, $0xb8;
	[tilespmem:$0x18280] =	vst v63  }
0x2f5: {  	s25 =	simm.s32 $0xD200  }
0x2f6: {  	[tilespmem:s25], [sflag:$0x1] =	stream.indirect_vreg.gather [hbm4b:s14+s3], $0x80, v14, vm0, $0xb8;
	[tilespmem:$0x18280] =	vst v63  }
0x2f7: {  	s25 =	simm.s32 $0xDA00  }
0x2f8: {  	[tilespmem:s25], [sflag:$0x1] =	stream.indirect_vreg.gather [hbm4b:s15+s3], $0x80, v14, vm0, $0xb8;
	[tilespmem:$0x18280] =	vst v63  }
0x2f9: {  	s25 =	simm.s32 $0xE200  }
0x2fa: {  	[tilespmem:s25], [sflag:$0x1] =	stream.indirect_vreg.gather [hbm4b:s16+s3], $0x80, v14, vm0, $0xb8;
	[tilespmem:$0x18280] =	vst v63  }
0x2fb: {  	s25 =	simm.s32 $0xEA00  }
0x2fc: {  	[tilespmem:s25], [sflag:$0x1] =	stream.indirect_vreg.gather [hbm4b:s17+s3], $0x80, v14, vm0, $0xb8;
	[tilespmem:$0x18280] =	vst v63  }
0x2fd: {  	s25 =	simm.s32 $0xF200  }
0x2fe: {  	[tilespmem:s25], [sflag:$0x1] =	stream.indirect_vreg.gather [hbm4b:s18+s3], $0x80, v14, vm0, $0xb8;
	[tilespmem:$0x18280] =	vst v63  }
0x2ff: {  	s25 =	simm.s32 $0xFA00  }
0x300: {  	[tilespmem:s25], [sflag:$0x1] =	stream.indirect_vreg.gather [hbm4b:s19+s3], $0x80, v14, vm0, $0xb8;
	[tilespmem:$0x18280] =	vst v63  }
0x301: {  	v14 =	vld [tilespmem:$0x170];
	_ =	sdelay $0x4  }
0x302: {  	v14 =	vnsel vm1, $0x0, v14  }
0x303: {  	v40 =	vshll.u32 v14, $0x3  }
0x304: {  	v14 =	vand.u32 $0x7F, v14;
	v15 =	vand.u32 $0xFFFFFC00, v40  }
0x305: {  	v14 =	vor.u32 v15, v14  }
0x306: {  	v14 =	vor.u32 v4, v14;
	_ =	sdelay $0x3  }
0x307: {  	s25 =	rddreg [dreg:$0xe]  }
0x308: {  	v14 =	vld.idx.msk [tilespmem:v14+s21+$0x0], $0xffff;
	[hbm4b:s25+s3] =	stream.linear.scatter [tilespmem:s21], [sflag:$0x4], $0x8000, $0x38  }
0x309: {  	_ =	swait.ge [sflag:s0], $0x10000  }
0x30a: {  	[sflag:s0] =	ssyncset.done $0x0  }
0x30b: {  	[sflag:s0] =	ssyncadd.s32 $0xFFFF0000  }
0x30c: {  	_ =	swait.ge [sflag:s23], $0x8000  }
0x30d: {  	[sflag:s23] =	ssyncset.done $0x0  }
0x30e: {  	[sflag:s23] =	ssyncadd.s32 $0xFFFF8000  }
0x30f: {  	v41 =	vld.msk [tilespmem:$0x88], $0xff;
	_ =	sdelay $0x4  }
0x310: {  	v16 =	vshll.u32 v41, $0x5  }
0x311: {  	v15 =	vand.u32 $0x7, v41;
	v16 =	vand.u32 $0xFFFFFF00, v16  }
0x312: {  	v15 =	vor.u32 v15, v16  }
0x313: {  	v15 =	vperm.xlane v15, v0;
	_ =	sdelay $0x1  }
0x314: {  	v15 =	vadd.s32 v1, v15;
	_ =	sdelay $0x4  }
0x315: {  	[tilespmem:s21], [sflag:$0x2] =	stream.indirect_vreg.gather [hbm4b:s2+s3], $0x80, v15, vm0, $0xb8;
	[tilespmem:$0x18280] =	vst v63  }
0x316: {  	s25 =	simm.s32 $0x10A00  }
0x317: {  	[tilespmem:s25], [sflag:$0x2] =	stream.indirect_vreg.gather [hbm4b:s5+s3], $0x80, v15, vm0, $0xb8;
	[tilespmem:$0x18280] =	vst v63  }
0x318: {  	s25 =	simm.s32 $0x11200  }
0x319: {  	[tilespmem:s25], [sflag:$0x2] =	stream.indirect_vreg.gather [hbm4b:s6+s3], $0x80, v15, vm0, $0xb8;
	[tilespmem:$0x18280] =	vst v63  }
0x31a: {  	s25 =	simm.s32 $0x11A00  }
0x31b: {  	[tilespmem:s25], [sflag:$0x2] =	stream.indirect_vreg.gather [hbm4b:s7+s3], $0x80, v15, vm0, $0xb8;
	[tilespmem:$0x18280] =	vst v63  }
0x31c: {  	s25 =	simm.s32 $0x12200  }
0x31d: {  	[tilespmem:s25], [sflag:$0x2] =	stream.indirect_vreg.gather [hbm4b:s8+s3], $0x80, v15, vm0, $0xb8;
	[tilespmem:$0x18280] =	vst v63  }
0x31e: {  	s25 =	simm.s32 $0x12A00  }
0x31f: {  	[tilespmem:s25], [sflag:$0x2] =	stream.indirect_vreg.gather [hbm4b:s9+s3], $0x80, v15, vm0, $0xb8;
	[tilespmem:$0x18280] =	vst v63  }
0x320: {  	s25 =	simm.s32 $0x13200  }
0x321: {  	[tilespmem:s25], [sflag:$0x2] =	stream.indirect_vreg.gather [hbm4b:s10+s3], $0x80, v15, vm0, $0xb8;
	[tilespmem:$0x18280] =	vst v63  }
0x322: {  	s25 =	simm.s32 $0x13A00  }
0x323: {  	[tilespmem:s25], [sflag:$0x2] =	stream.indirect_vreg.gather [hbm4b:s11+s3], $0x80, v15, vm0, $0xb8;
	[tilespmem:$0x18280] =	vst v63  }
0x324: {  	s25 =	simm.s32 $0x14200  }
0x325: {  	[tilespmem:s25], [sflag:$0x2] =	stream.indirect_vreg.gather [hbm4b:s12+s3], $0x80, v15, vm0, $0xb8;
	[tilespmem:$0x18280] =	vst v63  }
0x326: {  	s25 =	simm.s32 $0x14A00  }
0x327: {  	[tilespmem:s25], [sflag:$0x2] =	stream.indirect_vreg.gather [hbm4b:s13+s3], $0x80, v15, vm0, $0xb8;
	[tilespmem:$0x18280] =	vst v63  }
0x328: {  	s25 =	simm.s32 $0x15200  }
0x329: {  	[tilespmem:s25], [sflag:$0x2] =	stream.indirect_vreg.gather [hbm4b:s14+s3], $0x80, v15, vm0, $0xb8;
	[tilespmem:$0x18280] =	vst v63  }
0x32a: {  	s25 =	simm.s32 $0x15A00  }
0x32b: {  	[tilespmem:s25], [sflag:$0x2] =	stream.indirect_vreg.gather [hbm4b:s15+s3], $0x80, v15, vm0, $0xb8;
	[tilespmem:$0x18280] =	vst v63  }
0x32c: {  	s25 =	simm.s32 $0x16200  }
0x32d: {  	[tilespmem:s25], [sflag:$0x2] =	stream.indirect_vreg.gather [hbm4b:s16+s3], $0x80, v15, vm0, $0xb8;
	[tilespmem:$0x18280] =	vst v63  }
0x32e: {  	s25 =	simm.s32 $0x16A00  }
0x32f: {  	[tilespmem:s25], [sflag:$0x2] =	stream.indirect_vreg.gather [hbm4b:s17+s3], $0x80, v15, vm0, $0xb8;
	[tilespmem:$0x18280] =	vst v63  }
0x330: {  	s25 =	simm.s32 $0x17200  }
0x331: {  	[tilespmem:s25], [sflag:$0x2] =	stream.indirect_vreg.gather [hbm4b:s18+s3], $0x80, v15, vm0, $0xb8;
	[tilespmem:$0x18280] =	vst v63  }
0x332: {  	s25 =	simm.s32 $0x17A00  }
0x333: {  	[tilespmem:s25], [sflag:$0x2] =	stream.indirect_vreg.gather [hbm4b:s19+s3], $0x80, v15, vm0, $0xb8;
	[tilespmem:$0x18280] =	vst v63  }
0x334: {  	v15 =	vld [tilespmem:$0x178];
	_ =	sdelay $0x4  }
0x335: {  	v42 =	vshll.u32 v15, $0x3  }
0x336: {  	v15 =	vand.u32 $0x7F, v15;
	v16 =	vand.u32 $0xFFFFFC00, v42  }
0x337: {  	v15 =	vor.u32 v15, v16  }
0x338: {  	v15 =	vadd.s32 v3, v15;
	_ =	sdelay $0x3  }
0x339: {  	s25 =	rddreg [dreg:$0xf]  }
0x33a: {  	v15 =	vld.idx.msk [tilespmem:v15+s24+$0x0], $0xffff;
	[hbm4b:s25+s3] =	stream.linear.scatter [tilespmem:s24], [sflag:$0x3], $0x10000, $0x38  }
0x33b: {  	_ =	swait.ge [sflag:s22], $0x8000  }
0x33c: {  	[sflag:s22] =	ssyncset.done $0x0  }
0x33d: {  	[sflag:s22] =	ssyncadd.s32 $0xFFFF8000  }
0x33e: {  	_ =	swait.ge [sflag:s4], $0x10000  }
0x33f: {  	[sflag:s4] =	ssyncset.done $0x0  }
0x340: {  	[sflag:s4] =	ssyncadd.s32 $0xFFFF0000  }
0x341: {  	v43 =	vld [tilespmem:$0x90];
	_ =	sdelay $0x4  }
0x342: {  	v17 =	vshll.u32 v43, $0x5  }
0x343: {  	v16 =	vand.u32 $0x7, v43;
	v17 =	vand.u32 $0xFFFFFF00, v17  }
0x344: {  	v16 =	vor.u32 v16, v17  }
0x345: {  	v17 =	vperm.xlane v16, v0;
	_ =	sdelay $0x1  }
0x346: {  	v17 =	vadd.s32 v1, v17;
	_ =	sdelay $0x4  }
0x347: {  	[tilespmem:s24], [sflag:$0x1] =	stream.indirect_vreg.gather [hbm4b:s2+s3], $0x80, v17, vm0, $0xb8;
	[tilespmem:$0x18280] =	vst v63  }
0x348: {  	s25 =	simm.s32 $0xA00  }
0x349: {  	[tilespmem:s25], [sflag:$0x1] =	stream.indirect_vreg.gather [hbm4b:s5+s3], $0x80, v17, vm0, $0xb8;
	[tilespmem:$0x18280] =	vst v63  }
0x34a: {  	s25 =	simm.s32 $0x1200  }
0x34b: {  	[tilespmem:s25], [sflag:$0x1] =	stream.indirect_vreg.gather [hbm4b:s6+s3], $0x80, v17, vm0, $0xb8;
	[tilespmem:$0x18280] =	vst v63  }
0x34c: {  	s25 =	simm.s32 $0x1A00  }
0x34d: {  	[tilespmem:s25], [sflag:$0x1] =	stream.indirect_vreg.gather [hbm4b:s7+s3], $0x80, v17, vm0, $0xb8;
	[tilespmem:$0x18280] =	vst v63  }
0x34e: {  	s25 =	simm.s32 $0x2200  }
0x34f: {  	[tilespmem:s25], [sflag:$0x1] =	stream.indirect_vreg.gather [hbm4b:s8+s3], $0x80, v17, vm0, $0xb8;
	[tilespmem:$0x18280] =	vst v63  }
0x350: {  	s25 =	simm.s32 $0x2A00  }
0x351: {  	[tilespmem:s25], [sflag:$0x1] =	stream.indirect_vreg.gather [hbm4b:s9+s3], $0x80, v17, vm0, $0xb8;
	[tilespmem:$0x18280] =	vst v63  }
0x352: {  	s25 =	simm.s32 $0x3200  }
0x353: {  	[tilespmem:s25], [sflag:$0x1] =	stream.indirect_vreg.gather [hbm4b:s10+s3], $0x80, v17, vm0, $0xb8;
	[tilespmem:$0x18280] =	vst v63  }
0x354: {  	s25 =	simm.s32 $0x3A00  }
0x355: {  	[tilespmem:s25], [sflag:$0x1] =	stream.indirect_vreg.gather [hbm4b:s11+s3], $0x80, v17, vm0, $0xb8;
	[tilespmem:$0x18280] =	vst v63  }
0x356: {  	s25 =	simm.s32 $0x4200  }
0x357: {  	[tilespmem:s25], [sflag:$0x1] =	stream.indirect_vreg.gather [hbm4b:s12+s3], $0x80, v17, vm0, $0xb8;
	[tilespmem:$0x18280] =	vst v63  }
0x358: {  	s25 =	simm.s32 $0x4A00  }
0x359: {  	[tilespmem:s25], [sflag:$0x1] =	stream.indirect_vreg.gather [hbm4b:s13+s3], $0x80, v17, vm0, $0xb8;
	[tilespmem:$0x18280] =	vst v63  }
0x35a: {  	s25 =	simm.s32 $0x5200  }
0x35b: {  	[tilespmem:s25], [sflag:$0x1] =	stream.indirect_vreg.gather [hbm4b:s14+s3], $0x80, v17, vm0, $0xb8;
	[tilespmem:$0x18280] =	vst v63  }
0x35c: {  	s25 =	simm.s32 $0x5A00  }
0x35d: {  	[tilespmem:s25], [sflag:$0x1] =	stream.indirect_vreg.gather [hbm4b:s15+s3], $0x80, v17, vm0, $0xb8;
	[tilespmem:$0x18280] =	vst v63  }
0x35e: {  	s25 =	simm.s32 $0x6200  }
0x35f: {  	[tilespmem:s25], [sflag:$0x1] =	stream.indirect_vreg.gather [hbm4b:s16+s3], $0x80, v17, vm0, $0xb8;
	[tilespmem:$0x18280] =	vst v63  }
0x360: {  	v16 =	vperm.xlane v16, v2;
	s25 =	simm.s32 $0x6A00  }
0x361: {  	[tilespmem:s25], [sflag:$0x1] =	stream.indirect_vreg.gather [hbm4b:s17+s3], $0x80, v17, vm0, $0xb8;
	[tilespmem:$0x18280] =	vst v63  }
0x362: {  	v16 =	vadd.s32 v1, v16;
	s25 =	simm.s32 $0x7200  }
0x363: {  	[tilespmem:s25], [sflag:$0x1] =	stream.indirect_vreg.gather [hbm4b:s18+s3], $0x80, v17, vm0, $0xb8;
	[tilespmem:$0x18280] =	vst v63  }
0x364: {  	s25 =	simm.s32 $0x7A00  }
0x365: {  	[tilespmem:s25], [sflag:$0x1] =	stream.indirect_vreg.gather [hbm4b:s19+s3], $0x80, v17, vm0, $0xb8;
	[tilespmem:$0x18280] =	vst v63  }
0x366: {  	s25 =	simm.s32 $0x8200  }
0x367: {  	[tilespmem:s25], [sflag:$0x1] =	stream.indirect_vreg.gather [hbm4b:s2+s3], $0x80, v16, vm0, $0xb8;
	[tilespmem:$0x18280] =	vst v63  }
0x368: {  	s1 =	simm.s32 $0x8A00  }
0x369: {  	[tilespmem:s1], [sflag:$0x1] =	stream.indirect_vreg.gather [hbm4b:s5+s3], $0x80, v16, vm0, $0xb8;
	[tilespmem:$0x18280] =	vst v63  }
0x36a: {  	s20 =	simm.s32 $0x9200  }
0x36b: {  	[tilespmem:s20], [sflag:$0x1] =	stream.indirect_vreg.gather [hbm4b:s6+s3], $0x80, v16, vm0, $0xb8;
	[tilespmem:$0x18280] =	vst v63  }
0x36c: {  	s26 =	simm.s32 $0x9A00  }
0x36d: {  	[tilespmem:s26], [sflag:$0x1] =	stream.indirect_vreg.gather [hbm4b:s7+s3], $0x80, v16, vm0, $0xb8;
	[tilespmem:$0x18280] =	vst v63  }
0x36e: {  	s28 =	simm.s32 $0xA200  }
0x36f: {  	[tilespmem:s28], [sflag:$0x1] =	stream.indirect_vreg.gather [hbm4b:s8+s3], $0x80, v16, vm0, $0xb8;
	[tilespmem:$0x18280] =	vst v63  }
0x370: {  	s29 =	simm.s32 $0xAA00  }
0x371: {  	[tilespmem:s29], [sflag:$0x1] =	stream.indirect_vreg.gather [hbm4b:s9+s3], $0x80, v16, vm0, $0xb8;
	[tilespmem:$0x18280] =	vst v63  }
0x372: {  	s30 =	simm.s32 $0xB200  }
0x373: {  	[tilespmem:s30], [sflag:$0x1] =	stream.indirect_vreg.gather [hbm4b:s10+s3], $0x80, v16, vm0, $0xb8;
	[tilespmem:$0x18280] =	vst v63  }
0x374: {  	s31 =	simm.s32 $0xBA00  }
0x375: {  	[tilespmem:s31], [sflag:$0x1] =	stream.indirect_vreg.gather [hbm4b:s11+s3], $0x80, v16, vm0, $0xb8;
	[tilespmem:$0x18280] =	vst v63  }
0x376: {  	s25 =	simm.s32 $0xC200  }
0x377: {  	[tilespmem:s25], [sflag:$0x1] =	stream.indirect_vreg.gather [hbm4b:s12+s3], $0x80, v16, vm0, $0xb8;
	[tilespmem:$0x18280] =	vst v63  }
0x378: {  	s25 =	simm.s32 $0xCA00  }
0x379: {  	[tilespmem:s25], [sflag:$0x1] =	stream.indirect_vreg.gather [hbm4b:s13+s3], $0x80, v16, vm0, $0xb8;
	[tilespmem:$0x18280] =	vst v63  }
0x37a: {  	s25 =	simm.s32 $0xD200  }
0x37b: {  	[tilespmem:s25], [sflag:$0x1] =	stream.indirect_vreg.gather [hbm4b:s14+s3], $0x80, v16, vm0, $0xb8;
	[tilespmem:$0x18280] =	vst v63  }
0x37c: {  	s25 =	simm.s32 $0xDA00  }
0x37d: {  	[tilespmem:s25], [sflag:$0x1] =	stream.indirect_vreg.gather [hbm4b:s15+s3], $0x80, v16, vm0, $0xb8;
	[tilespmem:$0x18280] =	vst v63  }
0x37e: {  	s25 =	simm.s32 $0xE200  }
0x37f: {  	[tilespmem:s25], [sflag:$0x1] =	stream.indirect_vreg.gather [hbm4b:s16+s3], $0x80, v16, vm0, $0xb8;
	[tilespmem:$0x18280] =	vst v63  }
0x380: {  	s25 =	simm.s32 $0xEA00  }
0x381: {  	[tilespmem:s25], [sflag:$0x1] =	stream.indirect_vreg.gather [hbm4b:s17+s3], $0x80, v16, vm0, $0xb8;
	[tilespmem:$0x18280] =	vst v63  }
0x382: {  	s25 =	simm.s32 $0xF200  }
0x383: {  	[tilespmem:s25], [sflag:$0x1] =	stream.indirect_vreg.gather [hbm4b:s18+s3], $0x80, v16, vm0, $0xb8;
	[tilespmem:$0x18280] =	vst v63  }
0x384: {  	s25 =	simm.s32 $0xFA00  }
0x385: {  	[tilespmem:s25], [sflag:$0x1] =	stream.indirect_vreg.gather [hbm4b:s19+s3], $0x80, v16, vm0, $0xb8;
	[tilespmem:$0x18280] =	vst v63  }
0x386: {  	v16 =	vld [tilespmem:$0x188];
	_ =	sdelay $0x4  }
0x387: {  	v16 =	vnsel vm1, $0x0, v16  }
0x388: {  	v44 =	vshll.u32 v16, $0x3  }
0x389: {  	v16 =	vand.u32 $0x7F, v16;
	v17 =	vand.u32 $0xFFFFFC00, v44  }
0x38a: {  	v16 =	vor.u32 v17, v16  }
0x38b: {  	v16 =	vor.u32 v4, v16;
	_ =	sdelay $0x3  }
0x38c: {  	s25 =	rddreg [dreg:$0x10]  }
0x38d: {  	v16 =	vld.idx.msk [tilespmem:v16+s21+$0x0], $0xffff;
	[hbm4b:s25+s3] =	stream.linear.scatter [tilespmem:s21], [sflag:$0x4], $0x8000, $0x38  }
0x38e: {  	_ =	swait.ge [sflag:s0], $0x10000  }
0x38f: {  	[sflag:s0] =	ssyncset.done $0x0  }
0x390: {  	[sflag:s0] =	ssyncadd.s32 $0xFFFF0000  }
0x391: {  	_ =	swait.ge [sflag:s23], $0x8000  }
0x392: {  	[sflag:s23] =	ssyncset.done $0x0  }
0x393: {  	[sflag:s23] =	ssyncadd.s32 $0xFFFF8000  }
0x394: {  	v45 =	vld.msk [tilespmem:$0xA0], $0xff;
	_ =	sdelay $0x4  }
0x395: {  	v18 =	vshll.u32 v45, $0x5  }
0x396: {  	v17 =	vand.u32 $0x7, v45;
	v18 =	vand.u32 $0xFFFFFF00, v18  }
0x397: {  	v17 =	vor.u32 v17, v18  }
0x398: {  	v17 =	vperm.xlane v17, v0;
	_ =	sdelay $0x1  }
0x399: {  	v17 =	vadd.s32 v1, v17;
	_ =	sdelay $0x4  }
0x39a: {  	[tilespmem:s21], [sflag:$0x2] =	stream.indirect_vreg.gather [hbm4b:s2+s3], $0x80, v17, vm0, $0xb8;
	[tilespmem:$0x18280] =	vst v63  }
0x39b: {  	s25 =	simm.s32 $0x10A00  }
0x39c: {  	[tilespmem:s25], [sflag:$0x2] =	stream.indirect_vreg.gather [hbm4b:s5+s3], $0x80, v17, vm0, $0xb8;
	[tilespmem:$0x18280] =	vst v63  }
0x39d: {  	s25 =	simm.s32 $0x11200  }
0x39e: {  	[tilespmem:s25], [sflag:$0x2] =	stream.indirect_vreg.gather [hbm4b:s6+s3], $0x80, v17, vm0, $0xb8;
	[tilespmem:$0x18280] =	vst v63  }
0x39f: {  	s25 =	simm.s32 $0x11A00  }
0x3a0: {  	[tilespmem:s25], [sflag:$0x2] =	stream.indirect_vreg.gather [hbm4b:s7+s3], $0x80, v17, vm0, $0xb8;
	[tilespmem:$0x18280] =	vst v63  }
0x3a1: {  	s25 =	simm.s32 $0x12200  }
0x3a2: {  	[tilespmem:s25], [sflag:$0x2] =	stream.indirect_vreg.gather [hbm4b:s8+s3], $0x80, v17, vm0, $0xb8;
	[tilespmem:$0x18280] =	vst v63  }
0x3a3: {  	s25 =	simm.s32 $0x12A00  }
0x3a4: {  	[tilespmem:s25], [sflag:$0x2] =	stream.indirect_vreg.gather [hbm4b:s9+s3], $0x80, v17, vm0, $0xb8;
	[tilespmem:$0x18280] =	vst v63  }
0x3a5: {  	s25 =	simm.s32 $0x13200  }
0x3a6: {  	[tilespmem:s25], [sflag:$0x2] =	stream.indirect_vreg.gather [hbm4b:s10+s3], $0x80, v17, vm0, $0xb8;
	[tilespmem:$0x18280] =	vst v63  }
0x3a7: {  	s25 =	simm.s32 $0x13A00  }
0x3a8: {  	[tilespmem:s25], [sflag:$0x2] =	stream.indirect_vreg.gather [hbm4b:s11+s3], $0x80, v17, vm0, $0xb8;
	[tilespmem:$0x18280] =	vst v63  }
0x3a9: {  	s25 =	simm.s32 $0x14200  }
0x3aa: {  	[tilespmem:s25], [sflag:$0x2] =	stream.indirect_vreg.gather [hbm4b:s12+s3], $0x80, v17, vm0, $0xb8;
	[tilespmem:$0x18280] =	vst v63  }
0x3ab: {  	s25 =	simm.s32 $0x14A00  }
0x3ac: {  	[tilespmem:s25], [sflag:$0x2] =	stream.indirect_vreg.gather [hbm4b:s13+s3], $0x80, v17, vm0, $0xb8;
	[tilespmem:$0x18280] =	vst v63  }
0x3ad: {  	s25 =	simm.s32 $0x15200  }
0x3ae: {  	[tilespmem:s25], [sflag:$0x2] =	stream.indirect_vreg.gather [hbm4b:s14+s3], $0x80, v17, vm0, $0xb8;
	[tilespmem:$0x18280] =	vst v63  }
0x3af: {  	s25 =	simm.s32 $0x15A00  }
0x3b0: {  	[tilespmem:s25], [sflag:$0x2] =	stream.indirect_vreg.gather [hbm4b:s15+s3], $0x80, v17, vm0, $0xb8;
	[tilespmem:$0x18280] =	vst v63  }
0x3b1: {  	s25 =	simm.s32 $0x16200  }
0x3b2: {  	[tilespmem:s25], [sflag:$0x2] =	stream.indirect_vreg.gather [hbm4b:s16+s3], $0x80, v17, vm0, $0xb8;
	[tilespmem:$0x18280] =	vst v63  }
0x3b3: {  	s25 =	simm.s32 $0x16A00  }
0x3b4: {  	[tilespmem:s25], [sflag:$0x2] =	stream.indirect_vreg.gather [hbm4b:s17+s3], $0x80, v17, vm0, $0xb8;
	[tilespmem:$0x18280] =	vst v63  }
0x3b5: {  	s25 =	simm.s32 $0x17200  }
0x3b6: {  	[tilespmem:s25], [sflag:$0x2] =	stream.indirect_vreg.gather [hbm4b:s18+s3], $0x80, v17, vm0, $0xb8;
	[tilespmem:$0x18280] =	vst v63  }
0x3b7: {  	s25 =	simm.s32 $0x17A00  }
0x3b8: {  	[tilespmem:s25], [sflag:$0x2] =	stream.indirect_vreg.gather [hbm4b:s19+s3], $0x80, v17, vm0, $0xb8;
	[tilespmem:$0x18280] =	vst v63  }
0x3b9: {  	v17 =	vld [tilespmem:$0x190];
	_ =	sdelay $0x4  }
0x3ba: {  	v46 =	vshll.u32 v17, $0x3  }
0x3bb: {  	v17 =	vand.u32 $0x7F, v17;
	v18 =	vand.u32 $0xFFFFFC00, v46  }
0x3bc: {  	v17 =	vor.u32 v17, v18  }
0x3bd: {  	v17 =	vadd.s32 v3, v17;
	_ =	sdelay $0x3  }
0x3be: {  	s25 =	rddreg [dreg:$0x11]  }
0x3bf: {  	v17 =	vld.idx.msk [tilespmem:v17+s24+$0x0], $0xffff;
	[hbm4b:s25+s3] =	stream.linear.scatter [tilespmem:s24], [sflag:$0x3], $0x10000, $0x38  }
0x3c0: {  	_ =	swait.ge [sflag:s22], $0x8000  }
0x3c1: {  	[sflag:s22] =	ssyncset.done $0x0  }
0x3c2: {  	[sflag:s22] =	ssyncadd.s32 $0xFFFF8000  }
0x3c3: {  	_ =	swait.ge [sflag:s4], $0x10000  }
0x3c4: {  	[sflag:s4] =	ssyncset.done $0x0  }
0x3c5: {  	[sflag:s4] =	ssyncadd.s32 $0xFFFF0000  }
0x3c6: {  	v47 =	vld [tilespmem:$0xA8];
	_ =	sdelay $0x4  }
0x3c7: {  	v19 =	vshll.u32 v47, $0x5  }
0x3c8: {  	v18 =	vand.u32 $0x7, v47;
	v19 =	vand.u32 $0xFFFFFF00, v19  }
0x3c9: {  	v18 =	vor.u32 v18, v19  }
0x3ca: {  	v19 =	vperm.xlane v18, v0;
	_ =	sdelay $0x1  }
0x3cb: {  	v19 =	vadd.s32 v1, v19;
	_ =	sdelay $0x4  }
0x3cc: {  	[tilespmem:s24], [sflag:$0x1] =	stream.indirect_vreg.gather [hbm4b:s2+s3], $0x80, v19, vm0, $0xb8;
	[tilespmem:$0x18280] =	vst v63  }
0x3cd: {  	s25 =	simm.s32 $0xA00  }
0x3ce: {  	[tilespmem:s25], [sflag:$0x1] =	stream.indirect_vreg.gather [hbm4b:s5+s3], $0x80, v19, vm0, $0xb8;
	[tilespmem:$0x18280] =	vst v63  }
0x3cf: {  	s25 =	simm.s32 $0x1200  }
0x3d0: {  	[tilespmem:s25], [sflag:$0x1] =	stream.indirect_vreg.gather [hbm4b:s6+s3], $0x80, v19, vm0, $0xb8;
	[tilespmem:$0x18280] =	vst v63  }
0x3d1: {  	s25 =	simm.s32 $0x1A00  }
0x3d2: {  	[tilespmem:s25], [sflag:$0x1] =	stream.indirect_vreg.gather [hbm4b:s7+s3], $0x80, v19, vm0, $0xb8;
	[tilespmem:$0x18280] =	vst v63  }
0x3d3: {  	s25 =	simm.s32 $0x2200  }
0x3d4: {  	[tilespmem:s25], [sflag:$0x1] =	stream.indirect_vreg.gather [hbm4b:s8+s3], $0x80, v19, vm0, $0xb8;
	[tilespmem:$0x18280] =	vst v63  }
0x3d5: {  	s25 =	simm.s32 $0x2A00  }
0x3d6: {  	[tilespmem:s25], [sflag:$0x1] =	stream.indirect_vreg.gather [hbm4b:s9+s3], $0x80, v19, vm0, $0xb8;
	[tilespmem:$0x18280] =	vst v63  }
0x3d7: {  	s25 =	simm.s32 $0x3200  }
0x3d8: {  	[tilespmem:s25], [sflag:$0x1] =	stream.indirect_vreg.gather [hbm4b:s10+s3], $0x80, v19, vm0, $0xb8;
	[tilespmem:$0x18280] =	vst v63  }
0x3d9: {  	s25 =	simm.s32 $0x3A00  }
0x3da: {  	[tilespmem:s25], [sflag:$0x1] =	stream.indirect_vreg.gather [hbm4b:s11+s3], $0x80, v19, vm0, $0xb8;
	[tilespmem:$0x18280] =	vst v63  }
0x3db: {  	s25 =	simm.s32 $0x4200  }
0x3dc: {  	[tilespmem:s25], [sflag:$0x1] =	stream.indirect_vreg.gather [hbm4b:s12+s3], $0x80, v19, vm0, $0xb8;
	[tilespmem:$0x18280] =	vst v63  }
0x3dd: {  	s25 =	simm.s32 $0x4A00  }
0x3de: {  	[tilespmem:s25], [sflag:$0x1] =	stream.indirect_vreg.gather [hbm4b:s13+s3], $0x80, v19, vm0, $0xb8;
	[tilespmem:$0x18280] =	vst v63  }
0x3df: {  	s25 =	simm.s32 $0x5200  }
0x3e0: {  	[tilespmem:s25], [sflag:$0x1] =	stream.indirect_vreg.gather [hbm4b:s14+s3], $0x80, v19, vm0, $0xb8;
	[tilespmem:$0x18280] =	vst v63  }
0x3e1: {  	s25 =	simm.s32 $0x5A00  }
0x3e2: {  	[tilespmem:s25], [sflag:$0x1] =	stream.indirect_vreg.gather [hbm4b:s15+s3], $0x80, v19, vm0, $0xb8;
	[tilespmem:$0x18280] =	vst v63  }
0x3e3: {  	s25 =	simm.s32 $0x6200  }
0x3e4: {  	[tilespmem:s25], [sflag:$0x1] =	stream.indirect_vreg.gather [hbm4b:s16+s3], $0x80, v19, vm0, $0xb8;
	[tilespmem:$0x18280] =	vst v63  }
0x3e5: {  	v18 =	vperm.xlane v18, v2;
	s25 =	simm.s32 $0x6A00  }
0x3e6: {  	[tilespmem:s25], [sflag:$0x1] =	stream.indirect_vreg.gather [hbm4b:s17+s3], $0x80, v19, vm0, $0xb8;
	[tilespmem:$0x18280] =	vst v63  }
0x3e7: {  	v18 =	vadd.s32 v1, v18;
	s25 =	simm.s32 $0x7200  }
0x3e8: {  	[tilespmem:s25], [sflag:$0x1] =	stream.indirect_vreg.gather [hbm4b:s18+s3], $0x80, v19, vm0, $0xb8;
	[tilespmem:$0x18280] =	vst v63  }
0x3e9: {  	s25 =	simm.s32 $0x7A00  }
0x3ea: {  	[tilespmem:s25], [sflag:$0x1] =	stream.indirect_vreg.gather [hbm4b:s19+s3], $0x80, v19, vm0, $0xb8;
	[tilespmem:$0x18280] =	vst v63  }
0x3eb: {  	s25 =	simm.s32 $0x8200  }
0x3ec: {  	[tilespmem:s25], [sflag:$0x1] =	stream.indirect_vreg.gather [hbm4b:s2+s3], $0x80, v18, vm0, $0xb8;
	[tilespmem:$0x18280] =	vst v63  }
0x3ed: {  	s1 =	simm.s32 $0x8A00  }
0x3ee: {  	[tilespmem:s1], [sflag:$0x1] =	stream.indirect_vreg.gather [hbm4b:s5+s3], $0x80, v18, vm0, $0xb8;
	[tilespmem:$0x18280] =	vst v63  }
0x3ef: {  	s20 =	simm.s32 $0x9200  }
0x3f0: {  	[tilespmem:s20], [sflag:$0x1] =	stream.indirect_vreg.gather [hbm4b:s6+s3], $0x80, v18, vm0, $0xb8;
	[tilespmem:$0x18280] =	vst v63  }
0x3f1: {  	s26 =	simm.s32 $0x9A00  }
0x3f2: {  	[tilespmem:s26], [sflag:$0x1] =	stream.indirect_vreg.gather [hbm4b:s7+s3], $0x80, v18, vm0, $0xb8;
	[tilespmem:$0x18280] =	vst v63  }
0x3f3: {  	s28 =	simm.s32 $0xA200  }
0x3f4: {  	[tilespmem:s28], [sflag:$0x1] =	stream.indirect_vreg.gather [hbm4b:s8+s3], $0x80, v18, vm0, $0xb8;
	[tilespmem:$0x18280] =	vst v63  }
0x3f5: {  	s29 =	simm.s32 $0xAA00  }
0x3f6: {  	[tilespmem:s29], [sflag:$0x1] =	stream.indirect_vreg.gather [hbm4b:s9+s3], $0x80, v18, vm0, $0xb8;
	[tilespmem:$0x18280] =	vst v63  }
0x3f7: {  	s30 =	simm.s32 $0xB200  }
0x3f8: {  	[tilespmem:s30], [sflag:$0x1] =	stream.indirect_vreg.gather [hbm4b:s10+s3], $0x80, v18, vm0, $0xb8;
	[tilespmem:$0x18280] =	vst v63  }
0x3f9: {  	s31 =	simm.s32 $0xBA00  }
0x3fa: {  	[tilespmem:s31], [sflag:$0x1] =	stream.indirect_vreg.gather [hbm4b:s11+s3], $0x80, v18, vm0, $0xb8;
	[tilespmem:$0x18280] =	vst v63  }
0x3fb: {  	s25 =	simm.s32 $0xC200  }
0x3fc: {  	[tilespmem:s25], [sflag:$0x1] =	stream.indirect_vreg.gather [hbm4b:s12+s3], $0x80, v18, vm0, $0xb8;
	[tilespmem:$0x18280] =	vst v63  }
0x3fd: {  	s25 =	simm.s32 $0xCA00  }
0x3fe: {  	[tilespmem:s25], [sflag:$0x1] =	stream.indirect_vreg.gather [hbm4b:s13+s3], $0x80, v18, vm0, $0xb8;
	[tilespmem:$0x18280] =	vst v63  }
0x3ff: {  	s25 =	simm.s32 $0xD200  }
0x400: {  	[tilespmem:s25], [sflag:$0x1] =	stream.indirect_vreg.gather [hbm4b:s14+s3], $0x80, v18, vm0, $0xb8;
	[tilespmem:$0x18280] =	vst v63  }
0x401: {  	s25 =	simm.s32 $0xDA00  }
0x402: {  	[tilespmem:s25], [sflag:$0x1] =	stream.indirect_vreg.gather [hbm4b:s15+s3], $0x80, v18, vm0, $0xb8;
	[tilespmem:$0x18280] =	vst v63  }
0x403: {  	s25 =	simm.s32 $0xE200  }
0x404: {  	[tilespmem:s25], [sflag:$0x1] =	stream.indirect_vreg.gather [hbm4b:s16+s3], $0x80, v18, vm0, $0xb8;
	[tilespmem:$0x18280] =	vst v63  }
0x405: {  	s25 =	simm.s32 $0xEA00  }
0x406: {  	[tilespmem:s25], [sflag:$0x1] =	stream.indirect_vreg.gather [hbm4b:s17+s3], $0x80, v18, vm0, $0xb8;
	[tilespmem:$0x18280] =	vst v63  }
0x407: {  	s25 =	simm.s32 $0xF200  }
0x408: {  	[tilespmem:s25], [sflag:$0x1] =	stream.indirect_vreg.gather [hbm4b:s18+s3], $0x80, v18, vm0, $0xb8;
	[tilespmem:$0x18280] =	vst v63  }
0x409: {  	s25 =	simm.s32 $0xFA00  }
0x40a: {  	[tilespmem:s25], [sflag:$0x1] =	stream.indirect_vreg.gather [hbm4b:s19+s3], $0x80, v18, vm0, $0xb8;
	[tilespmem:$0x18280] =	vst v63  }
0x40b: {  	v18 =	vld [tilespmem:$0x1A0];
	_ =	sdelay $0x4  }
0x40c: {  	v18 =	vnsel vm1, $0x0, v18  }
0x40d: {  	v48 =	vshll.u32 v18, $0x3  }
0x40e: {  	v18 =	vand.u32 $0x7F, v18;
	v19 =	vand.u32 $0xFFFFFC00, v48  }
0x40f: {  	v18 =	vor.u32 v19, v18  }
0x410: {  	v18 =	vor.u32 v4, v18;
	_ =	sdelay $0x3  }
0x411: {  	s25 =	rddreg [dreg:$0x12]  }
0x412: {  	v18 =	vld.idx.msk [tilespmem:v18+s21+$0x0], $0xffff;
	[hbm4b:s25+s3] =	stream.linear.scatter [tilespmem:s21], [sflag:$0x4], $0x8000, $0x38  }
0x413: {  	_ =	swait.ge [sflag:s0], $0x10000  }
0x414: {  	[sflag:s0] =	ssyncset.done $0x0  }
0x415: {  	[sflag:s0] =	ssyncadd.s32 $0xFFFF0000  }
0x416: {  	_ =	swait.ge [sflag:s23], $0x8000  }
0x417: {  	[sflag:s23] =	ssyncset.done $0x0  }
0x418: {  	[sflag:s23] =	ssyncadd.s32 $0xFFFF8000  }
0x419: {  	v49 =	vld.msk [tilespmem:$0xB8], $0xff;
	_ =	sdelay $0x4  }
0x41a: {  	v20 =	vshll.u32 v49, $0x5  }
0x41b: {  	v19 =	vand.u32 $0x7, v49;
	v20 =	vand.u32 $0xFFFFFF00, v20  }
0x41c: {  	v19 =	vor.u32 v19, v20  }
0x41d: {  	v19 =	vperm.xlane v19, v0;
	_ =	sdelay $0x1  }
0x41e: {  	v19 =	vadd.s32 v1, v19;
	_ =	sdelay $0x4  }
0x41f: {  	[tilespmem:s21], [sflag:$0x2] =	stream.indirect_vreg.gather [hbm4b:s2+s3], $0x80, v19, vm0, $0xb8;
	[tilespmem:$0x18280] =	vst v63  }
0x420: {  	s25 =	simm.s32 $0x10A00  }
0x421: {  	[tilespmem:s25], [sflag:$0x2] =	stream.indirect_vreg.gather [hbm4b:s5+s3], $0x80, v19, vm0, $0xb8;
	[tilespmem:$0x18280] =	vst v63  }
0x422: {  	s25 =	simm.s32 $0x11200  }
0x423: {  	[tilespmem:s25], [sflag:$0x2] =	stream.indirect_vreg.gather [hbm4b:s6+s3], $0x80, v19, vm0, $0xb8;
	[tilespmem:$0x18280] =	vst v63  }
0x424: {  	s25 =	simm.s32 $0x11A00  }
0x425: {  	[tilespmem:s25], [sflag:$0x2] =	stream.indirect_vreg.gather [hbm4b:s7+s3], $0x80, v19, vm0, $0xb8;
	[tilespmem:$0x18280] =	vst v63  }
0x426: {  	s25 =	simm.s32 $0x12200  }
0x427: {  	[tilespmem:s25], [sflag:$0x2] =	stream.indirect_vreg.gather [hbm4b:s8+s3], $0x80, v19, vm0, $0xb8;
	[tilespmem:$0x18280] =	vst v63  }
0x428: {  	s25 =	simm.s32 $0x12A00  }
0x429: {  	[tilespmem:s25], [sflag:$0x2] =	stream.indirect_vreg.gather [hbm4b:s9+s3], $0x80, v19, vm0, $0xb8;
	[tilespmem:$0x18280] =	vst v63  }
0x42a: {  	s25 =	simm.s32 $0x13200  }
0x42b: {  	[tilespmem:s25], [sflag:$0x2] =	stream.indirect_vreg.gather [hbm4b:s10+s3], $0x80, v19, vm0, $0xb8;
	[tilespmem:$0x18280] =	vst v63  }
0x42c: {  	s25 =	simm.s32 $0x13A00  }
0x42d: {  	[tilespmem:s25], [sflag:$0x2] =	stream.indirect_vreg.gather [hbm4b:s11+s3], $0x80, v19, vm0, $0xb8;
	[tilespmem:$0x18280] =	vst v63  }
0x42e: {  	s25 =	simm.s32 $0x14200  }
0x42f: {  	[tilespmem:s25], [sflag:$0x2] =	stream.indirect_vreg.gather [hbm4b:s12+s3], $0x80, v19, vm0, $0xb8;
	[tilespmem:$0x18280] =	vst v63  }
0x430: {  	s25 =	simm.s32 $0x14A00  }
0x431: {  	[tilespmem:s25], [sflag:$0x2] =	stream.indirect_vreg.gather [hbm4b:s13+s3], $0x80, v19, vm0, $0xb8;
	[tilespmem:$0x18280] =	vst v63  }
0x432: {  	s25 =	simm.s32 $0x15200  }
0x433: {  	[tilespmem:s25], [sflag:$0x2] =	stream.indirect_vreg.gather [hbm4b:s14+s3], $0x80, v19, vm0, $0xb8;
	[tilespmem:$0x18280] =	vst v63  }
0x434: {  	s25 =	simm.s32 $0x15A00  }
0x435: {  	[tilespmem:s25], [sflag:$0x2] =	stream.indirect_vreg.gather [hbm4b:s15+s3], $0x80, v19, vm0, $0xb8;
	[tilespmem:$0x18280] =	vst v63  }
0x436: {  	s25 =	simm.s32 $0x16200  }
0x437: {  	[tilespmem:s25], [sflag:$0x2] =	stream.indirect_vreg.gather [hbm4b:s16+s3], $0x80, v19, vm0, $0xb8;
	[tilespmem:$0x18280] =	vst v63  }
0x438: {  	s25 =	simm.s32 $0x16A00  }
0x439: {  	[tilespmem:s25], [sflag:$0x2] =	stream.indirect_vreg.gather [hbm4b:s17+s3], $0x80, v19, vm0, $0xb8;
	[tilespmem:$0x18280] =	vst v63  }
0x43a: {  	s25 =	simm.s32 $0x17200  }
0x43b: {  	[tilespmem:s25], [sflag:$0x2] =	stream.indirect_vreg.gather [hbm4b:s18+s3], $0x80, v19, vm0, $0xb8;
	[tilespmem:$0x18280] =	vst v63  }
0x43c: {  	s25 =	simm.s32 $0x17A00  }
0x43d: {  	[tilespmem:s25], [sflag:$0x2] =	stream.indirect_vreg.gather [hbm4b:s19+s3], $0x80, v19, vm0, $0xb8;
	[tilespmem:$0x18280] =	vst v63  }
0x43e: {  	v19 =	vld [tilespmem:$0x1A8];
	_ =	sdelay $0x4  }
0x43f: {  	v50 =	vshll.u32 v19, $0x3  }
0x440: {  	v19 =	vand.u32 $0x7F, v19;
	v20 =	vand.u32 $0xFFFFFC00, v50  }
0x441: {  	v19 =	vor.u32 v19, v20  }
0x442: {  	v19 =	vadd.s32 v3, v19;
	_ =	sdelay $0x3  }
0x443: {  	s25 =	rddreg [dreg:$0x13]  }
0x444: {  	v19 =	vld.idx.msk [tilespmem:v19+s24+$0x0], $0xffff;
	[hbm4b:s25+s3] =	stream.linear.scatter [tilespmem:s24], [sflag:$0x3], $0x10000, $0x38  }
0x445: {  	_ =	swait.ge [sflag:s22], $0x8000  }
0x446: {  	[sflag:s22] =	ssyncset.done $0x0  }
0x447: {  	[sflag:s22] =	ssyncadd.s32 $0xFFFF8000  }
0x448: {  	_ =	swait.ge [sflag:s4], $0x10000  }
0x449: {  	[sflag:s4] =	ssyncset.done $0x0  }
0x44a: {  	[sflag:s4] =	ssyncadd.s32 $0xFFFF0000  }
0x44b: {  	v51 =	vld [tilespmem:$0xC0];
	_ =	sdelay $0x4  }
0x44c: {  	v21 =	vshll.u32 v51, $0x5  }
0x44d: {  	v20 =	vand.u32 $0x7, v51;
	v21 =	vand.u32 $0xFFFFFF00, v21  }
0x44e: {  	v20 =	vor.u32 v20, v21  }
0x44f: {  	v21 =	vperm.xlane v20, v0;
	_ =	sdelay $0x1  }
0x450: {  	v21 =	vadd.s32 v1, v21;
	_ =	sdelay $0x4  }
0x451: {  	[tilespmem:s24], [sflag:$0x1] =	stream.indirect_vreg.gather [hbm4b:s2+s3], $0x80, v21, vm0, $0xb8;
	[tilespmem:$0x18280] =	vst v63  }
0x452: {  	s25 =	simm.s32 $0xA00  }
0x453: {  	[tilespmem:s25], [sflag:$0x1] =	stream.indirect_vreg.gather [hbm4b:s5+s3], $0x80, v21, vm0, $0xb8;
	[tilespmem:$0x18280] =	vst v63  }
0x454: {  	s25 =	simm.s32 $0x1200  }
0x455: {  	[tilespmem:s25], [sflag:$0x1] =	stream.indirect_vreg.gather [hbm4b:s6+s3], $0x80, v21, vm0, $0xb8;
	[tilespmem:$0x18280] =	vst v63  }
0x456: {  	s25 =	simm.s32 $0x1A00  }
0x457: {  	[tilespmem:s25], [sflag:$0x1] =	stream.indirect_vreg.gather [hbm4b:s7+s3], $0x80, v21, vm0, $0xb8;
	[tilespmem:$0x18280] =	vst v63  }
0x458: {  	s25 =	simm.s32 $0x2200  }
0x459: {  	[tilespmem:s25], [sflag:$0x1] =	stream.indirect_vreg.gather [hbm4b:s8+s3], $0x80, v21, vm0, $0xb8;
	[tilespmem:$0x18280] =	vst v63  }
0x45a: {  	s25 =	simm.s32 $0x2A00  }
0x45b: {  	[tilespmem:s25], [sflag:$0x1] =	stream.indirect_vreg.gather [hbm4b:s9+s3], $0x80, v21, vm0, $0xb8;
	[tilespmem:$0x18280] =	vst v63  }
0x45c: {  	s25 =	simm.s32 $0x3200  }
0x45d: {  	[tilespmem:s25], [sflag:$0x1] =	stream.indirect_vreg.gather [hbm4b:s10+s3], $0x80, v21, vm0, $0xb8;
	[tilespmem:$0x18280] =	vst v63  }
0x45e: {  	s25 =	simm.s32 $0x3A00  }
0x45f: {  	[tilespmem:s25], [sflag:$0x1] =	stream.indirect_vreg.gather [hbm4b:s11+s3], $0x80, v21, vm0, $0xb8;
	[tilespmem:$0x18280] =	vst v63  }
0x460: {  	s25 =	simm.s32 $0x4200  }
0x461: {  	[tilespmem:s25], [sflag:$0x1] =	stream.indirect_vreg.gather [hbm4b:s12+s3], $0x80, v21, vm0, $0xb8;
	[tilespmem:$0x18280] =	vst v63  }
0x462: {  	s25 =	simm.s32 $0x4A00  }
0x463: {  	[tilespmem:s25], [sflag:$0x1] =	stream.indirect_vreg.gather [hbm4b:s13+s3], $0x80, v21, vm0, $0xb8;
	[tilespmem:$0x18280] =	vst v63  }
0x464: {  	s25 =	simm.s32 $0x5200  }
0x465: {  	[tilespmem:s25], [sflag:$0x1] =	stream.indirect_vreg.gather [hbm4b:s14+s3], $0x80, v21, vm0, $0xb8;
	[tilespmem:$0x18280] =	vst v63  }
0x466: {  	s25 =	simm.s32 $0x5A00  }
0x467: {  	[tilespmem:s25], [sflag:$0x1] =	stream.indirect_vreg.gather [hbm4b:s15+s3], $0x80, v21, vm0, $0xb8;
	[tilespmem:$0x18280] =	vst v63  }
0x468: {  	s25 =	simm.s32 $0x6200  }
0x469: {  	[tilespmem:s25], [sflag:$0x1] =	stream.indirect_vreg.gather [hbm4b:s16+s3], $0x80, v21, vm0, $0xb8;
	[tilespmem:$0x18280] =	vst v63  }
0x46a: {  	v20 =	vperm.xlane v20, v2;
	s25 =	simm.s32 $0x6A00  }
0x46b: {  	[tilespmem:s25], [sflag:$0x1] =	stream.indirect_vreg.gather [hbm4b:s17+s3], $0x80, v21, vm0, $0xb8;
	[tilespmem:$0x18280] =	vst v63  }
0x46c: {  	v20 =	vadd.s32 v1, v20;
	s25 =	simm.s32 $0x7200  }
0x46d: {  	[tilespmem:s25], [sflag:$0x1] =	stream.indirect_vreg.gather [hbm4b:s18+s3], $0x80, v21, vm0, $0xb8;
	[tilespmem:$0x18280] =	vst v63  }
0x46e: {  	s25 =	simm.s32 $0x7A00  }
0x46f: {  	[tilespmem:s25], [sflag:$0x1] =	stream.indirect_vreg.gather [hbm4b:s19+s3], $0x80, v21, vm0, $0xb8;
	[tilespmem:$0x18280] =	vst v63  }
0x470: {  	s25 =	simm.s32 $0x8200  }
0x471: {  	[tilespmem:s25], [sflag:$0x1] =	stream.indirect_vreg.gather [hbm4b:s2+s3], $0x80, v20, vm0, $0xb8;
	[tilespmem:$0x18280] =	vst v63  }
0x472: {  	s1 =	simm.s32 $0x8A00  }
0x473: {  	[tilespmem:s1], [sflag:$0x1] =	stream.indirect_vreg.gather [hbm4b:s5+s3], $0x80, v20, vm0, $0xb8;
	[tilespmem:$0x18280] =	vst v63  }
0x474: {  	s20 =	simm.s32 $0x9200  }
0x475: {  	[tilespmem:s20], [sflag:$0x1] =	stream.indirect_vreg.gather [hbm4b:s6+s3], $0x80, v20, vm0, $0xb8;
	[tilespmem:$0x18280] =	vst v63  }
0x476: {  	s26 =	simm.s32 $0x9A00  }
0x477: {  	[tilespmem:s26], [sflag:$0x1] =	stream.indirect_vreg.gather [hbm4b:s7+s3], $0x80, v20, vm0, $0xb8;
	[tilespmem:$0x18280] =	vst v63  }
0x478: {  	s28 =	simm.s32 $0xA200  }
0x479: {  	[tilespmem:s28], [sflag:$0x1] =	stream.indirect_vreg.gather [hbm4b:s8+s3], $0x80, v20, vm0, $0xb8;
	[tilespmem:$0x18280] =	vst v63  }
0x47a: {  	s29 =	simm.s32 $0xAA00  }
0x47b: {  	[tilespmem:s29], [sflag:$0x1] =	stream.indirect_vreg.gather [hbm4b:s9+s3], $0x80, v20, vm0, $0xb8;
	[tilespmem:$0x18280] =	vst v63  }
0x47c: {  	s30 =	simm.s32 $0xB200  }
0x47d: {  	[tilespmem:s30], [sflag:$0x1] =	stream.indirect_vreg.gather [hbm4b:s10+s3], $0x80, v20, vm0, $0xb8;
	[tilespmem:$0x18280] =	vst v63  }
0x47e: {  	s31 =	simm.s32 $0xBA00  }
0x47f: {  	[tilespmem:s31], [sflag:$0x1] =	stream.indirect_vreg.gather [hbm4b:s11+s3], $0x80, v20, vm0, $0xb8;
	[tilespmem:$0x18280] =	vst v63  }
0x480: {  	s31 =	simm.s32 $0xC200  }
0x481: {  	[tilespmem:s31], [sflag:$0x1] =	stream.indirect_vreg.gather [hbm4b:s12+s3], $0x80, v20, vm0, $0xb8;
	[tilespmem:$0x18280] =	vst v63  }
0x482: {  	s20 =	simm.s32 $0xCA00  }
0x483: {  	[tilespmem:s20], [sflag:$0x1] =	stream.indirect_vreg.gather [hbm4b:s13+s3], $0x80, v20, vm0, $0xb8;
	[tilespmem:$0x18280] =	vst v63  }
0x484: {  	s25 =	simm.s32 $0xD200  }
0x485: {  	[tilespmem:s25], [sflag:$0x1] =	stream.indirect_vreg.gather [hbm4b:s14+s3], $0x80, v20, vm0, $0xb8;
	[tilespmem:$0x18280] =	vst v63  }
0x486: {  	s26 =	simm.s32 $0xDA00  }
0x487: {  	[tilespmem:s26], [sflag:$0x1] =	stream.indirect_vreg.gather [hbm4b:s15+s3], $0x80, v20, vm0, $0xb8;
	[tilespmem:$0x18280] =	vst v63  }
0x488: {  	s28 =	simm.s32 $0xE200  }
0x489: {  	[tilespmem:s28], [sflag:$0x1] =	stream.indirect_vreg.gather [hbm4b:s16+s3], $0x80, v20, vm0, $0xb8;
	[tilespmem:$0x18280] =	vst v63  }
0x48a: {  	s29 =	simm.s32 $0xEA00  }
0x48b: {  	[tilespmem:s29], [sflag:$0x1] =	stream.indirect_vreg.gather [hbm4b:s17+s3], $0x80, v20, vm0, $0xb8;
	[tilespmem:$0x18280] =	vst v63  }
0x48c: {  	s30 =	simm.s32 $0xF200  }
0x48d: {  	[tilespmem:s30], [sflag:$0x1] =	stream.indirect_vreg.gather [hbm4b:s18+s3], $0x80, v20, vm0, $0xb8;
	[tilespmem:$0x18280] =	vst v63  }
0x48e: {  	s31 =	simm.s32 $0xFA00  }
0x48f: {  	[tilespmem:s31], [sflag:$0x1] =	stream.indirect_vreg.gather [hbm4b:s19+s3], $0x80, v20, vm0, $0xb8;
	[tilespmem:$0x18280] =	vst v63  }
0x490: {  	v20 =	vld [tilespmem:$0x1B8];
	_ =	sdelay $0x4  }
0x491: {  	v20 =	vnsel vm1, $0x0, v20  }
0x492: {  	v52 =	vshll.u32 v20, $0x3  }
0x493: {  	v20 =	vand.u32 $0x7F, v20;
	v21 =	vand.u32 $0xFFFFFC00, v52  }
0x494: {  	v20 =	vor.u32 v21, v20  }
0x495: {  	v20 =	vor.u32 v4, v20;
	_ =	sdelay $0x3  }
0x496: {  	s1 =	rddreg [dreg:$0x14]  }
0x497: {  	v20 =	vld.idx.msk [tilespmem:v20+s21+$0x0], $0xffff;
	[hbm4b:s1+s3] =	stream.linear.scatter [tilespmem:s21], [sflag:$0x4], $0x8000, $0x38  }
0x498: {  	_ =	swait.ge [sflag:s0], $0x10000  }
0x499: {  	[sflag:s0] =	ssyncset.done $0x0  }
0x49a: {  	[sflag:s0] =	ssyncadd.s32 $0xFFFF0000  }
0x49b: {  	_ =	swait.ge [sflag:s23], $0x8000  }
0x49c: {  	[sflag:s23] =	ssyncset.done $0x0  }
0x49d: {  	[sflag:s23] =	ssyncadd.s32 $0xFFFF8000  }
0x49e: {  	v53 =	vld.msk [tilespmem:$0xD0], $0xff;
	_ =	sdelay $0x4  }
0x49f: {  	v22 =	vshll.u32 v53, $0x5  }
0x4a0: {  	v21 =	vand.u32 $0x7, v53;
	v22 =	vand.u32 $0xFFFFFF00, v22  }
0x4a1: {  	v21 =	vor.u32 v21, v22  }
0x4a2: {  	v21 =	vperm.xlane v21, v0;
	_ =	sdelay $0x1  }
0x4a3: {  	v21 =	vadd.s32 v1, v21;
	_ =	sdelay $0x4  }
0x4a4: {  	[tilespmem:s21], [sflag:$0x2] =	stream.indirect_vreg.gather [hbm4b:s2+s3], $0x80, v21, vm0, $0xb8;
	[tilespmem:$0x18280] =	vst v63  }
0x4a5: {  	s20 =	simm.s32 $0x10A00  }
0x4a6: {  	[tilespmem:s20], [sflag:$0x2] =	stream.indirect_vreg.gather [hbm4b:s5+s3], $0x80, v21, vm0, $0xb8;
	[tilespmem:$0x18280] =	vst v63  }
0x4a7: {  	s25 =	simm.s32 $0x11200  }
0x4a8: {  	[tilespmem:s25], [sflag:$0x2] =	stream.indirect_vreg.gather [hbm4b:s6+s3], $0x80, v21, vm0, $0xb8;
	[tilespmem:$0x18280] =	vst v63  }
0x4a9: {  	s26 =	simm.s32 $0x11A00  }
0x4aa: {  	[tilespmem:s26], [sflag:$0x2] =	stream.indirect_vreg.gather [hbm4b:s7+s3], $0x80, v21, vm0, $0xb8;
	[tilespmem:$0x18280] =	vst v63  }
0x4ab: {  	s28 =	simm.s32 $0x12200  }
0x4ac: {  	[tilespmem:s28], [sflag:$0x2] =	stream.indirect_vreg.gather [hbm4b:s8+s3], $0x80, v21, vm0, $0xb8;
	[tilespmem:$0x18280] =	vst v63  }
0x4ad: {  	s29 =	simm.s32 $0x12A00  }
0x4ae: {  	[tilespmem:s29], [sflag:$0x2] =	stream.indirect_vreg.gather [hbm4b:s9+s3], $0x80, v21, vm0, $0xb8;
	[tilespmem:$0x18280] =	vst v63  }
0x4af: {  	s30 =	simm.s32 $0x13200  }
0x4b0: {  	[tilespmem:s30], [sflag:$0x2] =	stream.indirect_vreg.gather [hbm4b:s10+s3], $0x80, v21, vm0, $0xb8;
	[tilespmem:$0x18280] =	vst v63  }
0x4b1: {  	s31 =	simm.s32 $0x13A00  }
0x4b2: {  	[tilespmem:s31], [sflag:$0x2] =	stream.indirect_vreg.gather [hbm4b:s11+s3], $0x80, v21, vm0, $0xb8;
	[tilespmem:$0x18280] =	vst v63  }
0x4b3: {  	s25 =	simm.s32 $0x14200  }
0x4b4: {  	[tilespmem:s25], [sflag:$0x2] =	stream.indirect_vreg.gather [hbm4b:s12+s3], $0x80, v21, vm0, $0xb8;
	[tilespmem:$0x18280] =	vst v63  }
0x4b5: {  	s25 =	simm.s32 $0x14A00  }
0x4b6: {  	[tilespmem:s25], [sflag:$0x2] =	stream.indirect_vreg.gather [hbm4b:s13+s3], $0x80, v21, vm0, $0xb8;
	[tilespmem:$0x18280] =	vst v63  }
0x4b7: {  	s25 =	simm.s32 $0x15200  }
0x4b8: {  	[tilespmem:s25], [sflag:$0x2] =	stream.indirect_vreg.gather [hbm4b:s14+s3], $0x80, v21, vm0, $0xb8;
	[tilespmem:$0x18280] =	vst v63  }
0x4b9: {  	s25 =	simm.s32 $0x15A00  }
0x4ba: {  	[tilespmem:s25], [sflag:$0x2] =	stream.indirect_vreg.gather [hbm4b:s15+s3], $0x80, v21, vm0, $0xb8;
	[tilespmem:$0x18280] =	vst v63  }
0x4bb: {  	s25 =	simm.s32 $0x16200  }
0x4bc: {  	[tilespmem:s25], [sflag:$0x2] =	stream.indirect_vreg.gather [hbm4b:s16+s3], $0x80, v21, vm0, $0xb8;
	[tilespmem:$0x18280] =	vst v63  }
0x4bd: {  	s25 =	simm.s32 $0x16A00  }
0x4be: {  	[tilespmem:s25], [sflag:$0x2] =	stream.indirect_vreg.gather [hbm4b:s17+s3], $0x80, v21, vm0, $0xb8;
	[tilespmem:$0x18280] =	vst v63  }
0x4bf: {  	s25 =	simm.s32 $0x17200  }
0x4c0: {  	[tilespmem:s25], [sflag:$0x2] =	stream.indirect_vreg.gather [hbm4b:s18+s3], $0x80, v21, vm0, $0xb8;
	[tilespmem:$0x18280] =	vst v63  }
0x4c1: {  	s25 =	simm.s32 $0x17A00  }
0x4c2: {  	[tilespmem:s25], [sflag:$0x2] =	stream.indirect_vreg.gather [hbm4b:s19+s3], $0x80, v21, vm0, $0xb8;
	[tilespmem:$0x18280] =	vst v63  }
0x4c3: {  	v21 =	vld [tilespmem:$0x1C0];
	_ =	sdelay $0x4  }
0x4c4: {  	v54 =	vshll.u32 v21, $0x3  }
0x4c5: {  	v21 =	vand.u32 $0x7F, v21;
	v22 =	vand.u32 $0xFFFFFC00, v54  }
0x4c6: {  	v21 =	vor.u32 v21, v22  }
0x4c7: {  	v21 =	vadd.s32 v3, v21;
	_ =	sdelay $0x3  }
0x4c8: {  	s25 =	rddreg [dreg:$0x15]  }
0x4c9: {  	v21 =	vld.idx.msk [tilespmem:v21+s24+$0x0], $0xffff;
	[hbm4b:s25+s3] =	stream.linear.scatter [tilespmem:s24], [sflag:$0x3], $0x10000, $0x38  }
0x4ca: {  	_ =	swait.ge [sflag:s22], $0x8000  }
0x4cb: {  	[sflag:s22] =	ssyncset.done $0x0  }
0x4cc: {  	[sflag:s22] =	ssyncadd.s32 $0xFFFF8000  }
0x4cd: {  	_ =	swait.ge [sflag:s4], $0x10000  }
0x4ce: {  	[sflag:s4] =	ssyncset.done $0x0  }
0x4cf: {  	[sflag:s4] =	ssyncadd.s32 $0xFFFF0000  }
0x4d0: {  	v55 =	vld [tilespmem:$0xD8];
	_ =	sdelay $0x4  }
0x4d1: {  	v23 =	vshll.u32 v55, $0x5  }
0x4d2: {  	v22 =	vand.u32 $0x7, v55;
	v23 =	vand.u32 $0xFFFFFF00, v23  }
0x4d3: {  	v22 =	vor.u32 v22, v23  }
0x4d4: {  	v23 =	vperm.xlane v22, v0;
	_ =	sdelay $0x1  }
0x4d5: {  	v23 =	vadd.s32 v1, v23;
	_ =	sdelay $0x4  }
0x4d6: {  	[tilespmem:s24], [sflag:$0x1] =	stream.indirect_vreg.gather [hbm4b:s2+s3], $0x80, v23, vm0, $0xb8;
	[tilespmem:$0x18280] =	vst v63  }
0x4d7: {  	s25 =	simm.s32 $0xA00  }
0x4d8: {  	[tilespmem:s25], [sflag:$0x1] =	stream.indirect_vreg.gather [hbm4b:s5+s3], $0x80, v23, vm0, $0xb8;
	[tilespmem:$0x18280] =	vst v63  }
0x4d9: {  	s25 =	simm.s32 $0x1200  }
0x4da: {  	[tilespmem:s25], [sflag:$0x1] =	stream.indirect_vreg.gather [hbm4b:s6+s3], $0x80, v23, vm0, $0xb8;
	[tilespmem:$0x18280] =	vst v63  }
0x4db: {  	s25 =	simm.s32 $0x1A00  }
0x4dc: {  	[tilespmem:s25], [sflag:$0x1] =	stream.indirect_vreg.gather [hbm4b:s7+s3], $0x80, v23, vm0, $0xb8;
	[tilespmem:$0x18280] =	vst v63  }
0x4dd: {  	s25 =	simm.s32 $0x2200  }
0x4de: {  	[tilespmem:s25], [sflag:$0x1] =	stream.indirect_vreg.gather [hbm4b:s8+s3], $0x80, v23, vm0, $0xb8;
	[tilespmem:$0x18280] =	vst v63  }
0x4df: {  	s25 =	simm.s32 $0x2A00  }
0x4e0: {  	[tilespmem:s25], [sflag:$0x1] =	stream.indirect_vreg.gather [hbm4b:s9+s3], $0x80, v23, vm0, $0xb8;
	[tilespmem:$0x18280] =	vst v63  }
0x4e1: {  	s25 =	simm.s32 $0x3200  }
0x4e2: {  	[tilespmem:s25], [sflag:$0x1] =	stream.indirect_vreg.gather [hbm4b:s10+s3], $0x80, v23, vm0, $0xb8;
	[tilespmem:$0x18280] =	vst v63  }
0x4e3: {  	s25 =	simm.s32 $0x3A00  }
0x4e4: {  	[tilespmem:s25], [sflag:$0x1] =	stream.indirect_vreg.gather [hbm4b:s11+s3], $0x80, v23, vm0, $0xb8;
	[tilespmem:$0x18280] =	vst v63  }
0x4e5: {  	s25 =	simm.s32 $0x4200  }
0x4e6: {  	[tilespmem:s25], [sflag:$0x1] =	stream.indirect_vreg.gather [hbm4b:s12+s3], $0x80, v23, vm0, $0xb8;
	[tilespmem:$0x18280] =	vst v63  }
0x4e7: {  	s25 =	simm.s32 $0x4A00  }
0x4e8: {  	[tilespmem:s25], [sflag:$0x1] =	stream.indirect_vreg.gather [hbm4b:s13+s3], $0x80, v23, vm0, $0xb8;
	[tilespmem:$0x18280] =	vst v63  }
0x4e9: {  	s25 =	simm.s32 $0x5200  }
0x4ea: {  	[tilespmem:s25], [sflag:$0x1] =	stream.indirect_vreg.gather [hbm4b:s14+s3], $0x80, v23, vm0, $0xb8;
	[tilespmem:$0x18280] =	vst v63  }
0x4eb: {  	s25 =	simm.s32 $0x5A00  }
0x4ec: {  	[tilespmem:s25], [sflag:$0x1] =	stream.indirect_vreg.gather [hbm4b:s15+s3], $0x80, v23, vm0, $0xb8;
	[tilespmem:$0x18280] =	vst v63  }
0x4ed: {  	s25 =	simm.s32 $0x6200  }
0x4ee: {  	[tilespmem:s25], [sflag:$0x1] =	stream.indirect_vreg.gather [hbm4b:s16+s3], $0x80, v23, vm0, $0xb8;
	[tilespmem:$0x18280] =	vst v63  }
0x4ef: {  	v22 =	vperm.xlane v22, v2;
	s25 =	simm.s32 $0x6A00  }
0x4f0: {  	[tilespmem:s25], [sflag:$0x1] =	stream.indirect_vreg.gather [hbm4b:s17+s3], $0x80, v23, vm0, $0xb8;
	[tilespmem:$0x18280] =	vst v63  }
0x4f1: {  	v22 =	vadd.s32 v1, v22;
	s25 =	simm.s32 $0x7200  }
0x4f2: {  	[tilespmem:s25], [sflag:$0x1] =	stream.indirect_vreg.gather [hbm4b:s18+s3], $0x80, v23, vm0, $0xb8;
	[tilespmem:$0x18280] =	vst v63  }
0x4f3: {  	s25 =	simm.s32 $0x7A00  }
0x4f4: {  	[tilespmem:s25], [sflag:$0x1] =	stream.indirect_vreg.gather [hbm4b:s19+s3], $0x80, v23, vm0, $0xb8;
	[tilespmem:$0x18280] =	vst v63  }
0x4f5: {  	s25 =	simm.s32 $0x8200  }
0x4f6: {  	[tilespmem:s25], [sflag:$0x1] =	stream.indirect_vreg.gather [hbm4b:s2+s3], $0x80, v22, vm0, $0xb8;
	[tilespmem:$0x18280] =	vst v63  }
0x4f7: {  	s25 =	simm.s32 $0x8A00  }
0x4f8: {  	[tilespmem:s25], [sflag:$0x1] =	stream.indirect_vreg.gather [hbm4b:s5+s3], $0x80, v22, vm0, $0xb8;
	[tilespmem:$0x18280] =	vst v63  }
0x4f9: {  	s25 =	simm.s32 $0x9200  }
0x4fa: {  	[tilespmem:s25], [sflag:$0x1] =	stream.indirect_vreg.gather [hbm4b:s6+s3], $0x80, v22, vm0, $0xb8;
	[tilespmem:$0x18280] =	vst v63  }
0x4fb: {  	s25 =	simm.s32 $0x9A00  }
0x4fc: {  	[tilespmem:s25], [sflag:$0x1] =	stream.indirect_vreg.gather [hbm4b:s7+s3], $0x80, v22, vm0, $0xb8;
	[tilespmem:$0x18280] =	vst v63  }
0x4fd: {  	s25 =	simm.s32 $0xA200  }
0x4fe: {  	[tilespmem:s25], [sflag:$0x1] =	stream.indirect_vreg.gather [hbm4b:s8+s3], $0x80, v22, vm0, $0xb8;
	[tilespmem:$0x18280] =	vst v63  }
0x4ff: {  	s25 =	simm.s32 $0xAA00  }
0x500: {  	[tilespmem:s25], [sflag:$0x1] =	stream.indirect_vreg.gather [hbm4b:s9+s3], $0x80, v22, vm0, $0xb8;
	[tilespmem:$0x18280] =	vst v63  }
0x501: {  	s25 =	simm.s32 $0xB200  }
0x502: {  	[tilespmem:s25], [sflag:$0x1] =	stream.indirect_vreg.gather [hbm4b:s10+s3], $0x80, v22, vm0, $0xb8;
	[tilespmem:$0x18280] =	vst v63  }
0x503: {  	s25 =	simm.s32 $0xBA00  }
0x504: {  	[tilespmem:s25], [sflag:$0x1] =	stream.indirect_vreg.gather [hbm4b:s11+s3], $0x80, v22, vm0, $0xb8;
	[tilespmem:$0x18280] =	vst v63  }
0x505: {  	s25 =	simm.s32 $0xC200  }
0x506: {  	[tilespmem:s25], [sflag:$0x1] =	stream.indirect_vreg.gather [hbm4b:s12+s3], $0x80, v22, vm0, $0xb8;
	[tilespmem:$0x18280] =	vst v63  }
0x507: {  	s25 =	simm.s32 $0xCA00  }
0x508: {  	[tilespmem:s25], [sflag:$0x1] =	stream.indirect_vreg.gather [hbm4b:s13+s3], $0x80, v22, vm0, $0xb8;
	[tilespmem:$0x18280] =	vst v63  }
0x509: {  	s25 =	simm.s32 $0xD200  }
0x50a: {  	[tilespmem:s25], [sflag:$0x1] =	stream.indirect_vreg.gather [hbm4b:s14+s3], $0x80, v22, vm0, $0xb8;
	[tilespmem:$0x18280] =	vst v63  }
0x50b: {  	s25 =	simm.s32 $0xDA00  }
0x50c: {  	[tilespmem:s25], [sflag:$0x1] =	stream.indirect_vreg.gather [hbm4b:s15+s3], $0x80, v22, vm0, $0xb8;
	[tilespmem:$0x18280] =	vst v63  }
0x50d: {  	s25 =	simm.s32 $0xE200  }
0x50e: {  	[tilespmem:s25], [sflag:$0x1] =	stream.indirect_vreg.gather [hbm4b:s16+s3], $0x80, v22, vm0, $0xb8;
	[tilespmem:$0x18280] =	vst v63  }
0x50f: {  	s25 =	simm.s32 $0xEA00  }
0x510: {  	[tilespmem:s25], [sflag:$0x1] =	stream.indirect_vreg.gather [hbm4b:s17+s3], $0x80, v22, vm0, $0xb8;
	[tilespmem:$0x18280] =	vst v63  }
0x511: {  	s25 =	simm.s32 $0xF200  }
0x512: {  	[tilespmem:s25], [sflag:$0x1] =	stream.indirect_vreg.gather [hbm4b:s18+s3], $0x80, v22, vm0, $0xb8;
	[tilespmem:$0x18280] =	vst v63  }
0x513: {  	s25 =	simm.s32 $0xFA00  }
0x514: {  	[tilespmem:s25], [sflag:$0x1] =	stream.indirect_vreg.gather [hbm4b:s19+s3], $0x80, v22, vm0, $0xb8;
	[tilespmem:$0x18280] =	vst v63  }
0x515: {  	v22 =	vld [tilespmem:$0x1D0];
	_ =	sdelay $0x4  }
0x516: {  	v22 =	vnsel vm1, $0x0, v22  }
0x517: {  	v56 =	vshll.u32 v22, $0x3  }
0x518: {  	v22 =	vand.u32 $0x7F, v22;
	v23 =	vand.u32 $0xFFFFFC00, v56  }
0x519: {  	v22 =	vor.u32 v23, v22  }
0x51a: {  	v22 =	vor.u32 v4, v22;
	_ =	sdelay $0x3  }
0x51b: {  	s25 =	rddreg [dreg:$0x16]  }
0x51c: {  	v22 =	vld.idx.msk [tilespmem:v22+s21+$0x0], $0xffff;
	[hbm4b:s25+s3] =	stream.linear.scatter [tilespmem:s21], [sflag:$0x4], $0x8000, $0x38  }
0x51d: {  	_ =	swait.ge [sflag:s0], $0x10000  }
0x51e: {  	[sflag:s0] =	ssyncset.done $0x0  }
0x51f: {  	[sflag:s0] =	ssyncadd.s32 $0xFFFF0000  }
0x520: {  	_ =	swait.ge [sflag:s23], $0x8000  }
0x521: {  	[sflag:s23] =	ssyncset.done $0x0  }
0x522: {  	[sflag:s23] =	ssyncadd.s32 $0xFFFF8000  }
0x523: {  	v57 =	vld.msk [tilespmem:$0xE8], $0xff;
	_ =	sdelay $0x4  }
0x524: {  	v24 =	vshll.u32 v57, $0x5  }
0x525: {  	v23 =	vand.u32 $0x7, v57;
	v24 =	vand.u32 $0xFFFFFF00, v24  }
0x526: {  	v23 =	vor.u32 v23, v24  }
0x527: {  	v23 =	vperm.xlane v23, v0;
	_ =	sdelay $0x1  }
0x528: {  	v23 =	vadd.s32 v1, v23;
	_ =	sdelay $0x4  }
0x529: {  	[tilespmem:s21], [sflag:$0x2] =	stream.indirect_vreg.gather [hbm4b:s2+s3], $0x80, v23, vm0, $0xb8;
	[tilespmem:$0x18280] =	vst v63  }
0x52a: {  	s1 =	simm.s32 $0x10A00  }
0x52b: {  	[tilespmem:s1], [sflag:$0x2] =	stream.indirect_vreg.gather [hbm4b:s5+s3], $0x80, v23, vm0, $0xb8;
	[tilespmem:$0x18280] =	vst v63  }
0x52c: {  	s20 =	simm.s32 $0x11200  }
0x52d: {  	[tilespmem:s20], [sflag:$0x2] =	stream.indirect_vreg.gather [hbm4b:s6+s3], $0x80, v23, vm0, $0xb8;
	[tilespmem:$0x18280] =	vst v63  }
0x52e: {  	s26 =	simm.s32 $0x11A00  }
0x52f: {  	[tilespmem:s26], [sflag:$0x2] =	stream.indirect_vreg.gather [hbm4b:s7+s3], $0x80, v23, vm0, $0xb8;
	[tilespmem:$0x18280] =	vst v63  }
0x530: {  	s28 =	simm.s32 $0x12200  }
0x531: {  	[tilespmem:s28], [sflag:$0x2] =	stream.indirect_vreg.gather [hbm4b:s8+s3], $0x80, v23, vm0, $0xb8;
	[tilespmem:$0x18280] =	vst v63  }
0x532: {  	s29 =	simm.s32 $0x12A00  }
0x533: {  	[tilespmem:s29], [sflag:$0x2] =	stream.indirect_vreg.gather [hbm4b:s9+s3], $0x80, v23, vm0, $0xb8;
	[tilespmem:$0x18280] =	vst v63  }
0x534: {  	s30 =	simm.s32 $0x13200  }
0x535: {  	[tilespmem:s30], [sflag:$0x2] =	stream.indirect_vreg.gather [hbm4b:s10+s3], $0x80, v23, vm0, $0xb8;
	[tilespmem:$0x18280] =	vst v63  }
0x536: {  	s31 =	simm.s32 $0x13A00  }
0x537: {  	[tilespmem:s31], [sflag:$0x2] =	stream.indirect_vreg.gather [hbm4b:s11+s3], $0x80, v23, vm0, $0xb8;
	[tilespmem:$0x18280] =	vst v63  }
0x538: {  	s31 =	simm.s32 $0x14200  }
0x539: {  	[tilespmem:s31], [sflag:$0x2] =	stream.indirect_vreg.gather [hbm4b:s12+s3], $0x80, v23, vm0, $0xb8;
	[tilespmem:$0x18280] =	vst v63  }
0x53a: {  	s20 =	simm.s32 $0x14A00  }
0x53b: {  	[tilespmem:s20], [sflag:$0x2] =	stream.indirect_vreg.gather [hbm4b:s13+s3], $0x80, v23, vm0, $0xb8;
	[tilespmem:$0x18280] =	vst v63  }
0x53c: {  	s25 =	simm.s32 $0x15200  }
0x53d: {  	[tilespmem:s25], [sflag:$0x2] =	stream.indirect_vreg.gather [hbm4b:s14+s3], $0x80, v23, vm0, $0xb8;
	[tilespmem:$0x18280] =	vst v63  }
0x53e: {  	s26 =	simm.s32 $0x15A00  }
0x53f: {  	[tilespmem:s26], [sflag:$0x2] =	stream.indirect_vreg.gather [hbm4b:s15+s3], $0x80, v23, vm0, $0xb8;
	[tilespmem:$0x18280] =	vst v63  }
0x540: {  	s28 =	simm.s32 $0x16200  }
0x541: {  	[tilespmem:s28], [sflag:$0x2] =	stream.indirect_vreg.gather [hbm4b:s16+s3], $0x80, v23, vm0, $0xb8;
	[tilespmem:$0x18280] =	vst v63  }
0x542: {  	s29 =	simm.s32 $0x16A00  }
0x543: {  	[tilespmem:s29], [sflag:$0x2] =	stream.indirect_vreg.gather [hbm4b:s17+s3], $0x80, v23, vm0, $0xb8;
	[tilespmem:$0x18280] =	vst v63  }
0x544: {  	s30 =	simm.s32 $0x17200  }
0x545: {  	[tilespmem:s30], [sflag:$0x2] =	stream.indirect_vreg.gather [hbm4b:s18+s3], $0x80, v23, vm0, $0xb8;
	[tilespmem:$0x18280] =	vst v63  }
0x546: {  	s31 =	simm.s32 $0x17A00  }
0x547: {  	[tilespmem:s31], [sflag:$0x2] =	stream.indirect_vreg.gather [hbm4b:s19+s3], $0x80, v23, vm0, $0xb8;
	[tilespmem:$0x18280] =	vst v63  }
0x548: {  	v23 =	vld [tilespmem:$0x1D8];
	_ =	sdelay $0x4  }
0x549: {  	v58 =	vshll.u32 v23, $0x3  }
0x54a: {  	v23 =	vand.u32 $0x7F, v23;
	v24 =	vand.u32 $0xFFFFFC00, v58  }
0x54b: {  	v23 =	vor.u32 v23, v24  }
0x54c: {  	v23 =	vadd.s32 v3, v23;
	_ =	sdelay $0x3  }
0x54d: {  	s1 =	rddreg [dreg:$0x17]  }
0x54e: {  	v23 =	vld.idx.msk [tilespmem:v23+s24+$0x0], $0xffff;
	[hbm4b:s1+s3] =	stream.linear.scatter [tilespmem:s24], [sflag:$0x3], $0x10000, $0x38  }
0x54f: {  	_ =	swait.ge [sflag:s22], $0x8000  }
0x550: {  	[sflag:s22] =	ssyncset.done $0x0  }
0x551: {  	[sflag:s22] =	ssyncadd.s32 $0xFFFF8000  }
0x552: {  	_ =	swait.ge [sflag:s4], $0x10000  }
0x553: {  	[sflag:s4] =	ssyncset.done $0x0  }
0x554: {  	[sflag:s4] =	ssyncadd.s32 $0xFFFF0000  }
0x555: {  	v59 =	vld [tilespmem:$0xF0];
	_ =	sdelay $0x4  }
0x556: {  	v25 =	vshll.u32 v59, $0x5  }
0x557: {  	v24 =	vand.u32 $0x7, v59;
	v25 =	vand.u32 $0xFFFFFF00, v25  }
0x558: {  	v24 =	vor.u32 v24, v25  }
0x559: {  	v25 =	vperm.xlane v24, v0;
	_ =	sdelay $0x1  }
0x55a: {  	v25 =	vadd.s32 v1, v25;
	_ =	sdelay $0x4  }
0x55b: {  	[tilespmem:s24], [sflag:$0x1] =	stream.indirect_vreg.gather [hbm4b:s2+s3], $0x80, v25, vm0, $0xb8;
	[tilespmem:$0x18280] =	vst v63  }
0x55c: {  	s20 =	simm.s32 $0xA00  }
0x55d: {  	[tilespmem:s20], [sflag:$0x1] =	stream.indirect_vreg.gather [hbm4b:s5+s3], $0x80, v25, vm0, $0xb8;
	[tilespmem:$0x18280] =	vst v63  }
0x55e: {  	s25 =	simm.s32 $0x1200  }
0x55f: {  	[tilespmem:s25], [sflag:$0x1] =	stream.indirect_vreg.gather [hbm4b:s6+s3], $0x80, v25, vm0, $0xb8;
	[tilespmem:$0x18280] =	vst v63  }
0x560: {  	s26 =	simm.s32 $0x1A00  }
0x561: {  	[tilespmem:s26], [sflag:$0x1] =	stream.indirect_vreg.gather [hbm4b:s7+s3], $0x80, v25, vm0, $0xb8;
	[tilespmem:$0x18280] =	vst v63  }
0x562: {  	s28 =	simm.s32 $0x2200  }
0x563: {  	[tilespmem:s28], [sflag:$0x1] =	stream.indirect_vreg.gather [hbm4b:s8+s3], $0x80, v25, vm0, $0xb8;
	[tilespmem:$0x18280] =	vst v63  }
0x564: {  	s29 =	simm.s32 $0x2A00  }
0x565: {  	[tilespmem:s29], [sflag:$0x1] =	stream.indirect_vreg.gather [hbm4b:s9+s3], $0x80, v25, vm0, $0xb8;
	[tilespmem:$0x18280] =	vst v63  }
0x566: {  	s30 =	simm.s32 $0x3200  }
0x567: {  	[tilespmem:s30], [sflag:$0x1] =	stream.indirect_vreg.gather [hbm4b:s10+s3], $0x80, v25, vm0, $0xb8;
	[tilespmem:$0x18280] =	vst v63  }
0x568: {  	s31 =	simm.s32 $0x3A00  }
0x569: {  	[tilespmem:s31], [sflag:$0x1] =	stream.indirect_vreg.gather [hbm4b:s11+s3], $0x80, v25, vm0, $0xb8;
	[tilespmem:$0x18280] =	vst v63  }
0x56a: {  	s25 =	simm.s32 $0x4200  }
0x56b: {  	[tilespmem:s25], [sflag:$0x1] =	stream.indirect_vreg.gather [hbm4b:s12+s3], $0x80, v25, vm0, $0xb8;
	[tilespmem:$0x18280] =	vst v63  }
0x56c: {  	s26 =	simm.s32 $0x4A00  }
0x56d: {  	[tilespmem:s26], [sflag:$0x1] =	stream.indirect_vreg.gather [hbm4b:s13+s3], $0x80, v25, vm0, $0xb8;
	[tilespmem:$0x18280] =	vst v63  }
0x56e: {  	s28 =	simm.s32 $0x5200  }
0x56f: {  	[tilespmem:s28], [sflag:$0x1] =	stream.indirect_vreg.gather [hbm4b:s14+s3], $0x80, v25, vm0, $0xb8;
	[tilespmem:$0x18280] =	vst v63  }
0x570: {  	s29 =	simm.s32 $0x5A00  }
0x571: {  	[tilespmem:s29], [sflag:$0x1] =	stream.indirect_vreg.gather [hbm4b:s15+s3], $0x80, v25, vm0, $0xb8;
	[tilespmem:$0x18280] =	vst v63  }
0x572: {  	s30 =	simm.s32 $0x6200  }
0x573: {  	[tilespmem:s30], [sflag:$0x1] =	stream.indirect_vreg.gather [hbm4b:s16+s3], $0x80, v25, vm0, $0xb8;
	[tilespmem:$0x18280] =	vst v63  }
0x574: {  	v24 =	vperm.xlane v24, v2;
	s31 =	simm.s32 $0x6A00  }
0x575: {  	[tilespmem:s31], [sflag:$0x1] =	stream.indirect_vreg.gather [hbm4b:s17+s3], $0x80, v25, vm0, $0xb8;
	[tilespmem:$0x18280] =	vst v63  }
0x576: {  	v24 =	vadd.s32 v1, v24;
	s25 =	simm.s32 $0x7200  }
0x577: {  	[tilespmem:s25], [sflag:$0x1] =	stream.indirect_vreg.gather [hbm4b:s18+s3], $0x80, v25, vm0, $0xb8;
	[tilespmem:$0x18280] =	vst v63  }
0x578: {  	s26 =	simm.s32 $0x7A00  }
0x579: {  	[tilespmem:s26], [sflag:$0x1] =	stream.indirect_vreg.gather [hbm4b:s19+s3], $0x80, v25, vm0, $0xb8;
	[tilespmem:$0x18280] =	vst v63  }
0x57a: {  	s28 =	simm.s32 $0x8200  }
0x57b: {  	[tilespmem:s28], [sflag:$0x1] =	stream.indirect_vreg.gather [hbm4b:s2+s3], $0x80, v24, vm0, $0xb8;
	[tilespmem:$0x18280] =	vst v63  }
0x57c: {  	s29 =	simm.s32 $0x8A00  }
0x57d: {  	[tilespmem:s29], [sflag:$0x1] =	stream.indirect_vreg.gather [hbm4b:s5+s3], $0x80, v24, vm0, $0xb8;
	[tilespmem:$0x18280] =	vst v63  }
0x57e: {  	s30 =	simm.s32 $0x9200  }
0x57f: {  	[tilespmem:s30], [sflag:$0x1] =	stream.indirect_vreg.gather [hbm4b:s6+s3], $0x80, v24, vm0, $0xb8;
	[tilespmem:$0x18280] =	vst v63  }
0x580: {  	s31 =	simm.s32 $0x9A00  }
0x581: {  	[tilespmem:s31], [sflag:$0x1] =	stream.indirect_vreg.gather [hbm4b:s7+s3], $0x80, v24, vm0, $0xb8;
	[tilespmem:$0x18280] =	vst v63  }
0x582: {  	s25 =	simm.s32 $0xA200  }
0x583: {  	[tilespmem:s25], [sflag:$0x1] =	stream.indirect_vreg.gather [hbm4b:s8+s3], $0x80, v24, vm0, $0xb8;
	[tilespmem:$0x18280] =	vst v63  }
0x584: {  	s26 =	simm.s32 $0xAA00  }
0x585: {  	[tilespmem:s26], [sflag:$0x1] =	stream.indirect_vreg.gather [hbm4b:s9+s3], $0x80, v24, vm0, $0xb8;
	[tilespmem:$0x18280] =	vst v63  }
0x586: {  	s28 =	simm.s32 $0xB200  }
0x587: {  	[tilespmem:s28], [sflag:$0x1] =	stream.indirect_vreg.gather [hbm4b:s10+s3], $0x80, v24, vm0, $0xb8;
	[tilespmem:$0x18280] =	vst v63  }
0x588: {  	s29 =	simm.s32 $0xBA00  }
0x589: {  	[tilespmem:s29], [sflag:$0x1] =	stream.indirect_vreg.gather [hbm4b:s11+s3], $0x80, v24, vm0, $0xb8;
	[tilespmem:$0x18280] =	vst v63  }
0x58a: {  	s30 =	simm.s32 $0xC200  }
0x58b: {  	[tilespmem:s30], [sflag:$0x1] =	stream.indirect_vreg.gather [hbm4b:s12+s3], $0x80, v24, vm0, $0xb8;
	[tilespmem:$0x18280] =	vst v63  }
0x58c: {  	s31 =	simm.s32 $0xCA00  }
0x58d: {  	[tilespmem:s31], [sflag:$0x1] =	stream.indirect_vreg.gather [hbm4b:s13+s3], $0x80, v24, vm0, $0xb8;
	[tilespmem:$0x18280] =	vst v63  }
0x58e: {  	s25 =	simm.s32 $0xD200  }
0x58f: {  	[tilespmem:s25], [sflag:$0x1] =	stream.indirect_vreg.gather [hbm4b:s14+s3], $0x80, v24, vm0, $0xb8;
	[tilespmem:$0x18280] =	vst v63  }
0x590: {  	s26 =	simm.s32 $0xDA00  }
0x591: {  	[tilespmem:s26], [sflag:$0x1] =	stream.indirect_vreg.gather [hbm4b:s15+s3], $0x80, v24, vm0, $0xb8;
	[tilespmem:$0x18280] =	vst v63  }
0x592: {  	s28 =	simm.s32 $0xE200  }
0x593: {  	[tilespmem:s28], [sflag:$0x1] =	stream.indirect_vreg.gather [hbm4b:s16+s3], $0x80, v24, vm0, $0xb8;
	[tilespmem:$0x18280] =	vst v63  }
0x594: {  	s29 =	simm.s32 $0xEA00  }
0x595: {  	[tilespmem:s29], [sflag:$0x1] =	stream.indirect_vreg.gather [hbm4b:s17+s3], $0x80, v24, vm0, $0xb8;
	[tilespmem:$0x18280] =	vst v63  }
0x596: {  	s30 =	simm.s32 $0xF200  }
0x597: {  	[tilespmem:s30], [sflag:$0x1] =	stream.indirect_vreg.gather [hbm4b:s18+s3], $0x80, v24, vm0, $0xb8;
	[tilespmem:$0x18280] =	vst v63  }
0x598: {  	s31 =	simm.s32 $0xFA00  }
0x599: {  	v5 =	vadd.f32 $0.0e+00, v5;
	[tilespmem:s31], [sflag:$0x1] =	stream.indirect_vreg.gather [hbm4b:s19+s3], $0x80, v24, vm0, $0xb8;
	[tilespmem:$0x18280] =	vst v63  }
0x59a: {  	v6 =	vnsel vm1, $0x0, v6;
	v24 =	vld [tilespmem:$0x1E8]  }
0x59b: {  	v5 =	vadd.f32 v6, v5;
	_ =	sdelay $0x1  }
0x59c: {  	v5 =	vadd.f32 v7, v5  }
0x59d: {  	v7 =	vnsel vm1, $0x0, v8  }
0x59e: {  	v5 =	vadd.f32 v7, v5;
	v6 =	vnsel vm1, $0x0, v24  }
0x59f: {  	v60 =	vshll.u32 v6, $0x3  }
0x5a0: {  	v5 =	vadd.f32 v9, v5;
	v6 =	vand.u32 $0x7F, v6;
	v7 =	vand.u32 $0xFFFFFC00, v60  }
0x5a1: {  	v6 =	vor.u32 v7, v6;
	v7 =	vnsel vm1, $0x0, v10  }
0x5a2: {  	v6 =	vor.u32 v4, v6;
	v5 =	vadd.f32 v7, v5;
	_ =	sdelay $0x1  }
0x5a3: {  	v5 =	vadd.f32 v11, v5  }
0x5a4: {  	v7 =	vnsel vm1, $0x0, v12  }
0x5a5: {  	s20 =	rddreg [dreg:$0x18];
	v5 =	vadd.f32 v7, v5  }
0x5a6: {  	v6 =	vld.idx.msk [tilespmem:v6+s21+$0x0], $0xffff;
	[hbm4b:s20+s3] =	stream.linear.scatter [tilespmem:s21], [sflag:$0x4], $0x8000, $0x38  }
0x5a7: {  	s1 =	rddreg [dreg:$0x1e];
	_ =	swait.ge [sflag:s0], $0x10000;
	v5 =	vadd.f32 v13, v5  }
0x5a8: {  	v7 =	vnsel vm1, $0x0, v14;
	[sflag:s0] =	ssyncset.done $0x0  }
0x5a9: {  	[sflag:s0] =	ssyncadd.s32 $0xFFFF0000;
	v5 =	vadd.f32 v7, v5  }
0x5aa: {  	_ =	swait.ge [sflag:s23], $0x8000  }
0x5ab: {  	[sflag:s23] =	ssyncset.done $0x0;
	v5 =	vadd.f32 v15, v5  }
0x5ac: {  	v7 =	vnsel vm1, $0x0, v16;
	[sflag:s23] =	ssyncadd.s32 $0xFFFF8000  }
0x5ad: {  	v61 =	vld [tilespmem:$0x1F0];
	v5 =	vadd.f32 v7, v5;
	_ =	sdelay $0x1  }
0x5ae: {  	v5 =	vadd.f32 v17, v5  }
0x5af: {  	v7 =	vnsel vm1, $0x0, v18  }
0x5b0: {  	v5 =	vadd.f32 v7, v5  }
0x5b1: {  	v7 =	vshll.u32 v61, $0x3  }
0x5b2: {  	v8 =	vand.u32 $0x7F, v61;
	v7 =	vand.u32 $0xFFFFFC00, v7;
	v5 =	vadd.f32 v19, v5  }
0x5b3: {  	v62 =	vnsel vm1, $0x0, v20;
	v7 =	vor.u32 v8, v7  }
0x5b4: {  	v7 =	vadd.s32 v3, v7;
	v5 =	vadd.f32 v62, v5;
	_ =	sdelay $0x1  }
0x5b5: {  	v5 =	vadd.f32 v21, v5  }
0x5b6: {  	v63 =	vnsel vm1, $0x0, v22  }
0x5b7: {  	v5 =	vadd.f32 v63, v5  }
0x5b8: {  	v7 =	vld.idx.msk [tilespmem:v7+s24+$0x0], $0xffff  }
0x5b9: {  	v5 =	vadd.f32 v23, v5  }
0x5ba: {  	s26 =	rddreg [dreg:$0x19];
	v6 =	vnsel vm1, $0x0, v6  }
0x5bb: {  	[hbm4b:s26+s3] =	stream.linear.scatter [tilespmem:s24], [sflag:$0x3], $0x10000, $0x38;
	v5 =	vadd.f32 v6, v5;
	[tilespmem:$0x18280] =	vst v63  }
0x5bc: {  	_ =	swait.ge [sflag:s4], $0x10000  }
0x5bd: {  	[sflag:s4] =	ssyncset.done $0x0;
	v5 =	vadd.f32 v7, v5  }
0x5be: {  	p0 =	sne.s32 s1, $0x1;
	s28 =	rddreg [dreg:$0x1a];
	[sflag:s4] =	ssyncadd.s32 $0xFFFF0000  }
.Ltmp0:
0x5bf: {  	s30 =	simm.s32 $0x5;
	s29 =	rddreg [dreg:$0x1c];
	[tilespmem:$0x18200] =	vst v5;
	(pc) =	sbr.rel @p0 .LBB2_1-.Ltmp0, $4  }
0x5c0: {  	[hbm4b:s28+s3] =	stream.linear.scatter [tilespmem:s29], [sflag:$0x5], $0x80, $0x38;
	[tilespmem:$0x18280] =	vst v63  }
0x5c1: {  	_ =	swait.ge [sflag:s30], $0x80  }
0x5c2: {  	s31 =	simm.s32 $0x5;
	[sflag:s30] =	ssyncset.done $0x0  }
0x5c3: {  	s1 =	sadd.s32 $0xFFFFFFFF, s1;
	[sflag:s31] =	ssyncadd.s32 $0xFFFFFF80  }
0x5c4: {  	_ =	sfence.sel $0x180000  }
0x5c5: {  	[bflag:$0x0] =	sbarrier.arrive $0xFFFF  }
0x5c6: {  	_ =	strace $0x90000047  }
0x5c7: {  	s0 =	stileid.u32;
	[bflag:$0x2] =	sbarrier.arrive $0xFFFF  }
0x5c8: {  	p0 =	sne.s32 s0, $0x0;
	s0 =	rddreg [dreg:$0x3]  }
0x5c9: {  	s0 =	sadd.s32 @!p0 $0x100000, s0  }
0x5ca: {  	[sflag:s0] =	ssyncadd.tile.s32 @!p0 $0x1;
	_ =	shalt  }
.Lfunc_end2:
_tile_overlayer_lowered:
.L_overlay_start_2:
0x5cb: {  	(tag) =	ssettag $0x2  }
0x5cc: {  	s0 =	rddreg [dreg:$0x0];
	s2 =	stileid.u32  }
0x5cd: {  	s1 =	rddreg [dreg:$0x1];
	p0 =	sne.s32 s2, $0x0  }
0x5ce: {  	s3 =	rddreg [dreg:$0x2];
	[bflag:$0x3] =	sbarrier.arrive $0xFFFF;
	s2 =	simm.s32 @!p0 $0x1C05  }
0x5cf: {  	[timem:s3], [sflag:s2] =	dma.local @!p0 [hbm:s0], s1  }
0x5d0: {  	s0 =	simm.s32 @!p0 $0x5  }
0x5d1: {  	_ =	swait.ge @!p0 [sflag:s0], s1  }
0x5d2: {  	s1 =	ssub.s32 @!p0 $0x0, s1;
	[sflag:s0] =	ssyncset.done @!p0 $0x0  }
0x5d3: {  	[sflag:s0] =	ssyncadd.s32 @!p0 s1  }
0x5d4: {  	[bflag:$0x3] =	sbarrier.arrive $0xFFFF  }
0x5d5: {  	_ =	shalt  }

</sc_bundles>
